<compile_context>
chip_gen: v7x
topology: tpu7x:2x2x1
jax: 0.10.2.dev20260603
libtpu: 0.0.44.dev20260713+nightly
codegen_flags: <defaults>
</compile_context>

<pallas_src>
import functools

import jax
import jax.numpy as jnp
from jax import lax
from jax.experimental import pallas as pl
from jax.experimental.pallas import tpu as pltpu
from jax.experimental.pallas import tpu_sc as plsc

B, N, P, D = 2, 50000, 2, 128
NC, NS, L = 2, 16, 16
NW = NC * NS
C = 48
NCHUNKS = -(-N // C)
ITERS = -(-NCHUNKS // NW)
PAIRS = (ITERS + 1) // 2
DV = D // L
R = C * P


def _sc_body(x_hbm, in_deg_hbm, out_deg_hbm, in_tbl_hbm, out_tbl_hbm, out_hbm,
             idxi0, idxo0, idxi1, idxo1,
             inr0, outr0, inr1, outr1,
             xi00, xi10, xi01, xi11,
             xo00, xo10, xo01, xo11,
             isem0, isem1, gsem0, gsem1, osem0, osem1):
    wid = lax.axis_index("s") * NC + lax.axis_index("c")

    def cid(it):
        return wid + it * NW

    def cond(it):
        return cid(it) < NCHUNKS

    def ibase(it):
        return jnp.minimum(cid(it) * C, N - C)

    def xbase(it, b):
        return b * N * P + ibase(it) * P

    slots = [
        (idxi0, idxo0, inr0, outr0, xi00, xi10, xo00, xo10,
         isem0, gsem0, osem0),
        (idxi1, idxo1, inr1, outr1, xi01, xi11, xo01, xo11,
         isem1, gsem1, osem1),
    ]

    def issue_idx(it, s):
        ii, io = slots[s][0], slots[s][1]
        isem = slots[s][8]

        @pl.when(cond(it))
        def _():
            pltpu.async_copy(in_deg_hbm.at[pl.ds(ibase(it), C)], ii, isem)
            pltpu.async_copy(out_deg_hbm.at[pl.ds(ibase(it), C)], io, isem)

    def wait_idx(s):
        ii, io = slots[s][0], slots[s][1]
        isem = slots[s][8]
        pltpu.make_async_copy(in_deg_hbm.at[pl.ds(0, C)], ii, isem).wait()
        pltpu.make_async_copy(out_deg_hbm.at[pl.ds(0, C)], io, isem).wait()

    def issue_in(it, s):
        ii, io, inr, outr, xi0, xi1 = slots[s][:6]
        gsem = slots[s][9]
        pltpu.async_copy(in_tbl_hbm.at[ii], inr, gsem)
        pltpu.async_copy(out_tbl_hbm.at[io], outr, gsem)
        pltpu.async_copy(x_hbm.at[pl.ds(xbase(it, 0), R)], xi0, gsem)
        pltpu.async_copy(x_hbm.at[pl.ds(xbase(it, 1), R)], xi1, gsem)

    def wait_in(s):
        ii, io, inr, outr, xi0, xi1 = slots[s][:6]
        gsem = slots[s][9]
        pltpu.make_async_copy(in_tbl_hbm.at[ii], inr, gsem).wait()
        pltpu.make_async_copy(out_tbl_hbm.at[io], outr, gsem).wait()
        pltpu.make_async_copy(x_hbm.at[pl.ds(0, R)], xi0, gsem).wait()
        pltpu.make_async_copy(x_hbm.at[pl.ds(0, R)], xi1, gsem).wait()

    def compute(s):
        _, _, inr, outr, xi0, xi1, xo0, xo1 = slots[s][:8]

        @plsc.parallel_loop(0, C, step=1, unroll=4)
        def _node(n):
            for j in range(DV):
                sl = pl.ds(j * L, L)
                e = inr[n, sl] + outr[n, sl]
                for p in range(P):
                    r = n * P + p
                    xo0[r, sl] = xi0[r, sl] + e
                    xo1[r, sl] = xi1[r, sl] + e

    def issue_out(it, s):
        xo0, xo1 = slots[s][6], slots[s][7]
        osem = slots[s][10]
        pltpu.async_copy(xo0, out_hbm.at[pl.ds(xbase(it, 0), R)], osem)
        pltpu.async_copy(xo1, out_hbm.at[pl.ds(xbase(it, 1), R)], osem)

    def wait_out(s):
        xo0, xo1 = slots[s][6], slots[s][7]
        osem = slots[s][10]
        pltpu.make_async_copy(xo0, out_hbm.at[pl.ds(0, R)], osem).wait()
        pltpu.make_async_copy(xo1, out_hbm.at[pl.ds(0, R)], osem).wait()

    for it in (0, 1):
        ii, io = slots[it][0], slots[it][1]
        pltpu.sync_copy(in_deg_hbm.at[pl.ds(ibase(it), C)], ii)
        pltpu.sync_copy(out_deg_hbm.at[pl.ds(ibase(it), C)], io)
        issue_in(it, it)

    def process(it, s):
        @pl.when(cond(it))
        def _():
            wait_in(s)
            issue_idx(it + 2, s)
            compute(s)
            issue_out(it, s)

        @pl.when(cond(it + 2))
        def _():
            wait_idx(s)
            issue_in(it + 2, s)

    def pair_body(k, carry):
        it0 = 2 * k

        @pl.when(jnp.logical_and(it0 > 0, cond(it0 - 2)))
        def _():
            wait_out(0)

        @pl.when(jnp.logical_and(it0 > 0, cond(it0 - 1)))
        def _():
            wait_out(1)

        process(it0, 0)
        process(it0 + 1, 1)
        return carry

    lax.fori_loop(0, PAIRS, pair_body, 0)

    @pl.when(cond(2 * PAIRS - 2))
    def _():
        wait_out(0)

    @pl.when(cond(2 * PAIRS - 1))
    def _():
        wait_out(1)


@jax.jit
def _run(x_flat, in_degree, out_degree, in_table, out_table):
    mesh = plsc.VectorSubcoreMesh(core_axis_name="c", subcore_axis_name="s")
    return pl.kernel(
        _sc_body,
        out_type=jax.ShapeDtypeStruct((B * N * P, D), jnp.float32),
        mesh=mesh,
        scratch_types=[
            pltpu.VMEM((C,), jnp.int32),
            pltpu.VMEM((C,), jnp.int32),
            pltpu.VMEM((C,), jnp.int32),
            pltpu.VMEM((C,), jnp.int32),
            pltpu.VMEM((C, D), jnp.float32),
            pltpu.VMEM((C, D), jnp.float32),
            pltpu.VMEM((C, D), jnp.float32),
            pltpu.VMEM((C, D), jnp.float32),
            pltpu.VMEM((R, D), jnp.float32),
            pltpu.VMEM((R, D), jnp.float32),
            pltpu.VMEM((R, D), jnp.float32),
            pltpu.VMEM((R, D), jnp.float32),
            pltpu.VMEM((R, D), jnp.float32),
            pltpu.VMEM((R, D), jnp.float32),
            pltpu.VMEM((R, D), jnp.float32),
            pltpu.VMEM((R, D), jnp.float32),
            pltpu.SemaphoreType.DMA,
            pltpu.SemaphoreType.DMA,
            pltpu.SemaphoreType.DMA,
            pltpu.SemaphoreType.DMA,
            pltpu.SemaphoreType.DMA,
            pltpu.SemaphoreType.DMA,
        ],
    )(x_flat, in_degree, out_degree, in_table, out_table)


def kernel(x, in_degree, out_degree, in_table, out_table):
    x_flat = x.reshape(B * N * P, D)
    out = _run(x_flat, in_degree.astype(jnp.int32), out_degree.astype(jnp.int32),
               in_table, out_table)
    return out.reshape(B, N, P, D)

# --- scband reference (transcript-rebuilt; emitter-appended) ---
"""Pipeline reference for scband-graph-node-feature-56719338111235 (READ-ONLY COPY).

The authoritative reference and input builder live on the scoring server;
editing this copy changes nothing except your own understanding.
"""

import jax, jax.numpy as jnp
import numpy as np

B, N, P, D = 2, 50000, 2, 128
NUM_IN_DEG = 512
NUM_OUT_DEG = 512


def setup_inputs(seed: int = 0) -> dict:
    key = jax.random.key(seed)
    k1, k2, k3, k4, k5 = jax.random.split(key, 5)
    x = jax.random.normal(k1, (B, N, P, D), dtype=jnp.float32)
    in_degree = jax.random.randint(k2, (N,), 0, NUM_IN_DEG, dtype=jnp.int64 if jax.config.jax_enable_x64 else jnp.int32)
    out_degree = jax.random.randint(k3, (N,), 0, NUM_OUT_DEG, dtype=jnp.int64 if jax.config.jax_enable_x64 else jnp.int32)
    # Embedding tables, init normal(0, 0.02), padding_idx=0 row zeroed
    in_table = 0.02 * jax.random.normal(k4, (NUM_IN_DEG, D), dtype=jnp.float32)
    in_table = in_table.at[0].set(0.0)
    out_table = 0.02 * jax.random.normal(k5, (NUM_OUT_DEG, D), dtype=jnp.float32)
    out_table = out_table.at[0].set(0.0)
    return {"x": x, "in_degree": in_degree, "out_degree": out_degree, "in_table": in_table, "out_table": out_table}


def reference(x, in_degree, out_degree, in_table, out_table):
    # in_degree_encoder(in_degree): [N, D] gather
    in_emb = jnp.take(in_table, in_degree, axis=0)   # [N, D]
    out_emb = jnp.take(out_table, out_degree, axis=0)  # [N, D]
    # unsqueeze(0).unsqueeze(2) -> [1, N, 1, D]
    node_feature = x + in_emb[None, :, None, :] + out_emb[None, :, None, :]
    return node_feature

if __name__ == "__main__":
    import jax
    _d = setup_inputs()
    print(jax.jit(kernel)(*tuple(_d.values())))

</pallas_src>

<mosaic_0001>
#map = affine_map<(d0, d1) -> (0, 0)>
#map1 = affine_map<(d0, d1) -> (0)>
module attributes {stable_mosaic.version = 14 : i64} {
  func.func @_sc_body(%arg0: i32, %arg1: i32, %arg2: memref<200000x128xf32, #tpu.memory_space<hbm>>, %arg3: memref<50000xi32, #tpu.memory_space<hbm>>, %arg4: memref<50000xi32, #tpu.memory_space<hbm>>, %arg5: memref<512x128xf32, #tpu.memory_space<hbm>>, %arg6: memref<512x128xf32, #tpu.memory_space<hbm>>, %arg7: memref<200000x128xf32, #tpu.memory_space<hbm>>, %arg8: memref<48xi32, #tpu.memory_space<vmem>>, %arg9: memref<48xi32, #tpu.memory_space<vmem>>, %arg10: memref<48xi32, #tpu.memory_space<vmem>>, %arg11: memref<48xi32, #tpu.memory_space<vmem>>, %arg12: memref<48x128xf32, #tpu.memory_space<vmem>>, %arg13: memref<48x128xf32, #tpu.memory_space<vmem>>, %arg14: memref<48x128xf32, #tpu.memory_space<vmem>>, %arg15: memref<48x128xf32, #tpu.memory_space<vmem>>, %arg16: memref<96x128xf32, #tpu.memory_space<vmem>>, %arg17: memref<96x128xf32, #tpu.memory_space<vmem>>, %arg18: memref<96x128xf32, #tpu.memory_space<vmem>>, %arg19: memref<96x128xf32, #tpu.memory_space<vmem>>, %arg20: memref<96x128xf32, #tpu.memory_space<vmem>>, %arg21: memref<96x128xf32, #tpu.memory_space<vmem>>, %arg22: memref<96x128xf32, #tpu.memory_space<vmem>>, %arg23: memref<96x128xf32, #tpu.memory_space<vmem>>, %arg24: memref<!tpu.dma_semaphore, #tpu.memory_space<semaphore_mem>>, %arg25: memref<!tpu.dma_semaphore, #tpu.memory_space<semaphore_mem>>, %arg26: memref<!tpu.dma_semaphore, #tpu.memory_space<semaphore_mem>>, %arg27: memref<!tpu.dma_semaphore, #tpu.memory_space<semaphore_mem>>, %arg28: memref<!tpu.dma_semaphore, #tpu.memory_space<semaphore_mem>>, %arg29: memref<!tpu.dma_semaphore, #tpu.memory_space<semaphore_mem>>) attributes {dimension_semantics = [#tpu.dimension_semantics<core_parallel>, #tpu.dimension_semantics<subcore_parallel>], iteration_bounds = array<i64: 2, 16>, scalar_prefetch = 0 : i64, scratch_operands = 22 : i64, tpu.core_type = #tpu.core_type<sc_vector_subcore>, window_params = [{transform_indices = #map}, {transform_indices = #map1}, {transform_indices = #map1}, {transform_indices = #map}, {transform_indices = #map}, {transform_indices = #map}]} {
    %mul3A = arith.constant 2 : i32
    %mul3A_0 = arith.muli %arg1, %mul3A : i32
    %add3A = arith.addi %mul3A_0, %arg0 : i32
    %add3A_1 = arith.constant 0 : i32
    %add3A_2 = arith.addi %add3A, %add3A_1 : i32
    %mul3A_3 = arith.constant 48 : i32
    %mul3A_4 = arith.muli %add3A_2, %mul3A_3 : i32
    %min3A = arith.constant 49952 : i32
    %min3A_5 = arith.minsi %mul3A_4, %min3A : i32
    "tpu.region"() ({
      %run_scoped3A = tpu.sem_alloc : memref<!tpu.dma_semaphore, #tpu.memory_space<semaphore_mem>>
      %dma_start3A_107 = tpu.memref_slice %arg3[%min3A_5] : memref<50000xi32, #tpu.memory_space<hbm>> -> memref<48xi32, #tpu.memory_space<hbm>>
      %dma_start3A_108 = tpu.memref_slice %arg3[%min3A_5] : memref<50000xi32, #tpu.memory_space<hbm>> -> memref<48xi32, #tpu.memory_space<hbm>>
      tpu.enqueue_dma source(%dma_start3A_108 : memref<48xi32, #tpu.memory_space<hbm>>) target(%arg8 : memref<48xi32, #tpu.memory_space<vmem>>) target_semaphore(%run_scoped3A : memref<!tpu.dma_semaphore, #tpu.memory_space<semaphore_mem>>)
      %dma_wait3A = tpu.memref_slice %arg3[%min3A_5] : memref<50000xi32, #tpu.memory_space<hbm>> -> memref<48xi32, #tpu.memory_space<hbm>>
      %dma_wait3A_109 = tpu.memref_slice %arg3[%min3A_5] : memref<50000xi32, #tpu.memory_space<hbm>> -> memref<48xi32, #tpu.memory_space<hbm>>
      tpu.wait_dma2 semaphore(%run_scoped3A : memref<!tpu.dma_semaphore, #tpu.memory_space<semaphore_mem>>) src(%dma_wait3A_109 : memref<48xi32, #tpu.memory_space<hbm>>) dst(%arg8 : memref<48xi32, #tpu.memory_space<vmem>>)
      tpu.yield
    }) : () -> ()
    %add3A_6 = arith.constant 0 : i32
    %add3A_7 = arith.addi %add3A, %add3A_6 : i32
    %mul3A_8 = arith.constant 48 : i32
    %mul3A_9 = arith.muli %add3A_7, %mul3A_8 : i32
    %min3A_10 = arith.constant 49952 : i32
    %min3A_11 = arith.minsi %mul3A_9, %min3A_10 : i32
    "tpu.region"() ({
      %run_scoped3A = tpu.sem_alloc : memref<!tpu.dma_semaphore, #tpu.memory_space<semaphore_mem>>
      %dma_start3A_107 = tpu.memref_slice %arg4[%min3A_11] : memref<50000xi32, #tpu.memory_space<hbm>> -> memref<48xi32, #tpu.memory_space<hbm>>
      %dma_start3A_108 = tpu.memref_slice %arg4[%min3A_11] : memref<50000xi32, #tpu.memory_space<hbm>> -> memref<48xi32, #tpu.memory_space<hbm>>
      tpu.enqueue_dma source(%dma_start3A_108 : memref<48xi32, #tpu.memory_space<hbm>>) target(%arg9 : memref<48xi32, #tpu.memory_space<vmem>>) target_semaphore(%run_scoped3A : memref<!tpu.dma_semaphore, #tpu.memory_space<semaphore_mem>>)
      %dma_wait3A = tpu.memref_slice %arg4[%min3A_11] : memref<50000xi32, #tpu.memory_space<hbm>> -> memref<48xi32, #tpu.memory_space<hbm>>
      %dma_wait3A_109 = tpu.memref_slice %arg4[%min3A_11] : memref<50000xi32, #tpu.memory_space<hbm>> -> memref<48xi32, #tpu.memory_space<hbm>>
      tpu.wait_dma2 semaphore(%run_scoped3A : memref<!tpu.dma_semaphore, #tpu.memory_space<semaphore_mem>>) src(%dma_wait3A_109 : memref<48xi32, #tpu.memory_space<hbm>>) dst(%arg9 : memref<48xi32, #tpu.memory_space<vmem>>)
      tpu.yield
    }) : () -> ()
    %dma_start3A = arith.constant 0 : i32
    %dma_start3A_12 = arith.constant 0 : i32
    %dma_start3A_13 = tpu.memref_slice %arg5[%dma_start3A, %dma_start3A_12] : memref<512x128xf32, #tpu.memory_space<hbm>> -> memref<512x128xf32, #tpu.memory_space<hbm>>
    tpu.enqueue_indirect_dma source(%dma_start3A_13 : memref<512x128xf32, #tpu.memory_space<hbm>>) target(%arg12 : memref<48x128xf32, #tpu.memory_space<vmem>>) offsets(%arg8 : memref<48xi32, #tpu.memory_space<vmem>>) semaphore(%arg26 : memref<!tpu.dma_semaphore, #tpu.memory_space<semaphore_mem>>)
    %dma_start3A_14 = arith.constant 0 : i32
    %dma_start3A_15 = arith.constant 0 : i32
    %dma_start3A_16 = tpu.memref_slice %arg6[%dma_start3A_14, %dma_start3A_15] : memref<512x128xf32, #tpu.memory_space<hbm>> -> memref<512x128xf32, #tpu.memory_space<hbm>>
    tpu.enqueue_indirect_dma source(%dma_start3A_16 : memref<512x128xf32, #tpu.memory_space<hbm>>) target(%arg13 : memref<48x128xf32, #tpu.memory_space<vmem>>) offsets(%arg9 : memref<48xi32, #tpu.memory_space<vmem>>) semaphore(%arg26 : memref<!tpu.dma_semaphore, #tpu.memory_space<semaphore_mem>>)
    %add3A_17 = arith.constant 0 : i32
    %add3A_18 = arith.addi %add3A, %add3A_17 : i32
    %mul3A_19 = arith.constant 48 : i32
    %mul3A_20 = arith.muli %add3A_18, %mul3A_19 : i32
    %min3A_21 = arith.constant 49952 : i32
    %min3A_22 = arith.minsi %mul3A_20, %min3A_21 : i32
    %mul3A_23 = arith.constant 2 : i32
    %mul3A_24 = arith.muli %min3A_22, %mul3A_23 : i32
    %add3A_25 = arith.constant 0 : i32
    %add3A_26 = arith.addi %add3A_25, %mul3A_24 : i32
    %dma_start3A_27 = arith.constant 0 : i32
    %dma_start3A_28 = tpu.memref_slice %arg2[%add3A_26, %dma_start3A_27] : memref<200000x128xf32, #tpu.memory_space<hbm>> -> memref<96x128xf32, #tpu.memory_space<hbm>>
    %dma_start3A_29 = arith.constant 0 : i32
    %dma_start3A_30 = tpu.memref_slice %arg2[%add3A_26, %dma_start3A_29] : memref<200000x128xf32, #tpu.memory_space<hbm>> -> memref<96x128xf32, #tpu.memory_space<hbm>>
    tpu.enqueue_dma source(%dma_start3A_30 : memref<96x128xf32, #tpu.memory_space<hbm>>) target(%arg16 : memref<96x128xf32, #tpu.memory_space<vmem>>) target_semaphore(%arg26 : memref<!tpu.dma_semaphore, #tpu.memory_space<semaphore_mem>>)
    %add3A_31 = arith.constant 0 : i32
    %add3A_32 = arith.addi %add3A, %add3A_31 : i32
    %mul3A_33 = arith.constant 48 : i32
    %mul3A_34 = arith.muli %add3A_32, %mul3A_33 : i32
    %min3A_35 = arith.constant 49952 : i32
    %min3A_36 = arith.minsi %mul3A_34, %min3A_35 : i32
    %mul3A_37 = arith.constant 2 : i32
    %mul3A_38 = arith.muli %min3A_36, %mul3A_37 : i32
    %add3A_39 = arith.constant 100000 : i32
    %add3A_40 = arith.addi %add3A_39, %mul3A_38 : i32
    %dma_start3A_41 = arith.constant 0 : i32
    %dma_start3A_42 = tpu.memref_slice %arg2[%add3A_40, %dma_start3A_41] : memref<200000x128xf32, #tpu.memory_space<hbm>> -> memref<96x128xf32, #tpu.memory_space<hbm>>
    %dma_start3A_43 = arith.constant 0 : i32
    %dma_start3A_44 = tpu.memref_slice %arg2[%add3A_40, %dma_start3A_43] : memref<200000x128xf32, #tpu.memory_space<hbm>> -> memref<96x128xf32, #tpu.memory_space<hbm>>
    tpu.enqueue_dma source(%dma_start3A_44 : memref<96x128xf32, #tpu.memory_space<hbm>>) target(%arg17 : memref<96x128xf32, #tpu.memory_space<vmem>>) target_semaphore(%arg26 : memref<!tpu.dma_semaphore, #tpu.memory_space<semaphore_mem>>)
    %add3A_45 = arith.constant 32 : i32
    %add3A_46 = arith.addi %add3A, %add3A_45 : i32
    %mul3A_47 = arith.constant 48 : i32
    %mul3A_48 = arith.muli %add3A_46, %mul3A_47 : i32
    %min3A_49 = arith.constant 49952 : i32
    %min3A_50 = arith.minsi %mul3A_48, %min3A_49 : i32
    "tpu.region"() ({
      %run_scoped3A = tpu.sem_alloc : memref<!tpu.dma_semaphore, #tpu.memory_space<semaphore_mem>>
      %dma_start3A_107 = tpu.memref_slice %arg3[%min3A_50] : memref<50000xi32, #tpu.memory_space<hbm>> -> memref<48xi32, #tpu.memory_space<hbm>>
      %dma_start3A_108 = tpu.memref_slice %arg3[%min3A_50] : memref<50000xi32, #tpu.memory_space<hbm>> -> memref<48xi32, #tpu.memory_space<hbm>>
      tpu.enqueue_dma source(%dma_start3A_108 : memref<48xi32, #tpu.memory_space<hbm>>) target(%arg10 : memref<48xi32, #tpu.memory_space<vmem>>) target_semaphore(%run_scoped3A : memref<!tpu.dma_semaphore, #tpu.memory_space<semaphore_mem>>)
      %dma_wait3A = tpu.memref_slice %arg3[%min3A_50] : memref<50000xi32, #tpu.memory_space<hbm>> -> memref<48xi32, #tpu.memory_space<hbm>>
      %dma_wait3A_109 = tpu.memref_slice %arg3[%min3A_50] : memref<50000xi32, #tpu.memory_space<hbm>> -> memref<48xi32, #tpu.memory_space<hbm>>
      tpu.wait_dma2 semaphore(%run_scoped3A : memref<!tpu.dma_semaphore, #tpu.memory_space<semaphore_mem>>) src(%dma_wait3A_109 : memref<48xi32, #tpu.memory_space<hbm>>) dst(%arg10 : memref<48xi32, #tpu.memory_space<vmem>>)
      tpu.yield
    }) : () -> ()
    %add3A_51 = arith.constant 32 : i32
    %add3A_52 = arith.addi %add3A, %add3A_51 : i32
    %mul3A_53 = arith.constant 48 : i32
    %mul3A_54 = arith.muli %add3A_52, %mul3A_53 : i32
    %min3A_55 = arith.constant 49952 : i32
    %min3A_56 = arith.minsi %mul3A_54, %min3A_55 : i32
    "tpu.region"() ({
      %run_scoped3A = tpu.sem_alloc : memref<!tpu.dma_semaphore, #tpu.memory_space<semaphore_mem>>
      %dma_start3A_107 = tpu.memref_slice %arg4[%min3A_56] : memref<50000xi32, #tpu.memory_space<hbm>> -> memref<48xi32, #tpu.memory_space<hbm>>
      %dma_start3A_108 = tpu.memref_slice %arg4[%min3A_56] : memref<50000xi32, #tpu.memory_space<hbm>> -> memref<48xi32, #tpu.memory_space<hbm>>
      tpu.enqueue_dma source(%dma_start3A_108 : memref<48xi32, #tpu.memory_space<hbm>>) target(%arg11 : memref<48xi32, #tpu.memory_space<vmem>>) target_semaphore(%run_scoped3A : memref<!tpu.dma_semaphore, #tpu.memory_space<semaphore_mem>>)
      %dma_wait3A = tpu.memref_slice %arg4[%min3A_56] : memref<50000xi32, #tpu.memory_space<hbm>> -> memref<48xi32, #tpu.memory_space<hbm>>
      %dma_wait3A_109 = tpu.memref_slice %arg4[%min3A_56] : memref<50000xi32, #tpu.memory_space<hbm>> -> memref<48xi32, #tpu.memory_space<hbm>>
      tpu.wait_dma2 semaphore(%run_scoped3A : memref<!tpu.dma_semaphore, #tpu.memory_space<semaphore_mem>>) src(%dma_wait3A_109 : memref<48xi32, #tpu.memory_space<hbm>>) dst(%arg11 : memref<48xi32, #tpu.memory_space<vmem>>)
      tpu.yield
    }) : () -> ()
    %dma_start3A_57 = arith.constant 0 : i32
    %dma_start3A_58 = arith.constant 0 : i32
    %dma_start3A_59 = tpu.memref_slice %arg5[%dma_start3A_57, %dma_start3A_58] : memref<512x128xf32, #tpu.memory_space<hbm>> -> memref<512x128xf32, #tpu.memory_space<hbm>>
    tpu.enqueue_indirect_dma source(%dma_start3A_59 : memref<512x128xf32, #tpu.memory_space<hbm>>) target(%arg14 : memref<48x128xf32, #tpu.memory_space<vmem>>) offsets(%arg10 : memref<48xi32, #tpu.memory_space<vmem>>) semaphore(%arg27 : memref<!tpu.dma_semaphore, #tpu.memory_space<semaphore_mem>>)
    %dma_start3A_60 = arith.constant 0 : i32
    %dma_start3A_61 = arith.constant 0 : i32
    %dma_start3A_62 = tpu.memref_slice %arg6[%dma_start3A_60, %dma_start3A_61] : memref<512x128xf32, #tpu.memory_space<hbm>> -> memref<512x128xf32, #tpu.memory_space<hbm>>
    tpu.enqueue_indirect_dma source(%dma_start3A_62 : memref<512x128xf32, #tpu.memory_space<hbm>>) target(%arg15 : memref<48x128xf32, #tpu.memory_space<vmem>>) offsets(%arg11 : memref<48xi32, #tpu.memory_space<vmem>>) semaphore(%arg27 : memref<!tpu.dma_semaphore, #tpu.memory_space<semaphore_mem>>)
    %add3A_63 = arith.constant 32 : i32
    %add3A_64 = arith.addi %add3A, %add3A_63 : i32
    %mul3A_65 = arith.constant 48 : i32
    %mul3A_66 = arith.muli %add3A_64, %mul3A_65 : i32
    %min3A_67 = arith.constant 49952 : i32
    %min3A_68 = arith.minsi %mul3A_66, %min3A_67 : i32
    %mul3A_69 = arith.constant 2 : i32
    %mul3A_70 = arith.muli %min3A_68, %mul3A_69 : i32
    %add3A_71 = arith.constant 0 : i32
    %add3A_72 = arith.addi %add3A_71, %mul3A_70 : i32
    %dma_start3A_73 = arith.constant 0 : i32
    %dma_start3A_74 = tpu.memref_slice %arg2[%add3A_72, %dma_start3A_73] : memref<200000x128xf32, #tpu.memory_space<hbm>> -> memref<96x128xf32, #tpu.memory_space<hbm>>
    %dma_start3A_75 = arith.constant 0 : i32
    %dma_start3A_76 = tpu.memref_slice %arg2[%add3A_72, %dma_start3A_75] : memref<200000x128xf32, #tpu.memory_space<hbm>> -> memref<96x128xf32, #tpu.memory_space<hbm>>
    tpu.enqueue_dma source(%dma_start3A_76 : memref<96x128xf32, #tpu.memory_space<hbm>>) target(%arg18 : memref<96x128xf32, #tpu.memory_space<vmem>>) target_semaphore(%arg27 : memref<!tpu.dma_semaphore, #tpu.memory_space<semaphore_mem>>)
    %add3A_77 = arith.constant 32 : i32
    %add3A_78 = arith.addi %add3A, %add3A_77 : i32
    %mul3A_79 = arith.constant 48 : i32
    %mul3A_80 = arith.muli %add3A_78, %mul3A_79 : i32
    %min3A_81 = arith.constant 49952 : i32
    %min3A_82 = arith.minsi %mul3A_80, %min3A_81 : i32
    %mul3A_83 = arith.constant 2 : i32
    %mul3A_84 = arith.muli %min3A_82, %mul3A_83 : i32
    %add3A_85 = arith.constant 100000 : i32
    %add3A_86 = arith.addi %add3A_85, %mul3A_84 : i32
    %dma_start3A_87 = arith.constant 0 : i32
    %dma_start3A_88 = tpu.memref_slice %arg2[%add3A_86, %dma_start3A_87] : memref<200000x128xf32, #tpu.memory_space<hbm>> -> memref<96x128xf32, #tpu.memory_space<hbm>>
    %dma_start3A_89 = arith.constant 0 : i32
    %dma_start3A_90 = tpu.memref_slice %arg2[%add3A_86, %dma_start3A_89] : memref<200000x128xf32, #tpu.memory_space<hbm>> -> memref<96x128xf32, #tpu.memory_space<hbm>>
    tpu.enqueue_dma source(%dma_start3A_90 : memref<96x128xf32, #tpu.memory_space<hbm>>) target(%arg19 : memref<96x128xf32, #tpu.memory_space<vmem>>) target_semaphore(%arg27 : memref<!tpu.dma_semaphore, #tpu.memory_space<semaphore_mem>>)
    %scan3A = arith.constant 0 : i32
    %scan3A_91 = arith.constant 0 : i32
    %scan3A_92 = arith.constant 17 : i32
    %scan3A_93 = arith.addi %scan3A_91, %scan3A_92 : i32
    %scan3A_94 = arith.constant 1 : i32
    scf.for %scan3A_107 = %scan3A_91 to %scan3A_93 step %scan3A_94  : i32 {
      %mul3A_108 = arith.constant 2 : i32
      %mul3A_109 = arith.muli %mul3A_108, %scan3A_107 : i32
      %gt3A = arith.constant 0 : i32
      %gt3A_110 = arith.cmpi sgt, %mul3A_109, %gt3A : i32
      %sub3A = arith.constant 2 : i32
      %sub3A_111 = arith.subi %mul3A_109, %sub3A : i32
      %mul3A_112 = arith.constant 32 : i32
      %mul3A_113 = arith.muli %sub3A_111, %mul3A_112 : i32
      %add3A_114 = arith.addi %add3A, %mul3A_113 : i32
      %lt3A_115 = arith.constant 1042 : i32
      %lt3A_116 = arith.cmpi slt, %add3A_114, %lt3A_115 : i32
      %and3A = arith.andi %gt3A_110, %lt3A_116 : i1
      %convert_element_type3A_117 = arith.extui %and3A : i1 to i32
      %cond3A_118 = arith.constant 0 : i32
      %cond3A_119 = arith.cmpi ne, %convert_element_type3A_117, %cond3A_118 : i32
      scf.if %cond3A_119 {
        %dma_wait3A = arith.constant 0 : i32
        %dma_wait3A_171 = arith.constant 0 : i32
        %dma_wait3A_172 = tpu.memref_slice %arg7[%dma_wait3A, %dma_wait3A_171] : memref<200000x128xf32, #tpu.memory_space<hbm>> -> memref<96x128xf32, #tpu.memory_space<hbm>>
        %dma_wait3A_173 = arith.constant 0 : i32
        %dma_wait3A_174 = arith.constant 0 : i32
        %dma_wait3A_175 = tpu.memref_slice %arg7[%dma_wait3A_173, %dma_wait3A_174] : memref<200000x128xf32, #tpu.memory_space<hbm>> -> memref<96x128xf32, #tpu.memory_space<hbm>>
        tpu.wait_dma2 semaphore(%arg28 : memref<!tpu.dma_semaphore, #tpu.memory_space<semaphore_mem>>) src(%arg20 : memref<96x128xf32, #tpu.memory_space<vmem>>) dst(%dma_wait3A_175 : memref<96x128xf32, #tpu.memory_space<hbm>>)
        %dma_wait3A_176 = arith.constant 0 : i32
        %dma_wait3A_177 = arith.constant 0 : i32
        %dma_wait3A_178 = tpu.memref_slice %arg7[%dma_wait3A_176, %dma_wait3A_177] : memref<200000x128xf32, #tpu.memory_space<hbm>> -> memref<96x128xf32, #tpu.memory_space<hbm>>
        %dma_wait3A_179 = arith.constant 0 : i32
        %dma_wait3A_180 = arith.constant 0 : i32
        %dma_wait3A_181 = tpu.memref_slice %arg7[%dma_wait3A_179, %dma_wait3A_180] : memref<200000x128xf32, #tpu.memory_space<hbm>> -> memref<96x128xf32, #tpu.memory_space<hbm>>
        tpu.wait_dma2 semaphore(%arg28 : memref<!tpu.dma_semaphore, #tpu.memory_space<semaphore_mem>>) src(%arg21 : memref<96x128xf32, #tpu.memory_space<vmem>>) dst(%dma_wait3A_181 : memref<96x128xf32, #tpu.memory_space<hbm>>)
      } else {
      }
      %gt3A_120 = arith.constant 0 : i32
      %gt3A_121 = arith.cmpi sgt, %mul3A_109, %gt3A_120 : i32
      %sub3A_122 = arith.constant 1 : i32
      %sub3A_123 = arith.subi %mul3A_109, %sub3A_122 : i32
      %mul3A_124 = arith.constant 32 : i32
      %mul3A_125 = arith.muli %sub3A_123, %mul3A_124 : i32
      %add3A_126 = arith.addi %add3A, %mul3A_125 : i32
      %lt3A_127 = arith.constant 1042 : i32
      %lt3A_128 = arith.cmpi slt, %add3A_126, %lt3A_127 : i32
      %and3A_129 = arith.andi %gt3A_121, %lt3A_128 : i1
      %convert_element_type3A_130 = arith.extui %and3A_129 : i1 to i32
      %cond3A_131 = arith.constant 0 : i32
      %cond3A_132 = arith.cmpi ne, %convert_element_type3A_130, %cond3A_131 : i32
      scf.if %cond3A_132 {
        %dma_wait3A = arith.constant 0 : i32
        %dma_wait3A_171 = arith.constant 0 : i32
        %dma_wait3A_172 = tpu.memref_slice %arg7[%dma_wait3A, %dma_wait3A_171] : memref<200000x128xf32, #tpu.memory_space<hbm>> -> memref<96x128xf32, #tpu.memory_space<hbm>>
        %dma_wait3A_173 = arith.constant 0 : i32
        %dma_wait3A_174 = arith.constant 0 : i32
        %dma_wait3A_175 = tpu.memref_slice %arg7[%dma_wait3A_173, %dma_wait3A_174] : memref<200000x128xf32, #tpu.memory_space<hbm>> -> memref<96x128xf32, #tpu.memory_space<hbm>>
        tpu.wait_dma2 semaphore(%arg29 : memref<!tpu.dma_semaphore, #tpu.memory_space<semaphore_mem>>) src(%arg22 : memref<96x128xf32, #tpu.memory_space<vmem>>) dst(%dma_wait3A_175 : memref<96x128xf32, #tpu.memory_space<hbm>>)
        %dma_wait3A_176 = arith.constant 0 : i32
        %dma_wait3A_177 = arith.constant 0 : i32
        %dma_wait3A_178 = tpu.memref_slice %arg7[%dma_wait3A_176, %dma_wait3A_177] : memref<200000x128xf32, #tpu.memory_space<hbm>> -> memref<96x128xf32, #tpu.memory_space<hbm>>
        %dma_wait3A_179 = arith.constant 0 : i32
        %dma_wait3A_180 = arith.constant 0 : i32
        %dma_wait3A_181 = tpu.memref_slice %arg7[%dma_wait3A_179, %dma_wait3A_180] : memref<200000x128xf32, #tpu.memory_space<hbm>> -> memref<96x128xf32, #tpu.memory_space<hbm>>
        tpu.wait_dma2 semaphore(%arg29 : memref<!tpu.dma_semaphore, #tpu.memory_space<semaphore_mem>>) src(%arg23 : memref<96x128xf32, #tpu.memory_space<vmem>>) dst(%dma_wait3A_181 : memref<96x128xf32, #tpu.memory_space<hbm>>)
      } else {
      }
      %mul3A_133 = arith.constant 32 : i32
      %mul3A_134 = arith.muli %mul3A_109, %mul3A_133 : i32
      %add3A_135 = arith.addi %add3A, %mul3A_134 : i32
      %lt3A_136 = arith.constant 1042 : i32
      %lt3A_137 = arith.cmpi slt, %add3A_135, %lt3A_136 : i32
      %convert_element_type3A_138 = arith.extui %lt3A_137 : i1 to i32
      %cond3A_139 = arith.constant 0 : i32
      %cond3A_140 = arith.cmpi ne, %convert_element_type3A_138, %cond3A_139 : i32
      scf.if %cond3A_140 {
        %dma_wait3A = arith.constant 0 : i32
        %dma_wait3A_171 = arith.constant 0 : i32
        %dma_wait3A_172 = tpu.memref_slice %arg5[%dma_wait3A, %dma_wait3A_171] : memref<512x128xf32, #tpu.memory_space<hbm>> -> memref<512x128xf32, #tpu.memory_space<hbm>>
        tpu.wait_indirect_dma semaphore(%arg26 : memref<!tpu.dma_semaphore, #tpu.memory_space<semaphore_mem>>) src(%dma_wait3A_172 : memref<512x128xf32, #tpu.memory_space<hbm>>) dst(%arg12 : memref<48x128xf32, #tpu.memory_space<vmem>>)
        %dma_wait3A_173 = arith.constant 0 : i32
        %dma_wait3A_174 = arith.constant 0 : i32
        %dma_wait3A_175 = tpu.memref_slice %arg6[%dma_wait3A_173, %dma_wait3A_174] : memref<512x128xf32, #tpu.memory_space<hbm>> -> memref<512x128xf32, #tpu.memory_space<hbm>>
        tpu.wait_indirect_dma semaphore(%arg26 : memref<!tpu.dma_semaphore, #tpu.memory_space<semaphore_mem>>) src(%dma_wait3A_175 : memref<512x128xf32, #tpu.memory_space<hbm>>) dst(%arg13 : memref<48x128xf32, #tpu.memory_space<vmem>>)
        %dma_wait3A_176 = arith.constant 0 : i32
        %dma_wait3A_177 = arith.constant 0 : i32
        %dma_wait3A_178 = tpu.memref_slice %arg2[%dma_wait3A_176, %dma_wait3A_177] : memref<200000x128xf32, #tpu.memory_space<hbm>> -> memref<96x128xf32, #tpu.memory_space<hbm>>
        %dma_wait3A_179 = arith.constant 0 : i32
        %dma_wait3A_180 = arith.constant 0 : i32
        %dma_wait3A_181 = tpu.memref_slice %arg2[%dma_wait3A_179, %dma_wait3A_180] : memref<200000x128xf32, #tpu.memory_space<hbm>> -> memref<96x128xf32, #tpu.memory_space<hbm>>
        tpu.wait_dma2 semaphore(%arg26 : memref<!tpu.dma_semaphore, #tpu.memory_space<semaphore_mem>>) src(%dma_wait3A_181 : memref<96x128xf32, #tpu.memory_space<hbm>>) dst(%arg16 : memref<96x128xf32, #tpu.memory_space<vmem>>)
        %dma_wait3A_182 = arith.constant 0 : i32
        %dma_wait3A_183 = arith.constant 0 : i32
        %dma_wait3A_184 = tpu.memref_slice %arg2[%dma_wait3A_182, %dma_wait3A_183] : memref<200000x128xf32, #tpu.memory_space<hbm>> -> memref<96x128xf32, #tpu.memory_space<hbm>>
        %dma_wait3A_185 = arith.constant 0 : i32
        %dma_wait3A_186 = arith.constant 0 : i32
        %dma_wait3A_187 = tpu.memref_slice %arg2[%dma_wait3A_185, %dma_wait3A_186] : memref<200000x128xf32, #tpu.memory_space<hbm>> -> memref<96x128xf32, #tpu.memory_space<hbm>>
        tpu.wait_dma2 semaphore(%arg26 : memref<!tpu.dma_semaphore, #tpu.memory_space<semaphore_mem>>) src(%dma_wait3A_187 : memref<96x128xf32, #tpu.memory_space<hbm>>) dst(%arg17 : memref<96x128xf32, #tpu.memory_space<vmem>>)
        %add3A_188 = arith.constant 2 : i32
        %add3A_189 = arith.addi %mul3A_109, %add3A_188 : i32
        %mul3A_190 = arith.constant 32 : i32
        %mul3A_191 = arith.muli %add3A_189, %mul3A_190 : i32
        %add3A_192 = arith.addi %add3A, %mul3A_191 : i32
        %lt3A_193 = arith.constant 1042 : i32
        %lt3A_194 = arith.cmpi slt, %add3A_192, %lt3A_193 : i32
        %convert_element_type3A_195 = arith.extui %lt3A_194 : i1 to i32
        %cond3A_196 = arith.constant 0 : i32
        %cond3A_197 = arith.cmpi ne, %convert_element_type3A_195, %cond3A_196 : i32
        scf.if %cond3A_197 {
          %mul3A_230 = arith.constant 32 : i32
          %mul3A_231 = arith.muli %add3A_189, %mul3A_230 : i32
          %add3A_232 = arith.addi %add3A, %mul3A_231 : i32
          %mul3A_233 = arith.constant 48 : i32
          %mul3A_234 = arith.muli %add3A_232, %mul3A_233 : i32
          %min3A_235 = arith.constant 49952 : i32
          %min3A_236 = arith.minsi %mul3A_234, %min3A_235 : i32
          %dma_start3A_237 = tpu.memref_slice %arg3[%min3A_236] : memref<50000xi32, #tpu.memory_space<hbm>> -> memref<48xi32, #tpu.memory_space<hbm>>
          %dma_start3A_238 = tpu.memref_slice %arg3[%min3A_236] : memref<50000xi32, #tpu.memory_space<hbm>> -> memref<48xi32, #tpu.memory_space<hbm>>
          tpu.enqueue_dma source(%dma_start3A_238 : memref<48xi32, #tpu.memory_space<hbm>>) target(%arg8 : memref<48xi32, #tpu.memory_space<vmem>>) target_semaphore(%arg24 : memref<!tpu.dma_semaphore, #tpu.memory_space<semaphore_mem>>)
          %mul3A_239 = arith.constant 32 : i32
          %mul3A_240 = arith.muli %add3A_189, %mul3A_239 : i32
          %add3A_241 = arith.addi %add3A, %mul3A_240 : i32
          %mul3A_242 = arith.constant 48 : i32
          %mul3A_243 = arith.muli %add3A_241, %mul3A_242 : i32
          %min3A_244 = arith.constant 49952 : i32
          %min3A_245 = arith.minsi %mul3A_243, %min3A_244 : i32
          %dma_start3A_246 = tpu.memref_slice %arg4[%min3A_245] : memref<50000xi32, #tpu.memory_space<hbm>> -> memref<48xi32, #tpu.memory_space<hbm>>
          %dma_start3A_247 = tpu.memref_slice %arg4[%min3A_245] : memref<50000xi32, #tpu.memory_space<hbm>> -> memref<48xi32, #tpu.memory_space<hbm>>
          tpu.enqueue_dma source(%dma_start3A_247 : memref<48xi32, #tpu.memory_space<hbm>>) target(%arg9 : memref<48xi32, #tpu.memory_space<vmem>>) target_semaphore(%arg24 : memref<!tpu.dma_semaphore, #tpu.memory_space<semaphore_mem>>)
        } else {
        }
        %parallel_loop3A = arith.constant 0 : i32
        %parallel_loop3A_198 = arith.constant 48 : i32
        %parallel_loop3A_199 = arith.constant 1 : i32
        scf.for %parallel_loop3A_230 = %parallel_loop3A to %parallel_loop3A_198 step %parallel_loop3A_199  : i32 {
          %parallel_loop3A_231 = arith.index_cast %parallel_loop3A_230 : i32 to index
          %parallel_loop3A_232 = arith.constant 0 : index
          %parallel_loop3A_233 = tpu.vector_load %arg12[%parallel_loop3A_231, %parallel_loop3A_232] {strides = array<i32>} : memref<48x128xf32, #tpu.memory_space<vmem>>, vector<1x16xf32>,
          %parallel_loop3A_234 = vector.shape_cast %parallel_loop3A_233 : vector<1x16xf32> to vector<16xf32>
          %parallel_loop3A_235 = arith.index_cast %parallel_loop3A_230 : i32 to index
          %parallel_loop3A_236 = arith.constant 0 : index
          %parallel_loop3A_237 = tpu.vector_load %arg13[%parallel_loop3A_235, %parallel_loop3A_236] {strides = array<i32>} : memref<48x128xf32, #tpu.memory_space<vmem>>, vector<1x16xf32>,
          %parallel_loop3A_238 = vector.shape_cast %parallel_loop3A_237 : vector<1x16xf32> to vector<16xf32>
          %parallel_loop3A_239 = arith.addf %parallel_loop3A_234, %parallel_loop3A_238 : vector<16xf32>
          %parallel_loop3A_240 = arith.constant 2 : i32
          %parallel_loop3A_241 = arith.muli %parallel_loop3A_230, %parallel_loop3A_240 : i32
          %parallel_loop3A_242 = arith.constant 0 : i32
          %parallel_loop3A_243 = arith.addi %parallel_loop3A_241, %parallel_loop3A_242 : i32
          %parallel_loop3A_244 = arith.index_cast %parallel_loop3A_243 : i32 to index
          %parallel_loop3A_245 = arith.constant 0 : index
          %parallel_loop3A_246 = tpu.vector_load %arg16[%parallel_loop3A_244, %parallel_loop3A_245] {strides = array<i32>} : memref<96x128xf32, #tpu.memory_space<vmem>>, vector<1x16xf32>,
          %parallel_loop3A_247 = vector.shape_cast %parallel_loop3A_246 : vector<1x16xf32> to vector<16xf32>
          %parallel_loop3A_248 = arith.addf %parallel_loop3A_247, %parallel_loop3A_239 : vector<16xf32>
          %parallel_loop3A_249 = arith.index_cast %parallel_loop3A_243 : i32 to index
          %parallel_loop3A_250 = arith.constant 0 : index
          %parallel_loop3A_251 = tpu.vector_load %arg20[%parallel_loop3A_249, %parallel_loop3A_250] {strides = array<i32>} : memref<96x128xf32, #tpu.memory_space<vmem>>, vector<1x16xf32>,
          %parallel_loop3A_252 = vector.shape_cast %parallel_loop3A_251 : vector<1x16xf32> to vector<16xf32>
          %parallel_loop3A_253 = vector.shape_cast %parallel_loop3A_248 : vector<16xf32> to vector<1x16xf32>
          tpu.vector_store %arg20[%parallel_loop3A_249, %parallel_loop3A_250], %parallel_loop3A_253 {strides = array<i32>} : memref<96x128xf32, #tpu.memory_space<vmem>>, vector<1x16xf32>,
          %parallel_loop3A_254 = arith.index_cast %parallel_loop3A_243 : i32 to index
          %parallel_loop3A_255 = arith.constant 0 : index
          %parallel_loop3A_256 = tpu.vector_load %arg17[%parallel_loop3A_254, %parallel_loop3A_255] {strides = array<i32>} : memref<96x128xf32, #tpu.memory_space<vmem>>, vector<1x16xf32>,
          %parallel_loop3A_257 = vector.shape_cast %parallel_loop3A_256 : vector<1x16xf32> to vector<16xf32>
          %parallel_loop3A_258 = arith.addf %parallel_loop3A_257, %parallel_loop3A_239 : vector<16xf32>
          %parallel_loop3A_259 = arith.index_cast %parallel_loop3A_243 : i32 to index
          %parallel_loop3A_260 = arith.constant 0 : index
          %parallel_loop3A_261 = tpu.vector_load %arg21[%parallel_loop3A_259, %parallel_loop3A_260] {strides = array<i32>} : memref<96x128xf32, #tpu.memory_space<vmem>>, vector<1x16xf32>,
          %parallel_loop3A_262 = vector.shape_cast %parallel_loop3A_261 : vector<1x16xf32> to vector<16xf32>
          %parallel_loop3A_263 = vector.shape_cast %parallel_loop3A_258 : vector<16xf32> to vector<1x16xf32>
          tpu.vector_store %arg21[%parallel_loop3A_259, %parallel_loop3A_260], %parallel_loop3A_263 {strides = array<i32>} : memref<96x128xf32, #tpu.memory_space<vmem>>, vector<1x16xf32>,
          %parallel_loop3A_264 = arith.constant 2 : i32
          %parallel_loop3A_265 = arith.muli %parallel_loop3A_230, %parallel_loop3A_264 : i32
          %parallel_loop3A_266 = arith.constant 1 : i32
          %parallel_loop3A_267 = arith.addi %parallel_loop3A_265, %parallel_loop3A_266 : i32
          %parallel_loop3A_268 = arith.index_cast %parallel_loop3A_267 : i32 to index
          %parallel_loop3A_269 = arith.constant 0 : index
          %parallel_loop3A_270 = tpu.vector_load %arg16[%parallel_loop3A_268, %parallel_loop3A_269] {strides = array<i32>} : memref<96x128xf32, #tpu.memory_space<vmem>>, vector<1x16xf32>,
          %parallel_loop3A_271 = vector.shape_cast %parallel_loop3A_270 : vector<1x16xf32> to vector<16xf32>
          %parallel_loop3A_272 = arith.addf %parallel_loop3A_271, %parallel_loop3A_239 : vector<16xf32>
          %parallel_loop3A_273 = arith.index_cast %parallel_loop3A_267 : i32 to index
          %parallel_loop3A_274 = arith.constant 0 : index
          %parallel_loop3A_275 = tpu.vector_load %arg20[%parallel_loop3A_273, %parallel_loop3A_274] {strides = array<i32>} : memref<96x128xf32, #tpu.memory_space<vmem>>, vector<1x16xf32>,
          %parallel_loop3A_276 = vector.shape_cast %parallel_loop3A_275 : vector<1x16xf32> to vector<16xf32>
          %parallel_loop3A_277 = vector.shape_cast %parallel_loop3A_272 : vector<16xf32> to vector<1x16xf32>
          tpu.vector_store %arg20[%parallel_loop3A_273, %parallel_loop3A_274], %parallel_loop3A_277 {strides = array<i32>} : memref<96x128xf32, #tpu.memory_space<vmem>>, vector<1x16xf32>,
          %parallel_loop3A_278 = arith.index_cast %parallel_loop3A_267 : i32 to index
          %parallel_loop3A_279 = arith.constant 0 : index
          %parallel_loop3A_280 = tpu.vector_load %arg17[%parallel_loop3A_278, %parallel_loop3A_279] {strides = array<i32>} : memref<96x128xf32, #tpu.memory_space<vmem>>, vector<1x16xf32>,
          %parallel_loop3A_281 = vector.shape_cast %parallel_loop3A_280 : vector<1x16xf32> to vector<16xf32>
          %parallel_loop3A_282 = arith.addf %parallel_loop3A_281, %parallel_loop3A_239 : vector<16xf32>
          %parallel_loop3A_283 = arith.index_cast %parallel_loop3A_267 : i32 to index
          %parallel_loop3A_284 = arith.constant 0 : index
          %parallel_loop3A_285 = tpu.vector_load %arg21[%parallel_loop3A_283, %parallel_loop3A_284] {strides = array<i32>} : memref<96x128xf32, #tpu.memory_space<vmem>>, vector<1x16xf32>,
          %parallel_loop3A_286 = vector.shape_cast %parallel_loop3A_285 : vector<1x16xf32> to vector<16xf32>
          %parallel_loop3A_287 = vector.shape_cast %parallel_loop3A_282 : vector<16xf32> to vector<1x16xf32>
          tpu.vector_store %arg21[%parallel_loop3A_283, %parallel_loop3A_284], %parallel_loop3A_287 {strides = array<i32>} : memref<96x128xf32, #tpu.memory_space<vmem>>, vector<1x16xf32>,
          %parallel_loop3A_288 = arith.index_cast %parallel_loop3A_230 : i32 to index
          %parallel_loop3A_289 = arith.constant 16 : index
          %parallel_loop3A_290 = tpu.vector_load %arg12[%parallel_loop3A_288, %parallel_loop3A_289] {strides = array<i32>} : memref<48x128xf32, #tpu.memory_space<vmem>>, vector<1x16xf32>,
          %parallel_loop3A_291 = vector.shape_cast %parallel_loop3A_290 : vector<1x16xf32> to vector<16xf32>
          %parallel_loop3A_292 = arith.index_cast %parallel_loop3A_230 : i32 to index
          %parallel_loop3A_293 = arith.constant 16 : index
          %parallel_loop3A_294 = tpu.vector_load %arg13[%parallel_loop3A_292, %parallel_loop3A_293] {strides = array<i32>} : memref<48x128xf32, #tpu.memory_space<vmem>>, vector<1x16xf32>,
          %parallel_loop3A_295 = vector.shape_cast %parallel_loop3A_294 : vector<1x16xf32> to vector<16xf32>
          %parallel_loop3A_296 = arith.addf %parallel_loop3A_291, %parallel_loop3A_295 : vector<16xf32>
          %parallel_loop3A_297 = arith.constant 2 : i32
          %parallel_loop3A_298 = arith.muli %parallel_loop3A_230, %parallel_loop3A_297 : i32
          %parallel_loop3A_299 = arith.constant 0 : i32
          %parallel_loop3A_300 = arith.addi %parallel_loop3A_298, %parallel_loop3A_299 : i32
          %parallel_loop3A_301 = arith.index_cast %parallel_loop3A_300 : i32 to index
          %parallel_loop3A_302 = arith.constant 16 : index
          %parallel_loop3A_303 = tpu.vector_load %arg16[%parallel_loop3A_301, %parallel_loop3A_302] {strides = array<i32>} : memref<96x128xf32, #tpu.memory_space<vmem>>, vector<1x16xf32>,
          %parallel_loop3A_304 = vector.shape_cast %parallel_loop3A_303 : vector<1x16xf32> to vector<16xf32>
          %parallel_loop3A_305 = arith.addf %parallel_loop3A_304, %parallel_loop3A_296 : vector<16xf32>
          %parallel_loop3A_306 = arith.index_cast %parallel_loop3A_300 : i32 to index
          %parallel_loop3A_307 = arith.constant 16 : index
          %parallel_loop3A_308 = tpu.vector_load %arg20[%parallel_loop3A_306, %parallel_loop3A_307] {strides = array<i32>} : memref<96x128xf32, #tpu.memory_space<vmem>>, vector<1x16xf32>,
          %parallel_loop3A_309 = vector.shape_cast %parallel_loop3A_308 : vector<1x16xf32> to vector<16xf32>
          %parallel_loop3A_310 = vector.shape_cast %parallel_loop3A_305 : vector<16xf32> to vector<1x16xf32>
          tpu.vector_store %arg20[%parallel_loop3A_306, %parallel_loop3A_307], %parallel_loop3A_310 {strides = array<i32>} : memref<96x128xf32, #tpu.memory_space<vmem>>, vector<1x16xf32>,
          %parallel_loop3A_311 = arith.index_cast %parallel_loop3A_300 : i32 to index
          %parallel_loop3A_312 = arith.constant 16 : index
          %parallel_loop3A_313 = tpu.vector_load %arg17[%parallel_loop3A_311, %parallel_loop3A_312] {strides = array<i32>} : memref<96x128xf32, #tpu.memory_space<vmem>>, vector<1x16xf32>,
          %parallel_loop3A_314 = vector.shape_cast %parallel_loop3A_313 : vector<1x16xf32> to vector<16xf32>
          %parallel_loop3A_315 = arith.addf %parallel_loop3A_314, %parallel_loop3A_296 : vector<16xf32>
          %parallel_loop3A_316 = arith.index_cast %parallel_loop3A_300 : i32 to index
          %parallel_loop3A_317 = arith.constant 16 : index
          %parallel_loop3A_318 = tpu.vector_load %arg21[%parallel_loop3A_316, %parallel_loop3A_317] {strides = array<i32>} : memref<96x128xf32, #tpu.memory_space<vmem>>, vector<1x16xf32>,
          %parallel_loop3A_319 = vector.shape_cast %parallel_loop3A_318 : vector<1x16xf32> to vector<16xf32>
          %parallel_loop3A_320 = vector.shape_cast %parallel_loop3A_315 : vector<16xf32> to vector<1x16xf32>
          tpu.vector_store %arg21[%parallel_loop3A_316, %parallel_loop3A_317], %parallel_loop3A_320 {strides = array<i32>} : memref<96x128xf32, #tpu.memory_space<vmem>>, vector<1x16xf32>,
          %parallel_loop3A_321 = arith.constant 2 : i32
          %parallel_loop3A_322 = arith.muli %parallel_loop3A_230, %parallel_loop3A_321 : i32
          %parallel_loop3A_323 = arith.constant 1 : i32
          %parallel_loop3A_324 = arith.addi %parallel_loop3A_322, %parallel_loop3A_323 : i32
          %parallel_loop3A_325 = arith.index_cast %parallel_loop3A_324 : i32 to index
          %parallel_loop3A_326 = arith.constant 16 : index
          %parallel_loop3A_327 = tpu.vector_load %arg16[%parallel_loop3A_325, %parallel_loop3A_326] {strides = array<i32>} : memref<96x128xf32, #tpu.memory_space<vmem>>, vector<1x16xf32>,
          %parallel_loop3A_328 = vector.shape_cast %parallel_loop3A_327 : vector<1x16xf32> to vector<16xf32>
          %parallel_loop3A_329 = arith.addf %parallel_loop3A_328, %parallel_loop3A_296 : vector<16xf32>
          %parallel_loop3A_330 = arith.index_cast %parallel_loop3A_324 : i32 to index
          %parallel_loop3A_331 = arith.constant 16 : index
          %parallel_loop3A_332 = tpu.vector_load %arg20[%parallel_loop3A_330, %parallel_loop3A_331] {strides = array<i32>} : memref<96x128xf32, #tpu.memory_space<vmem>>, vector<1x16xf32>,
          %parallel_loop3A_333 = vector.shape_cast %parallel_loop3A_332 : vector<1x16xf32> to vector<16xf32>
          %parallel_loop3A_334 = vector.shape_cast %parallel_loop3A_329 : vector<16xf32> to vector<1x16xf32>
          tpu.vector_store %arg20[%parallel_loop3A_330, %parallel_loop3A_331], %parallel_loop3A_334 {strides = array<i32>} : memref<96x128xf32, #tpu.memory_space<vmem>>, vector<1x16xf32>,
          %parallel_loop3A_335 = arith.index_cast %parallel_loop3A_324 : i32 to index
          %parallel_loop3A_336 = arith.constant 16 : index
          %parallel_loop3A_337 = tpu.vector_load %arg17[%parallel_loop3A_335, %parallel_loop3A_336] {strides = array<i32>} : memref<96x128xf32, #tpu.memory_space<vmem>>, vector<1x16xf32>,
          %parallel_loop3A_338 = vector.shape_cast %parallel_loop3A_337 : vector<1x16xf32> to vector<16xf32>
          %parallel_loop3A_339 = arith.addf %parallel_loop3A_338, %parallel_loop3A_296 : vector<16xf32>
          %parallel_loop3A_340 = arith.index_cast %parallel_loop3A_324 : i32 to index
          %parallel_loop3A_341 = arith.constant 16 : index
          %parallel_loop3A_342 = tpu.vector_load %arg21[%parallel_loop3A_340, %parallel_loop3A_341] {strides = array<i32>} : memref<96x128xf32, #tpu.memory_space<vmem>>, vector<1x16xf32>,
          %parallel_loop3A_343 = vector.shape_cast %parallel_loop3A_342 : vector<1x16xf32> to vector<16xf32>
          %parallel_loop3A_344 = vector.shape_cast %parallel_loop3A_339 : vector<16xf32> to vector<1x16xf32>
          tpu.vector_store %arg21[%parallel_loop3A_340, %parallel_loop3A_341], %parallel_loop3A_344 {strides = array<i32>} : memref<96x128xf32, #tpu.memory_space<vmem>>, vector<1x16xf32>,
          %parallel_loop3A_345 = arith.index_cast %parallel_loop3A_230 : i32 to index
          %parallel_loop3A_346 = arith.constant 32 : index
          %parallel_loop3A_347 = tpu.vector_load %arg12[%parallel_loop3A_345, %parallel_loop3A_346] {strides = array<i32>} : memref<48x128xf32, #tpu.memory_space<vmem>>, vector<1x16xf32>,
          %parallel_loop3A_348 = vector.shape_cast %parallel_loop3A_347 : vector<1x16xf32> to vector<16xf32>
          %parallel_loop3A_349 = arith.index_cast %parallel_loop3A_230 : i32 to index
          %parallel_loop3A_350 = arith.constant 32 : index
          %parallel_loop3A_351 = tpu.vector_load %arg13[%parallel_loop3A_349, %parallel_loop3A_350] {strides = array<i32>} : memref<48x128xf32, #tpu.memory_space<vmem>>, vector<1x16xf32>,
          %parallel_loop3A_352 = vector.shape_cast %parallel_loop3A_351 : vector<1x16xf32> to vector<16xf32>
          %parallel_loop3A_353 = arith.addf %parallel_loop3A_348, %parallel_loop3A_352 : vector<16xf32>
          %parallel_loop3A_354 = arith.constant 2 : i32
          %parallel_loop3A_355 = arith.muli %parallel_loop3A_230, %parallel_loop3A_354 : i32
          %parallel_loop3A_356 = arith.constant 0 : i32
          %parallel_loop3A_357 = arith.addi %parallel_loop3A_355, %parallel_loop3A_356 : i32
          %parallel_loop3A_358 = arith.index_cast %parallel_loop3A_357 : i32 to index
          %parallel_loop3A_359 = arith.constant 32 : index
          %parallel_loop3A_360 = tpu.vector_load %arg16[%parallel_loop3A_358, %parallel_loop3A_359] {strides = array<i32>} : memref<96x128xf32, #tpu.memory_space<vmem>>, vector<1x16xf32>,
          %parallel_loop3A_361 = vector.shape_cast %parallel_loop3A_360 : vector<1x16xf32> to vector<16xf32>
          %parallel_loop3A_362 = arith.addf %parallel_loop3A_361, %parallel_loop3A_353 : vector<16xf32>
          %parallel_loop3A_363 = arith.index_cast %parallel_loop3A_357 : i32 to index
          %parallel_loop3A_364 = arith.constant 32 : index
          %parallel_loop3A_365 = tpu.vector_load %arg20[%parallel_loop3A_363, %parallel_loop3A_364] {strides = array<i32>} : memref<96x128xf32, #tpu.memory_space<vmem>>, vector<1x16xf32>,
          %parallel_loop3A_366 = vector.shape_cast %parallel_loop3A_365 : vector<1x16xf32> to vector<16xf32>
          %parallel_loop3A_367 = vector.shape_cast %parallel_loop3A_362 : vector<16xf32> to vector<1x16xf32>
          tpu.vector_store %arg20[%parallel_loop3A_363, %parallel_loop3A_364], %parallel_loop3A_367 {strides = array<i32>} : memref<96x128xf32, #tpu.memory_space<vmem>>, vector<1x16xf32>,
          %parallel_loop3A_368 = arith.index_cast %parallel_loop3A_357 : i32 to index
          %parallel_loop3A_369 = arith.constant 32 : index
          %parallel_loop3A_370 = tpu.vector_load %arg17[%parallel_loop3A_368, %parallel_loop3A_369] {strides = array<i32>} : memref<96x128xf32, #tpu.memory_space<vmem>>, vector<1x16xf32>,
          %parallel_loop3A_371 = vector.shape_cast %parallel_loop3A_370 : vector<1x16xf32> to vector<16xf32>
          %parallel_loop3A_372 = arith.addf %parallel_loop3A_371, %parallel_loop3A_353 : vector<16xf32>
          %parallel_loop3A_373 = arith.index_cast %parallel_loop3A_357 : i32 to index
          %parallel_loop3A_374 = arith.constant 32 : index
          %parallel_loop3A_375 = tpu.vector_load %arg21[%parallel_loop3A_373, %parallel_loop3A_374] {strides = array<i32>} : memref<96x128xf32, #tpu.memory_space<vmem>>, vector<1x16xf32>,
          %parallel_loop3A_376 = vector.shape_cast %parallel_loop3A_375 : vector<1x16xf32> to vector<16xf32>
          %parallel_loop3A_377 = vector.shape_cast %parallel_loop3A_372 : vector<16xf32> to vector<1x16xf32>
          tpu.vector_store %arg21[%parallel_loop3A_373, %parallel_loop3A_374], %parallel_loop3A_377 {strides = array<i32>} : memref<96x128xf32, #tpu.memory_space<vmem>>, vector<1x16xf32>,
          %parallel_loop3A_378 = arith.constant 2 : i32
          %parallel_loop3A_379 = arith.muli %parallel_loop3A_230, %parallel_loop3A_378 : i32
          %parallel_loop3A_380 = arith.constant 1 : i32
          %parallel_loop3A_381 = arith.addi %parallel_loop3A_379, %parallel_loop3A_380 : i32
          %parallel_loop3A_382 = arith.index_cast %parallel_loop3A_381 : i32 to index
          %parallel_loop3A_383 = arith.constant 32 : index
          %parallel_loop3A_384 = tpu.vector_load %arg16[%parallel_loop3A_382, %parallel_loop3A_383] {strides = array<i32>} : memref<96x128xf32, #tpu.memory_space<vmem>>, vector<1x16xf32>,
          %parallel_loop3A_385 = vector.shape_cast %parallel_loop3A_384 : vector<1x16xf32> to vector<16xf32>
          %parallel_loop3A_386 = arith.addf %parallel_loop3A_385, %parallel_loop3A_353 : vector<16xf32>
          %parallel_loop3A_387 = arith.index_cast %parallel_loop3A_381 : i32 to index
          %parallel_loop3A_388 = arith.constant 32 : index
          %parallel_loop3A_389 = tpu.vector_load %arg20[%parallel_loop3A_387, %parallel_loop3A_388] {strides = array<i32>} : memref<96x128xf32, #tpu.memory_space<vmem>>, vector<1x16xf32>,
          %parallel_loop3A_390 = vector.shape_cast %parallel_loop3A_389 : vector<1x16xf32> to vector<16xf32>
          %parallel_loop3A_391 = vector.shape_cast %parallel_loop3A_386 : vector<16xf32> to vector<1x16xf32>
          tpu.vector_store %arg20[%parallel_loop3A_387, %parallel_loop3A_388], %parallel_loop3A_391 {strides = array<i32>} : memref<96x128xf32, #tpu.memory_space<vmem>>, vector<1x16xf32>,
          %parallel_loop3A_392 = arith.index_cast %parallel_loop3A_381 : i32 to index
          %parallel_loop3A_393 = arith.constant 32 : index
          %parallel_loop3A_394 = tpu.vector_load %arg17[%parallel_loop3A_392, %parallel_loop3A_393] {strides = array<i32>} : memref<96x128xf32, #tpu.memory_space<vmem>>, vector<1x16xf32>,
          %parallel_loop3A_395 = vector.shape_cast %parallel_loop3A_394 : vector<1x16xf32> to vector<16xf32>
          %parallel_loop3A_396 = arith.addf %parallel_loop3A_395, %parallel_loop3A_353 : vector<16xf32>
          %parallel_loop3A_397 = arith.index_cast %parallel_loop3A_381 : i32 to index
          %parallel_loop3A_398 = arith.constant 32 : index
          %parallel_loop3A_399 = tpu.vector_load %arg21[%parallel_loop3A_397, %parallel_loop3A_398] {strides = array<i32>} : memref<96x128xf32, #tpu.memory_space<vmem>>, vector<1x16xf32>,
          %parallel_loop3A_400 = vector.shape_cast %parallel_loop3A_399 : vector<1x16xf32> to vector<16xf32>
          %parallel_loop3A_401 = vector.shape_cast %parallel_loop3A_396 : vector<16xf32> to vector<1x16xf32>
          tpu.vector_store %arg21[%parallel_loop3A_397, %parallel_loop3A_398], %parallel_loop3A_401 {strides = array<i32>} : memref<96x128xf32, #tpu.memory_space<vmem>>, vector<1x16xf32>,
          %parallel_loop3A_402 = arith.index_cast %parallel_loop3A_230 : i32 to index
          %parallel_loop3A_403 = arith.constant 48 : index
          %parallel_loop3A_404 = tpu.vector_load %arg12[%parallel_loop3A_402, %parallel_loop3A_403] {strides = array<i32>} : memref<48x128xf32, #tpu.memory_space<vmem>>, vector<1x16xf32>,
          %parallel_loop3A_405 = vector.shape_cast %parallel_loop3A_404 : vector<1x16xf32> to vector<16xf32>
          %parallel_loop3A_406 = arith.index_cast %parallel_loop3A_230 : i32 to index
          %parallel_loop3A_407 = arith.constant 48 : index
          %parallel_loop3A_408 = tpu.vector_load %arg13[%parallel_loop3A_406, %parallel_loop3A_407] {strides = array<i32>} : memref<48x128xf32, #tpu.memory_space<vmem>>, vector<1x16xf32>,
          %parallel_loop3A_409 = vector.shape_cast %parallel_loop3A_408 : vector<1x16xf32> to vector<16xf32>
          %parallel_loop3A_410 = arith.addf %parallel_loop3A_405, %parallel_loop3A_409 : vector<16xf32>
          %parallel_loop3A_411 = arith.constant 2 : i32
          %parallel_loop3A_412 = arith.muli %parallel_loop3A_230, %parallel_loop3A_411 : i32
          %parallel_loop3A_413 = arith.constant 0 : i32
          %parallel_loop3A_414 = arith.addi %parallel_loop3A_412, %parallel_loop3A_413 : i32
          %parallel_loop3A_415 = arith.index_cast %parallel_loop3A_414 : i32 to index
          %parallel_loop3A_416 = arith.constant 48 : index
          %parallel_loop3A_417 = tpu.vector_load %arg16[%parallel_loop3A_415, %parallel_loop3A_416] {strides = array<i32>} : memref<96x128xf32, #tpu.memory_space<vmem>>, vector<1x16xf32>,
          %parallel_loop3A_418 = vector.shape_cast %parallel_loop3A_417 : vector<1x16xf32> to vector<16xf32>
          %parallel_loop3A_419 = arith.addf %parallel_loop3A_418, %parallel_loop3A_410 : vector<16xf32>
          %parallel_loop3A_420 = arith.index_cast %parallel_loop3A_414 : i32 to index
          %parallel_loop3A_421 = arith.constant 48 : index
          %parallel_loop3A_422 = tpu.vector_load %arg20[%parallel_loop3A_420, %parallel_loop3A_421] {strides = array<i32>} : memref<96x128xf32, #tpu.memory_space<vmem>>, vector<1x16xf32>,
          %parallel_loop3A_423 = vector.shape_cast %parallel_loop3A_422 : vector<1x16xf32> to vector<16xf32>
          %parallel_loop3A_424 = vector.shape_cast %parallel_loop3A_419 : vector<16xf32> to vector<1x16xf32>
          tpu.vector_store %arg20[%parallel_loop3A_420, %parallel_loop3A_421], %parallel_loop3A_424 {strides = array<i32>} : memref<96x128xf32, #tpu.memory_space<vmem>>, vector<1x16xf32>,
          %parallel_loop3A_425 = arith.index_cast %parallel_loop3A_414 : i32 to index
          %parallel_loop3A_426 = arith.constant 48 : index
          %parallel_loop3A_427 = tpu.vector_load %arg17[%parallel_loop3A_425, %parallel_loop3A_426] {strides = array<i32>} : memref<96x128xf32, #tpu.memory_space<vmem>>, vector<1x16xf32>,
          %parallel_loop3A_428 = vector.shape_cast %parallel_loop3A_427 : vector<1x16xf32> to vector<16xf32>
          %parallel_loop3A_429 = arith.addf %parallel_loop3A_428, %parallel_loop3A_410 : vector<16xf32>
          %parallel_loop3A_430 = arith.index_cast %parallel_loop3A_414 : i32 to index
          %parallel_loop3A_431 = arith.constant 48 : index
          %parallel_loop3A_432 = tpu.vector_load %arg21[%parallel_loop3A_430, %parallel_loop3A_431] {strides = array<i32>} : memref<96x128xf32, #tpu.memory_space<vmem>>, vector<1x16xf32>,
          %parallel_loop3A_433 = vector.shape_cast %parallel_loop3A_432 : vector<1x16xf32> to vector<16xf32>
          %parallel_loop3A_434 = vector.shape_cast %parallel_loop3A_429 : vector<16xf32> to vector<1x16xf32>
          tpu.vector_store %arg21[%parallel_loop3A_430, %parallel_loop3A_431], %parallel_loop3A_434 {strides = array<i32>} : memref<96x128xf32, #tpu.memory_space<vmem>>, vector<1x16xf32>,
          %parallel_loop3A_435 = arith.constant 2 : i32
          %parallel_loop3A_436 = arith.muli %parallel_loop3A_230, %parallel_loop3A_435 : i32
          %parallel_loop3A_437 = arith.constant 1 : i32
          %parallel_loop3A_438 = arith.addi %parallel_loop3A_436, %parallel_loop3A_437 : i32
          %parallel_loop3A_439 = arith.index_cast %parallel_loop3A_438 : i32 to index
          %parallel_loop3A_440 = arith.constant 48 : index
          %parallel_loop3A_441 = tpu.vector_load %arg16[%parallel_loop3A_439, %parallel_loop3A_440] {strides = array<i32>} : memref<96x128xf32, #tpu.memory_space<vmem>>, vector<1x16xf32>,
          %parallel_loop3A_442 = vector.shape_cast %parallel_loop3A_441 : vector<1x16xf32> to vector<16xf32>
          %parallel_loop3A_443 = arith.addf %parallel_loop3A_442, %parallel_loop3A_410 : vector<16xf32>
          %parallel_loop3A_444 = arith.index_cast %parallel_loop3A_438 : i32 to index
          %parallel_loop3A_445 = arith.constant 48 : index
          %parallel_loop3A_446 = tpu.vector_load %arg20[%parallel_loop3A_444, %parallel_loop3A_445] {strides = array<i32>} : memref<96x128xf32, #tpu.memory_space<vmem>>, vector<1x16xf32>,
          %parallel_loop3A_447 = vector.shape_cast %parallel_loop3A_446 : vector<1x16xf32> to vector<16xf32>
          %parallel_loop3A_448 = vector.shape_cast %parallel_loop3A_443 : vector<16xf32> to vector<1x16xf32>
          tpu.vector_store %arg20[%parallel_loop3A_444, %parallel_loop3A_445], %parallel_loop3A_448 {strides = array<i32>} : memref<96x128xf32, #tpu.memory_space<vmem>>, vector<1x16xf32>,
          %parallel_loop3A_449 = arith.index_cast %parallel_loop3A_438 : i32 to index
          %parallel_loop3A_450 = arith.constant 48 : index
          %parallel_loop3A_451 = tpu.vector_load %arg17[%parallel_loop3A_449, %parallel_loop3A_450] {strides = array<i32>} : memref<96x128xf32, #tpu.memory_space<vmem>>, vector<1x16xf32>,
          %parallel_loop3A_452 = vector.shape_cast %parallel_loop3A_451 : vector<1x16xf32> to vector<16xf32>
          %parallel_loop3A_453 = arith.addf %parallel_loop3A_452, %parallel_loop3A_410 : vector<16xf32>
          %parallel_loop3A_454 = arith.index_cast %parallel_loop3A_438 : i32 to index
          %parallel_loop3A_455 = arith.constant 48 : index
          %parallel_loop3A_456 = tpu.vector_load %arg21[%parallel_loop3A_454, %parallel_loop3A_455] {strides = array<i32>} : memref<96x128xf32, #tpu.memory_space<vmem>>, vector<1x16xf32>,
          %parallel_loop3A_457 = vector.shape_cast %parallel_loop3A_456 : vector<1x16xf32> to vector<16xf32>
          %parallel_loop3A_458 = vector.shape_cast %parallel_loop3A_453 : vector<16xf32> to vector<1x16xf32>
          tpu.vector_store %arg21[%parallel_loop3A_454, %parallel_loop3A_455], %parallel_loop3A_458 {strides = array<i32>} : memref<96x128xf32, #tpu.memory_space<vmem>>, vector<1x16xf32>,
          %parallel_loop3A_459 = arith.index_cast %parallel_loop3A_230 : i32 to index
          %parallel_loop3A_460 = arith.constant 64 : index
          %parallel_loop3A_461 = tpu.vector_load %arg12[%parallel_loop3A_459, %parallel_loop3A_460] {strides = array<i32>} : memref<48x128xf32, #tpu.memory_space<vmem>>, vector<1x16xf32>,
          %parallel_loop3A_462 = vector.shape_cast %parallel_loop3A_461 : vector<1x16xf32> to vector<16xf32>
          %parallel_loop3A_463 = arith.index_cast %parallel_loop3A_230 : i32 to index
          %parallel_loop3A_464 = arith.constant 64 : index
          %parallel_loop3A_465 = tpu.vector_load %arg13[%parallel_loop3A_463, %parallel_loop3A_464] {strides = array<i32>} : memref<48x128xf32, #tpu.memory_space<vmem>>, vector<1x16xf32>,
          %parallel_loop3A_466 = vector.shape_cast %parallel_loop3A_465 : vector<1x16xf32> to vector<16xf32>
          %parallel_loop3A_467 = arith.addf %parallel_loop3A_462, %parallel_loop3A_466 : vector<16xf32>
          %parallel_loop3A_468 = arith.constant 2 : i32
          %parallel_loop3A_469 = arith.muli %parallel_loop3A_230, %parallel_loop3A_468 : i32
          %parallel_loop3A_470 = arith.constant 0 : i32
          %parallel_loop3A_471 = arith.addi %parallel_loop3A_469, %parallel_loop3A_470 : i32
          %parallel_loop3A_472 = arith.index_cast %parallel_loop3A_471 : i32 to index
          %parallel_loop3A_473 = arith.constant 64 : index
          %parallel_loop3A_474 = tpu.vector_load %arg16[%parallel_loop3A_472, %parallel_loop3A_473] {strides = array<i32>} : memref<96x128xf32, #tpu.memory_space<vmem>>, vector<1x16xf32>,
          %parallel_loop3A_475 = vector.shape_cast %parallel_loop3A_474 : vector<1x16xf32> to vector<16xf32>
          %parallel_loop3A_476 = arith.addf %parallel_loop3A_475, %parallel_loop3A_467 : vector<16xf32>
          %parallel_loop3A_477 = arith.index_cast %parallel_loop3A_471 : i32 to index
          %parallel_loop3A_478 = arith.constant 64 : index
          %parallel_loop3A_479 = tpu.vector_load %arg20[%parallel_loop3A_477, %parallel_loop3A_478] {strides = array<i32>} : memref<96x128xf32, #tpu.memory_space<vmem>>, vector<1x16xf32>,
          %parallel_loop3A_480 = vector.shape_cast %parallel_loop3A_479 : vector<1x16xf32> to vector<16xf32>
          %parallel_loop3A_481 = vector.shape_cast %parallel_loop3A_476 : vector<16xf32> to vector<1x16xf32>
          tpu.vector_store %arg20[%parallel_loop3A_477, %parallel_loop3A_478], %parallel_loop3A_481 {strides = array<i32>} : memref<96x128xf32, #tpu.memory_space<vmem>>, vector<1x16xf32>,
          %parallel_loop3A_482 = arith.index_cast %parallel_loop3A_471 : i32 to index
          %parallel_loop3A_483 = arith.constant 64 : index
          %parallel_loop3A_484 = tpu.vector_load %arg17[%parallel_loop3A_482, %parallel_loop3A_483] {strides = array<i32>} : memref<96x128xf32, #tpu.memory_space<vmem>>, vector<1x16xf32>,
          %parallel_loop3A_485 = vector.shape_cast %parallel_loop3A_484 : vector<1x16xf32> to vector<16xf32>
          %parallel_loop3A_486 = arith.addf %parallel_loop3A_485, %parallel_loop3A_467 : vector<16xf32>
          %parallel_loop3A_487 = arith.index_cast %parallel_loop3A_471 : i32 to index
          %parallel_loop3A_488 = arith.constant 64 : index
          %parallel_loop3A_489 = tpu.vector_load %arg21[%parallel_loop3A_487, %parallel_loop3A_488] {strides = array<i32>} : memref<96x128xf32, #tpu.memory_space<vmem>>, vector<1x16xf32>,
          %parallel_loop3A_490 = vector.shape_cast %parallel_loop3A_489 : vector<1x16xf32> to vector<16xf32>
          %parallel_loop3A_491 = vector.shape_cast %parallel_loop3A_486 : vector<16xf32> to vector<1x16xf32>
          tpu.vector_store %arg21[%parallel_loop3A_487, %parallel_loop3A_488], %parallel_loop3A_491 {strides = array<i32>} : memref<96x128xf32, #tpu.memory_space<vmem>>, vector<1x16xf32>,
          %parallel_loop3A_492 = arith.constant 2 : i32
          %parallel_loop3A_493 = arith.muli %parallel_loop3A_230, %parallel_loop3A_492 : i32
          %parallel_loop3A_494 = arith.constant 1 : i32
          %parallel_loop3A_495 = arith.addi %parallel_loop3A_493, %parallel_loop3A_494 : i32
          %parallel_loop3A_496 = arith.index_cast %parallel_loop3A_495 : i32 to index
          %parallel_loop3A_497 = arith.constant 64 : index
          %parallel_loop3A_498 = tpu.vector_load %arg16[%parallel_loop3A_496, %parallel_loop3A_497] {strides = array<i32>} : memref<96x128xf32, #tpu.memory_space<vmem>>, vector<1x16xf32>,
          %parallel_loop3A_499 = vector.shape_cast %parallel_loop3A_498 : vector<1x16xf32> to vector<16xf32>
          %parallel_loop3A_500 = arith.addf %parallel_loop3A_499, %parallel_loop3A_467 : vector<16xf32>
          %parallel_loop3A_501 = arith.index_cast %parallel_loop3A_495 : i32 to index
          %parallel_loop3A_502 = arith.constant 64 : index
          %parallel_loop3A_503 = tpu.vector_load %arg20[%parallel_loop3A_501, %parallel_loop3A_502] {strides = array<i32>} : memref<96x128xf32, #tpu.memory_space<vmem>>, vector<1x16xf32>,
          %parallel_loop3A_504 = vector.shape_cast %parallel_loop3A_503 : vector<1x16xf32> to vector<16xf32>
          %parallel_loop3A_505 = vector.shape_cast %parallel_loop3A_500 : vector<16xf32> to vector<1x16xf32>
          tpu.vector_store %arg20[%parallel_loop3A_501, %parallel_loop3A_502], %parallel_loop3A_505 {strides = array<i32>} : memref<96x128xf32, #tpu.memory_space<vmem>>, vector<1x16xf32>,
          %parallel_loop3A_506 = arith.index_cast %parallel_loop3A_495 : i32 to index
          %parallel_loop3A_507 = arith.constant 64 : index
          %parallel_loop3A_508 = tpu.vector_load %arg17[%parallel_loop3A_506, %parallel_loop3A_507] {strides = array<i32>} : memref<96x128xf32, #tpu.memory_space<vmem>>, vector<1x16xf32>,
          %parallel_loop3A_509 = vector.shape_cast %parallel_loop3A_508 : vector<1x16xf32> to vector<16xf32>
          %parallel_loop3A_510 = arith.addf %parallel_loop3A_509, %parallel_loop3A_467 : vector<16xf32>
          %parallel_loop3A_511 = arith.index_cast %parallel_loop3A_495 : i32 to index
          %parallel_loop3A_512 = arith.constant 64 : index
          %parallel_loop3A_513 = tpu.vector_load %arg21[%parallel_loop3A_511, %parallel_loop3A_512] {strides = array<i32>} : memref<96x128xf32, #tpu.memory_space<vmem>>, vector<1x16xf32>,
          %parallel_loop3A_514 = vector.shape_cast %parallel_loop3A_513 : vector<1x16xf32> to vector<16xf32>
          %parallel_loop3A_515 = vector.shape_cast %parallel_loop3A_510 : vector<16xf32> to vector<1x16xf32>
          tpu.vector_store %arg21[%parallel_loop3A_511, %parallel_loop3A_512], %parallel_loop3A_515 {strides = array<i32>} : memref<96x128xf32, #tpu.memory_space<vmem>>, vector<1x16xf32>,
          %parallel_loop3A_516 = arith.index_cast %parallel_loop3A_230 : i32 to index
          %parallel_loop3A_517 = arith.constant 80 : index
          %parallel_loop3A_518 = tpu.vector_load %arg12[%parallel_loop3A_516, %parallel_loop3A_517] {strides = array<i32>} : memref<48x128xf32, #tpu.memory_space<vmem>>, vector<1x16xf32>,
          %parallel_loop3A_519 = vector.shape_cast %parallel_loop3A_518 : vector<1x16xf32> to vector<16xf32>
          %parallel_loop3A_520 = arith.index_cast %parallel_loop3A_230 : i32 to index
          %parallel_loop3A_521 = arith.constant 80 : index
          %parallel_loop3A_522 = tpu.vector_load %arg13[%parallel_loop3A_520, %parallel_loop3A_521] {strides = array<i32>} : memref<48x128xf32, #tpu.memory_space<vmem>>, vector<1x16xf32>,
          %parallel_loop3A_523 = vector.shape_cast %parallel_loop3A_522 : vector<1x16xf32> to vector<16xf32>
          %parallel_loop3A_524 = arith.addf %parallel_loop3A_519, %parallel_loop3A_523 : vector<16xf32>
          %parallel_loop3A_525 = arith.constant 2 : i32
          %parallel_loop3A_526 = arith.muli %parallel_loop3A_230, %parallel_loop3A_525 : i32
          %parallel_loop3A_527 = arith.constant 0 : i32
          %parallel_loop3A_528 = arith.addi %parallel_loop3A_526, %parallel_loop3A_527 : i32
          %parallel_loop3A_529 = arith.index_cast %parallel_loop3A_528 : i32 to index
          %parallel_loop3A_530 = arith.constant 80 : index
          %parallel_loop3A_531 = tpu.vector_load %arg16[%parallel_loop3A_529, %parallel_loop3A_530] {strides = array<i32>} : memref<96x128xf32, #tpu.memory_space<vmem>>, vector<1x16xf32>,
          %parallel_loop3A_532 = vector.shape_cast %parallel_loop3A_531 : vector<1x16xf32> to vector<16xf32>
          %parallel_loop3A_533 = arith.addf %parallel_loop3A_532, %parallel_loop3A_524 : vector<16xf32>
          %parallel_loop3A_534 = arith.index_cast %parallel_loop3A_528 : i32 to index
          %parallel_loop3A_535 = arith.constant 80 : index
          %parallel_loop3A_536 = tpu.vector_load %arg20[%parallel_loop3A_534, %parallel_loop3A_535] {strides = array<i32>} : memref<96x128xf32, #tpu.memory_space<vmem>>, vector<1x16xf32>,
          %parallel_loop3A_537 = vector.shape_cast %parallel_loop3A_536 : vector<1x16xf32> to vector<16xf32>
          %parallel_loop3A_538 = vector.shape_cast %parallel_loop3A_533 : vector<16xf32> to vector<1x16xf32>
          tpu.vector_store %arg20[%parallel_loop3A_534, %parallel_loop3A_535], %parallel_loop3A_538 {strides = array<i32>} : memref<96x128xf32, #tpu.memory_space<vmem>>, vector<1x16xf32>,
          %parallel_loop3A_539 = arith.index_cast %parallel_loop3A_528 : i32 to index
          %parallel_loop3A_540 = arith.constant 80 : index
          %parallel_loop3A_541 = tpu.vector_load %arg17[%parallel_loop3A_539, %parallel_loop3A_540] {strides = array<i32>} : memref<96x128xf32, #tpu.memory_space<vmem>>, vector<1x16xf32>,
          %parallel_loop3A_542 = vector.shape_cast %parallel_loop3A_541 : vector<1x16xf32> to vector<16xf32>
          %parallel_loop3A_543 = arith.addf %parallel_loop3A_542, %parallel_loop3A_524 : vector<16xf32>
          %parallel_loop3A_544 = arith.index_cast %parallel_loop3A_528 : i32 to index
          %parallel_loop3A_545 = arith.constant 80 : index
          %parallel_loop3A_546 = tpu.vector_load %arg21[%parallel_loop3A_544, %parallel_loop3A_545] {strides = array<i32>} : memref<96x128xf32, #tpu.memory_space<vmem>>, vector<1x16xf32>,
          %parallel_loop3A_547 = vector.shape_cast %parallel_loop3A_546 : vector<1x16xf32> to vector<16xf32>
          %parallel_loop3A_548 = vector.shape_cast %parallel_loop3A_543 : vector<16xf32> to vector<1x16xf32>
          tpu.vector_store %arg21[%parallel_loop3A_544, %parallel_loop3A_545], %parallel_loop3A_548 {strides = array<i32>} : memref<96x128xf32, #tpu.memory_space<vmem>>, vector<1x16xf32>,
          %parallel_loop3A_549 = arith.constant 2 : i32
          %parallel_loop3A_550 = arith.muli %parallel_loop3A_230, %parallel_loop3A_549 : i32
          %parallel_loop3A_551 = arith.constant 1 : i32
          %parallel_loop3A_552 = arith.addi %parallel_loop3A_550, %parallel_loop3A_551 : i32
          %parallel_loop3A_553 = arith.index_cast %parallel_loop3A_552 : i32 to index
          %parallel_loop3A_554 = arith.constant 80 : index
          %parallel_loop3A_555 = tpu.vector_load %arg16[%parallel_loop3A_553, %parallel_loop3A_554] {strides = array<i32>} : memref<96x128xf32, #tpu.memory_space<vmem>>, vector<1x16xf32>,
          %parallel_loop3A_556 = vector.shape_cast %parallel_loop3A_555 : vector<1x16xf32> to vector<16xf32>
          %parallel_loop3A_557 = arith.addf %parallel_loop3A_556, %parallel_loop3A_524 : vector<16xf32>
          %parallel_loop3A_558 = arith.index_cast %parallel_loop3A_552 : i32 to index
          %parallel_loop3A_559 = arith.constant 80 : index
          %parallel_loop3A_560 = tpu.vector_load %arg20[%parallel_loop3A_558, %parallel_loop3A_559] {strides = array<i32>} : memref<96x128xf32, #tpu.memory_space<vmem>>, vector<1x16xf32>,
          %parallel_loop3A_561 = vector.shape_cast %parallel_loop3A_560 : vector<1x16xf32> to vector<16xf32>
          %parallel_loop3A_562 = vector.shape_cast %parallel_loop3A_557 : vector<16xf32> to vector<1x16xf32>
          tpu.vector_store %arg20[%parallel_loop3A_558, %parallel_loop3A_559], %parallel_loop3A_562 {strides = array<i32>} : memref<96x128xf32, #tpu.memory_space<vmem>>, vector<1x16xf32>,
          %parallel_loop3A_563 = arith.index_cast %parallel_loop3A_552 : i32 to index
          %parallel_loop3A_564 = arith.constant 80 : index
          %parallel_loop3A_565 = tpu.vector_load %arg17[%parallel_loop3A_563, %parallel_loop3A_564] {strides = array<i32>} : memref<96x128xf32, #tpu.memory_space<vmem>>, vector<1x16xf32>,
          %parallel_loop3A_566 = vector.shape_cast %parallel_loop3A_565 : vector<1x16xf32> to vector<16xf32>
          %parallel_loop3A_567 = arith.addf %parallel_loop3A_566, %parallel_loop3A_524 : vector<16xf32>
          %parallel_loop3A_568 = arith.index_cast %parallel_loop3A_552 : i32 to index
          %parallel_loop3A_569 = arith.constant 80 : index
          %parallel_loop3A_570 = tpu.vector_load %arg21[%parallel_loop3A_568, %parallel_loop3A_569] {strides = array<i32>} : memref<96x128xf32, #tpu.memory_space<vmem>>, vector<1x16xf32>,
          %parallel_loop3A_571 = vector.shape_cast %parallel_loop3A_570 : vector<1x16xf32> to vector<16xf32>
          %parallel_loop3A_572 = vector.shape_cast %parallel_loop3A_567 : vector<16xf32> to vector<1x16xf32>
          tpu.vector_store %arg21[%parallel_loop3A_568, %parallel_loop3A_569], %parallel_loop3A_572 {strides = array<i32>} : memref<96x128xf32, #tpu.memory_space<vmem>>, vector<1x16xf32>,
          %parallel_loop3A_573 = arith.index_cast %parallel_loop3A_230 : i32 to index
          %parallel_loop3A_574 = arith.constant 96 : index
          %parallel_loop3A_575 = tpu.vector_load %arg12[%parallel_loop3A_573, %parallel_loop3A_574] {strides = array<i32>} : memref<48x128xf32, #tpu.memory_space<vmem>>, vector<1x16xf32>,
          %parallel_loop3A_576 = vector.shape_cast %parallel_loop3A_575 : vector<1x16xf32> to vector<16xf32>
          %parallel_loop3A_577 = arith.index_cast %parallel_loop3A_230 : i32 to index
          %parallel_loop3A_578 = arith.constant 96 : index
          %parallel_loop3A_579 = tpu.vector_load %arg13[%parallel_loop3A_577, %parallel_loop3A_578] {strides = array<i32>} : memref<48x128xf32, #tpu.memory_space<vmem>>, vector<1x16xf32>,
          %parallel_loop3A_580 = vector.shape_cast %parallel_loop3A_579 : vector<1x16xf32> to vector<16xf32>
          %parallel_loop3A_581 = arith.addf %parallel_loop3A_576, %parallel_loop3A_580 : vector<16xf32>
          %parallel_loop3A_582 = arith.constant 2 : i32
          %parallel_loop3A_583 = arith.muli %parallel_loop3A_230, %parallel_loop3A_582 : i32
          %parallel_loop3A_584 = arith.constant 0 : i32
          %parallel_loop3A_585 = arith.addi %parallel_loop3A_583, %parallel_loop3A_584 : i32
          %parallel_loop3A_586 = arith.index_cast %parallel_loop3A_585 : i32 to index
          %parallel_loop3A_587 = arith.constant 96 : index
          %parallel_loop3A_588 = tpu.vector_load %arg16[%parallel_loop3A_586, %parallel_loop3A_587] {strides = array<i32>} : memref<96x128xf32, #tpu.memory_space<vmem>>, vector<1x16xf32>,
          %parallel_loop3A_589 = vector.shape_cast %parallel_loop3A_588 : vector<1x16xf32> to vector<16xf32>
          %parallel_loop3A_590 = arith.addf %parallel_loop3A_589, %parallel_loop3A_581 : vector<16xf32>
          %parallel_loop3A_591 = arith.index_cast %parallel_loop3A_585 : i32 to index
          %parallel_loop3A_592 = arith.constant 96 : index
          %parallel_loop3A_593 = tpu.vector_load %arg20[%parallel_loop3A_591, %parallel_loop3A_592] {strides = array<i32>} : memref<96x128xf32, #tpu.memory_space<vmem>>, vector<1x16xf32>,
          %parallel_loop3A_594 = vector.shape_cast %parallel_loop3A_593 : vector<1x16xf32> to vector<16xf32>
          %parallel_loop3A_595 = vector.shape_cast %parallel_loop3A_590 : vector<16xf32> to vector<1x16xf32>
          tpu.vector_store %arg20[%parallel_loop3A_591, %parallel_loop3A_592], %parallel_loop3A_595 {strides = array<i32>} : memref<96x128xf32, #tpu.memory_space<vmem>>, vector<1x16xf32>,
          %parallel_loop3A_596 = arith.index_cast %parallel_loop3A_585 : i32 to index
          %parallel_loop3A_597 = arith.constant 96 : index
          %parallel_loop3A_598 = tpu.vector_load %arg17[%parallel_loop3A_596, %parallel_loop3A_597] {strides = array<i32>} : memref<96x128xf32, #tpu.memory_space<vmem>>, vector<1x16xf32>,
          %parallel_loop3A_599 = vector.shape_cast %parallel_loop3A_598 : vector<1x16xf32> to vector<16xf32>
          %parallel_loop3A_600 = arith.addf %parallel_loop3A_599, %parallel_loop3A_581 : vector<16xf32>
          %parallel_loop3A_601 = arith.index_cast %parallel_loop3A_585 : i32 to index
          %parallel_loop3A_602 = arith.constant 96 : index
          %parallel_loop3A_603 = tpu.vector_load %arg21[%parallel_loop3A_601, %parallel_loop3A_602] {strides = array<i32>} : memref<96x128xf32, #tpu.memory_space<vmem>>, vector<1x16xf32>,
          %parallel_loop3A_604 = vector.shape_cast %parallel_loop3A_603 : vector<1x16xf32> to vector<16xf32>
          %parallel_loop3A_605 = vector.shape_cast %parallel_loop3A_600 : vector<16xf32> to vector<1x16xf32>
          tpu.vector_store %arg21[%parallel_loop3A_601, %parallel_loop3A_602], %parallel_loop3A_605 {strides = array<i32>} : memref<96x128xf32, #tpu.memory_space<vmem>>, vector<1x16xf32>,
          %parallel_loop3A_606 = arith.constant 2 : i32
          %parallel_loop3A_607 = arith.muli %parallel_loop3A_230, %parallel_loop3A_606 : i32
          %parallel_loop3A_608 = arith.constant 1 : i32
          %parallel_loop3A_609 = arith.addi %parallel_loop3A_607, %parallel_loop3A_608 : i32
          %parallel_loop3A_610 = arith.index_cast %parallel_loop3A_609 : i32 to index
          %parallel_loop3A_611 = arith.constant 96 : index
          %parallel_loop3A_612 = tpu.vector_load %arg16[%parallel_loop3A_610, %parallel_loop3A_611] {strides = array<i32>} : memref<96x128xf32, #tpu.memory_space<vmem>>, vector<1x16xf32>,
          %parallel_loop3A_613 = vector.shape_cast %parallel_loop3A_612 : vector<1x16xf32> to vector<16xf32>
          %parallel_loop3A_614 = arith.addf %parallel_loop3A_613, %parallel_loop3A_581 : vector<16xf32>
          %parallel_loop3A_615 = arith.index_cast %parallel_loop3A_609 : i32 to index
          %parallel_loop3A_616 = arith.constant 96 : index
          %parallel_loop3A_617 = tpu.vector_load %arg20[%parallel_loop3A_615, %parallel_loop3A_616] {strides = array<i32>} : memref<96x128xf32, #tpu.memory_space<vmem>>, vector<1x16xf32>,
          %parallel_loop3A_618 = vector.shape_cast %parallel_loop3A_617 : vector<1x16xf32> to vector<16xf32>
          %parallel_loop3A_619 = vector.shape_cast %parallel_loop3A_614 : vector<16xf32> to vector<1x16xf32>
          tpu.vector_store %arg20[%parallel_loop3A_615, %parallel_loop3A_616], %parallel_loop3A_619 {strides = array<i32>} : memref<96x128xf32, #tpu.memory_space<vmem>>, vector<1x16xf32>,
          %parallel_loop3A_620 = arith.index_cast %parallel_loop3A_609 : i32 to index
          %parallel_loop3A_621 = arith.constant 96 : index
          %parallel_loop3A_622 = tpu.vector_load %arg17[%parallel_loop3A_620, %parallel_loop3A_621] {strides = array<i32>} : memref<96x128xf32, #tpu.memory_space<vmem>>, vector<1x16xf32>,
          %parallel_loop3A_623 = vector.shape_cast %parallel_loop3A_622 : vector<1x16xf32> to vector<16xf32>
          %parallel_loop3A_624 = arith.addf %parallel_loop3A_623, %parallel_loop3A_581 : vector<16xf32>
          %parallel_loop3A_625 = arith.index_cast %parallel_loop3A_609 : i32 to index
          %parallel_loop3A_626 = arith.constant 96 : index
          %parallel_loop3A_627 = tpu.vector_load %arg21[%parallel_loop3A_625, %parallel_loop3A_626] {strides = array<i32>} : memref<96x128xf32, #tpu.memory_space<vmem>>, vector<1x16xf32>,
          %parallel_loop3A_628 = vector.shape_cast %parallel_loop3A_627 : vector<1x16xf32> to vector<16xf32>
          %parallel_loop3A_629 = vector.shape_cast %parallel_loop3A_624 : vector<16xf32> to vector<1x16xf32>
          tpu.vector_store %arg21[%parallel_loop3A_625, %parallel_loop3A_626], %parallel_loop3A_629 {strides = array<i32>} : memref<96x128xf32, #tpu.memory_space<vmem>>, vector<1x16xf32>,
          %parallel_loop3A_630 = arith.index_cast %parallel_loop3A_230 : i32 to index
          %parallel_loop3A_631 = arith.constant 112 : index
          %parallel_loop3A_632 = tpu.vector_load %arg12[%parallel_loop3A_630, %parallel_loop3A_631] {strides = array<i32>} : memref<48x128xf32, #tpu.memory_space<vmem>>, vector<1x16xf32>,
          %parallel_loop3A_633 = vector.shape_cast %parallel_loop3A_632 : vector<1x16xf32> to vector<16xf32>
          %parallel_loop3A_634 = arith.index_cast %parallel_loop3A_230 : i32 to index
          %parallel_loop3A_635 = arith.constant 112 : index
          %parallel_loop3A_636 = tpu.vector_load %arg13[%parallel_loop3A_634, %parallel_loop3A_635] {strides = array<i32>} : memref<48x128xf32, #tpu.memory_space<vmem>>, vector<1x16xf32>,
          %parallel_loop3A_637 = vector.shape_cast %parallel_loop3A_636 : vector<1x16xf32> to vector<16xf32>
          %parallel_loop3A_638 = arith.addf %parallel_loop3A_633, %parallel_loop3A_637 : vector<16xf32>
          %parallel_loop3A_639 = arith.constant 2 : i32
          %parallel_loop3A_640 = arith.muli %parallel_loop3A_230, %parallel_loop3A_639 : i32
          %parallel_loop3A_641 = arith.constant 0 : i32
          %parallel_loop3A_642 = arith.addi %parallel_loop3A_640, %parallel_loop3A_641 : i32
          %parallel_loop3A_643 = arith.index_cast %parallel_loop3A_642 : i32 to index
          %parallel_loop3A_644 = arith.constant 112 : index
          %parallel_loop3A_645 = tpu.vector_load %arg16[%parallel_loop3A_643, %parallel_loop3A_644] {strides = array<i32>} : memref<96x128xf32, #tpu.memory_space<vmem>>, vector<1x16xf32>,
          %parallel_loop3A_646 = vector.shape_cast %parallel_loop3A_645 : vector<1x16xf32> to vector<16xf32>
          %parallel_loop3A_647 = arith.addf %parallel_loop3A_646, %parallel_loop3A_638 : vector<16xf32>
          %parallel_loop3A_648 = arith.index_cast %parallel_loop3A_642 : i32 to index
          %parallel_loop3A_649 = arith.constant 112 : index
          %parallel_loop3A_650 = tpu.vector_load %arg20[%parallel_loop3A_648, %parallel_loop3A_649] {strides = array<i32>} : memref<96x128xf32, #tpu.memory_space<vmem>>, vector<1x16xf32>,
          %parallel_loop3A_651 = vector.shape_cast %parallel_loop3A_650 : vector<1x16xf32> to vector<16xf32>
          %parallel_loop3A_652 = vector.shape_cast %parallel_loop3A_647 : vector<16xf32> to vector<1x16xf32>
          tpu.vector_store %arg20[%parallel_loop3A_648, %parallel_loop3A_649], %parallel_loop3A_652 {strides = array<i32>} : memref<96x128xf32, #tpu.memory_space<vmem>>, vector<1x16xf32>,
          %parallel_loop3A_653 = arith.index_cast %parallel_loop3A_642 : i32 to index
          %parallel_loop3A_654 = arith.constant 112 : index
          %parallel_loop3A_655 = tpu.vector_load %arg17[%parallel_loop3A_653, %parallel_loop3A_654] {strides = array<i32>} : memref<96x128xf32, #tpu.memory_space<vmem>>, vector<1x16xf32>,
          %parallel_loop3A_656 = vector.shape_cast %parallel_loop3A_655 : vector<1x16xf32> to vector<16xf32>
          %parallel_loop3A_657 = arith.addf %parallel_loop3A_656, %parallel_loop3A_638 : vector<16xf32>
          %parallel_loop3A_658 = arith.index_cast %parallel_loop3A_642 : i32 to index
          %parallel_loop3A_659 = arith.constant 112 : index
          %parallel_loop3A_660 = tpu.vector_load %arg21[%parallel_loop3A_658, %parallel_loop3A_659] {strides = array<i32>} : memref<96x128xf32, #tpu.memory_space<vmem>>, vector<1x16xf32>,
          %parallel_loop3A_661 = vector.shape_cast %parallel_loop3A_660 : vector<1x16xf32> to vector<16xf32>
          %parallel_loop3A_662 = vector.shape_cast %parallel_loop3A_657 : vector<16xf32> to vector<1x16xf32>
          tpu.vector_store %arg21[%parallel_loop3A_658, %parallel_loop3A_659], %parallel_loop3A_662 {strides = array<i32>} : memref<96x128xf32, #tpu.memory_space<vmem>>, vector<1x16xf32>,
          %parallel_loop3A_663 = arith.constant 2 : i32
          %parallel_loop3A_664 = arith.muli %parallel_loop3A_230, %parallel_loop3A_663 : i32
          %parallel_loop3A_665 = arith.constant 1 : i32
          %parallel_loop3A_666 = arith.addi %parallel_loop3A_664, %parallel_loop3A_665 : i32
          %parallel_loop3A_667 = arith.index_cast %parallel_loop3A_666 : i32 to index
          %parallel_loop3A_668 = arith.constant 112 : index
          %parallel_loop3A_669 = tpu.vector_load %arg16[%parallel_loop3A_667, %parallel_loop3A_668] {strides = array<i32>} : memref<96x128xf32, #tpu.memory_space<vmem>>, vector<1x16xf32>,
          %parallel_loop3A_670 = vector.shape_cast %parallel_loop3A_669 : vector<1x16xf32> to vector<16xf32>
          %parallel_loop3A_671 = arith.addf %parallel_loop3A_670, %parallel_loop3A_638 : vector<16xf32>
          %parallel_loop3A_672 = arith.index_cast %parallel_loop3A_666 : i32 to index
          %parallel_loop3A_673 = arith.constant 112 : index
          %parallel_loop3A_674 = tpu.vector_load %arg20[%parallel_loop3A_672, %parallel_loop3A_673] {strides = array<i32>} : memref<96x128xf32, #tpu.memory_space<vmem>>, vector<1x16xf32>,
          %parallel_loop3A_675 = vector.shape_cast %parallel_loop3A_674 : vector<1x16xf32> to vector<16xf32>
          %parallel_loop3A_676 = vector.shape_cast %parallel_loop3A_671 : vector<16xf32> to vector<1x16xf32>
          tpu.vector_store %arg20[%parallel_loop3A_672, %parallel_loop3A_673], %parallel_loop3A_676 {strides = array<i32>} : memref<96x128xf32, #tpu.memory_space<vmem>>, vector<1x16xf32>,
          %parallel_loop3A_677 = arith.index_cast %parallel_loop3A_666 : i32 to index
          %parallel_loop3A_678 = arith.constant 112 : index
          %parallel_loop3A_679 = tpu.vector_load %arg17[%parallel_loop3A_677, %parallel_loop3A_678] {strides = array<i32>} : memref<96x128xf32, #tpu.memory_space<vmem>>, vector<1x16xf32>,
          %parallel_loop3A_680 = vector.shape_cast %parallel_loop3A_679 : vector<1x16xf32> to vector<16xf32>
          %parallel_loop3A_681 = arith.addf %parallel_loop3A_680, %parallel_loop3A_638 : vector<16xf32>
          %parallel_loop3A_682 = arith.index_cast %parallel_loop3A_666 : i32 to index
          %parallel_loop3A_683 = arith.constant 112 : index
          %parallel_loop3A_684 = tpu.vector_load %arg21[%parallel_loop3A_682, %parallel_loop3A_683] {strides = array<i32>} : memref<96x128xf32, #tpu.memory_space<vmem>>, vector<1x16xf32>,
          %parallel_loop3A_685 = vector.shape_cast %parallel_loop3A_684 : vector<1x16xf32> to vector<16xf32>
          %parallel_loop3A_686 = vector.shape_cast %parallel_loop3A_681 : vector<16xf32> to vector<1x16xf32>
          tpu.vector_store %arg21[%parallel_loop3A_682, %parallel_loop3A_683], %parallel_loop3A_686 {strides = array<i32>} : memref<96x128xf32, #tpu.memory_space<vmem>>, vector<1x16xf32>,
        } {sc.loop_unroll_factor = 4 : i64, sc.parallel_access}
        %mul3A_200 = arith.constant 32 : i32
        %mul3A_201 = arith.muli %mul3A_109, %mul3A_200 : i32
        %add3A_202 = arith.addi %add3A, %mul3A_201 : i32
        %mul3A_203 = arith.constant 48 : i32
        %mul3A_204 = arith.muli %add3A_202, %mul3A_203 : i32
        %min3A_205 = arith.constant 49952 : i32
        %min3A_206 = arith.minsi %mul3A_204, %min3A_205 : i32
        %mul3A_207 = arith.constant 2 : i32
        %mul3A_208 = arith.muli %min3A_206, %mul3A_207 : i32
        %add3A_209 = arith.constant 0 : i32
        %add3A_210 = arith.addi %add3A_209, %mul3A_208 : i32
        %dma_start3A_211 = arith.constant 0 : i32
        %dma_start3A_212 = tpu.memref_slice %arg7[%add3A_210, %dma_start3A_211] : memref<200000x128xf32, #tpu.memory_space<hbm>> -> memref<96x128xf32, #tpu.memory_space<hbm>>
        %dma_start3A_213 = arith.constant 0 : i32
        %dma_start3A_214 = tpu.memref_slice %arg7[%add3A_210, %dma_start3A_213] : memref<200000x128xf32, #tpu.memory_space<hbm>> -> memref<96x128xf32, #tpu.memory_space<hbm>>
        tpu.enqueue_dma source(%arg20 : memref<96x128xf32, #tpu.memory_space<vmem>>) target(%dma_start3A_214 : memref<96x128xf32, #tpu.memory_space<hbm>>) target_semaphore(%arg28 : memref<!tpu.dma_semaphore, #tpu.memory_space<semaphore_mem>>)
        %mul3A_215 = arith.constant 32 : i32
        %mul3A_216 = arith.muli %mul3A_109, %mul3A_215 : i32
        %add3A_217 = arith.addi %add3A, %mul3A_216 : i32
        %mul3A_218 = arith.constant 48 : i32
        %mul3A_219 = arith.muli %add3A_217, %mul3A_218 : i32
        %min3A_220 = arith.constant 49952 : i32
        %min3A_221 = arith.minsi %mul3A_219, %min3A_220 : i32
        %mul3A_222 = arith.constant 2 : i32
        %mul3A_223 = arith.muli %min3A_221, %mul3A_222 : i32
        %add3A_224 = arith.constant 100000 : i32
        %add3A_225 = arith.addi %add3A_224, %mul3A_223 : i32
        %dma_start3A_226 = arith.constant 0 : i32
        %dma_start3A_227 = tpu.memref_slice %arg7[%add3A_225, %dma_start3A_226] : memref<200000x128xf32, #tpu.memory_space<hbm>> -> memref<96x128xf32, #tpu.memory_space<hbm>>
        %dma_start3A_228 = arith.constant 0 : i32
        %dma_start3A_229 = tpu.memref_slice %arg7[%add3A_225, %dma_start3A_228] : memref<200000x128xf32, #tpu.memory_space<hbm>> -> memref<96x128xf32, #tpu.memory_space<hbm>>
        tpu.enqueue_dma source(%arg21 : memref<96x128xf32, #tpu.memory_space<vmem>>) target(%dma_start3A_229 : memref<96x128xf32, #tpu.memory_space<hbm>>) target_semaphore(%arg28 : memref<!tpu.dma_semaphore, #tpu.memory_space<semaphore_mem>>)
      } else {
      }
      %add3A_141 = arith.constant 2 : i32
      %add3A_142 = arith.addi %mul3A_109, %add3A_141 : i32
      %mul3A_143 = arith.constant 32 : i32
      %mul3A_144 = arith.muli %add3A_142, %mul3A_143 : i32
      %add3A_145 = arith.addi %add3A, %mul3A_144 : i32
      %lt3A_146 = arith.constant 1042 : i32
      %lt3A_147 = arith.cmpi slt, %add3A_145, %lt3A_146 : i32
      %convert_element_type3A_148 = arith.extui %lt3A_147 : i1 to i32
      %cond3A_149 = arith.constant 0 : i32
      %cond3A_150 = arith.cmpi ne, %convert_element_type3A_148, %cond3A_149 : i32
      scf.if %cond3A_150 {
        %dma_wait3A = arith.constant 0 : i32
        %dma_wait3A_171 = tpu.memref_slice %arg3[%dma_wait3A] : memref<50000xi32, #tpu.memory_space<hbm>> -> memref<48xi32, #tpu.memory_space<hbm>>
        %dma_wait3A_172 = arith.constant 0 : i32
        %dma_wait3A_173 = tpu.memref_slice %arg3[%dma_wait3A_172] : memref<50000xi32, #tpu.memory_space<hbm>> -> memref<48xi32, #tpu.memory_space<hbm>>
        tpu.wait_dma2 semaphore(%arg24 : memref<!tpu.dma_semaphore, #tpu.memory_space<semaphore_mem>>) src(%dma_wait3A_173 : memref<48xi32, #tpu.memory_space<hbm>>) dst(%arg8 : memref<48xi32, #tpu.memory_space<vmem>>)
        %dma_wait3A_174 = arith.constant 0 : i32
        %dma_wait3A_175 = tpu.memref_slice %arg4[%dma_wait3A_174] : memref<50000xi32, #tpu.memory_space<hbm>> -> memref<48xi32, #tpu.memory_space<hbm>>
        %dma_wait3A_176 = arith.constant 0 : i32
        %dma_wait3A_177 = tpu.memref_slice %arg4[%dma_wait3A_176] : memref<50000xi32, #tpu.memory_space<hbm>> -> memref<48xi32, #tpu.memory_space<hbm>>
        tpu.wait_dma2 semaphore(%arg24 : memref<!tpu.dma_semaphore, #tpu.memory_space<semaphore_mem>>) src(%dma_wait3A_177 : memref<48xi32, #tpu.memory_space<hbm>>) dst(%arg9 : memref<48xi32, #tpu.memory_space<vmem>>)
        %add3A_178 = arith.constant 2 : i32
        %add3A_179 = arith.addi %mul3A_109, %add3A_178 : i32
        %dma_start3A_180 = arith.constant 0 : i32
        %dma_start3A_181 = arith.constant 0 : i32
        %dma_start3A_182 = tpu.memref_slice %arg5[%dma_start3A_180, %dma_start3A_181] : memref<512x128xf32, #tpu.memory_space<hbm>> -> memref<512x128xf32, #tpu.memory_space<hbm>>
        tpu.enqueue_indirect_dma source(%dma_start3A_182 : memref<512x128xf32, #tpu.memory_space<hbm>>) target(%arg12 : memref<48x128xf32, #tpu.memory_space<vmem>>) offsets(%arg8 : memref<48xi32, #tpu.memory_space<vmem>>) semaphore(%arg26 : memref<!tpu.dma_semaphore, #tpu.memory_space<semaphore_mem>>)
        %dma_start3A_183 = arith.constant 0 : i32
        %dma_start3A_184 = arith.constant 0 : i32
        %dma_start3A_185 = tpu.memref_slice %arg6[%dma_start3A_183, %dma_start3A_184] : memref<512x128xf32, #tpu.memory_space<hbm>> -> memref<512x128xf32, #tpu.memory_space<hbm>>
        tpu.enqueue_indirect_dma source(%dma_start3A_185 : memref<512x128xf32, #tpu.memory_space<hbm>>) target(%arg13 : memref<48x128xf32, #tpu.memory_space<vmem>>) offsets(%arg9 : memref<48xi32, #tpu.memory_space<vmem>>) semaphore(%arg26 : memref<!tpu.dma_semaphore, #tpu.memory_space<semaphore_mem>>)
        %mul3A_186 = arith.constant 32 : i32
        %mul3A_187 = arith.muli %add3A_179, %mul3A_186 : i32
        %add3A_188 = arith.addi %add3A, %mul3A_187 : i32
        %mul3A_189 = arith.constant 48 : i32
        %mul3A_190 = arith.muli %add3A_188, %mul3A_189 : i32
        %min3A_191 = arith.constant 49952 : i32
        %min3A_192 = arith.minsi %mul3A_190, %min3A_191 : i32
        %mul3A_193 = arith.constant 2 : i32
        %mul3A_194 = arith.muli %min3A_192, %mul3A_193 : i32
        %add3A_195 = arith.constant 0 : i32
        %add3A_196 = arith.addi %add3A_195, %mul3A_194 : i32
        %dma_start3A_197 = arith.constant 0 : i32
        %dma_start3A_198 = tpu.memref_slice %arg2[%add3A_196, %dma_start3A_197] : memref<200000x128xf32, #tpu.memory_space<hbm>> -> memref<96x128xf32, #tpu.memory_space<hbm>>
        %dma_start3A_199 = arith.constant 0 : i32
        %dma_start3A_200 = tpu.memref_slice %arg2[%add3A_196, %dma_start3A_199] : memref<200000x128xf32, #tpu.memory_space<hbm>> -> memref<96x128xf32, #tpu.memory_space<hbm>>
        tpu.enqueue_dma source(%dma_start3A_200 : memref<96x128xf32, #tpu.memory_space<hbm>>) target(%arg16 : memref<96x128xf32, #tpu.memory_space<vmem>>) target_semaphore(%arg26 : memref<!tpu.dma_semaphore, #tpu.memory_space<semaphore_mem>>)
        %mul3A_201 = arith.constant 32 : i32
        %mul3A_202 = arith.muli %add3A_179, %mul3A_201 : i32
        %add3A_203 = arith.addi %add3A, %mul3A_202 : i32
        %mul3A_204 = arith.constant 48 : i32
        %mul3A_205 = arith.muli %add3A_203, %mul3A_204 : i32
        %min3A_206 = arith.constant 49952 : i32
        %min3A_207 = arith.minsi %mul3A_205, %min3A_206 : i32
        %mul3A_208 = arith.constant 2 : i32
        %mul3A_209 = arith.muli %min3A_207, %mul3A_208 : i32
        %add3A_210 = arith.constant 100000 : i32
        %add3A_211 = arith.addi %add3A_210, %mul3A_209 : i32
        %dma_start3A_212 = arith.constant 0 : i32
        %dma_start3A_213 = tpu.memref_slice %arg2[%add3A_211, %dma_start3A_212] : memref<200000x128xf32, #tpu.memory_space<hbm>> -> memref<96x128xf32, #tpu.memory_space<hbm>>
        %dma_start3A_214 = arith.constant 0 : i32
        %dma_start3A_215 = tpu.memref_slice %arg2[%add3A_211, %dma_start3A_214] : memref<200000x128xf32, #tpu.memory_space<hbm>> -> memref<96x128xf32, #tpu.memory_space<hbm>>
        tpu.enqueue_dma source(%dma_start3A_215 : memref<96x128xf32, #tpu.memory_space<hbm>>) target(%arg17 : memref<96x128xf32, #tpu.memory_space<vmem>>) target_semaphore(%arg26 : memref<!tpu.dma_semaphore, #tpu.memory_space<semaphore_mem>>)
      } else {
      }
      %add3A_151 = arith.constant 1 : i32
      %add3A_152 = arith.addi %mul3A_109, %add3A_151 : i32
      %mul3A_153 = arith.constant 32 : i32
      %mul3A_154 = arith.muli %add3A_152, %mul3A_153 : i32
      %add3A_155 = arith.addi %add3A, %mul3A_154 : i32
      %lt3A_156 = arith.constant 1042 : i32
      %lt3A_157 = arith.cmpi slt, %add3A_155, %lt3A_156 : i32
      %convert_element_type3A_158 = arith.extui %lt3A_157 : i1 to i32
      %cond3A_159 = arith.constant 0 : i32
      %cond3A_160 = arith.cmpi ne, %convert_element_type3A_158, %cond3A_159 : i32
      scf.if %cond3A_160 {
        %dma_wait3A = arith.constant 0 : i32
        %dma_wait3A_171 = arith.constant 0 : i32
        %dma_wait3A_172 = tpu.memref_slice %arg5[%dma_wait3A, %dma_wait3A_171] : memref<512x128xf32, #tpu.memory_space<hbm>> -> memref<512x128xf32, #tpu.memory_space<hbm>>
        tpu.wait_indirect_dma semaphore(%arg27 : memref<!tpu.dma_semaphore, #tpu.memory_space<semaphore_mem>>) src(%dma_wait3A_172 : memref<512x128xf32, #tpu.memory_space<hbm>>) dst(%arg14 : memref<48x128xf32, #tpu.memory_space<vmem>>)
        %dma_wait3A_173 = arith.constant 0 : i32
        %dma_wait3A_174 = arith.constant 0 : i32
        %dma_wait3A_175 = tpu.memref_slice %arg6[%dma_wait3A_173, %dma_wait3A_174] : memref<512x128xf32, #tpu.memory_space<hbm>> -> memref<512x128xf32, #tpu.memory_space<hbm>>
        tpu.wait_indirect_dma semaphore(%arg27 : memref<!tpu.dma_semaphore, #tpu.memory_space<semaphore_mem>>) src(%dma_wait3A_175 : memref<512x128xf32, #tpu.memory_space<hbm>>) dst(%arg15 : memref<48x128xf32, #tpu.memory_space<vmem>>)
        %dma_wait3A_176 = arith.constant 0 : i32
        %dma_wait3A_177 = arith.constant 0 : i32
        %dma_wait3A_178 = tpu.memref_slice %arg2[%dma_wait3A_176, %dma_wait3A_177] : memref<200000x128xf32, #tpu.memory_space<hbm>> -> memref<96x128xf32, #tpu.memory_space<hbm>>
        %dma_wait3A_179 = arith.constant 0 : i32
        %dma_wait3A_180 = arith.constant 0 : i32
        %dma_wait3A_181 = tpu.memref_slice %arg2[%dma_wait3A_179, %dma_wait3A_180] : memref<200000x128xf32, #tpu.memory_space<hbm>> -> memref<96x128xf32, #tpu.memory_space<hbm>>
        tpu.wait_dma2 semaphore(%arg27 : memref<!tpu.dma_semaphore, #tpu.memory_space<semaphore_mem>>) src(%dma_wait3A_181 : memref<96x128xf32, #tpu.memory_space<hbm>>) dst(%arg18 : memref<96x128xf32, #tpu.memory_space<vmem>>)
        %dma_wait3A_182 = arith.constant 0 : i32
        %dma_wait3A_183 = arith.constant 0 : i32
        %dma_wait3A_184 = tpu.memref_slice %arg2[%dma_wait3A_182, %dma_wait3A_183] : memref<200000x128xf32, #tpu.memory_space<hbm>> -> memref<96x128xf32, #tpu.memory_space<hbm>>
        %dma_wait3A_185 = arith.constant 0 : i32
        %dma_wait3A_186 = arith.constant 0 : i32
        %dma_wait3A_187 = tpu.memref_slice %arg2[%dma_wait3A_185, %dma_wait3A_186] : memref<200000x128xf32, #tpu.memory_space<hbm>> -> memref<96x128xf32, #tpu.memory_space<hbm>>
        tpu.wait_dma2 semaphore(%arg27 : memref<!tpu.dma_semaphore, #tpu.memory_space<semaphore_mem>>) src(%dma_wait3A_187 : memref<96x128xf32, #tpu.memory_space<hbm>>) dst(%arg19 : memref<96x128xf32, #tpu.memory_space<vmem>>)
        %add3A_188 = arith.constant 2 : i32
        %add3A_189 = arith.addi %add3A_152, %add3A_188 : i32
        %mul3A_190 = arith.constant 32 : i32
        %mul3A_191 = arith.muli %add3A_189, %mul3A_190 : i32
        %add3A_192 = arith.addi %add3A, %mul3A_191 : i32
        %lt3A_193 = arith.constant 1042 : i32
        %lt3A_194 = arith.cmpi slt, %add3A_192, %lt3A_193 : i32
        %convert_element_type3A_195 = arith.extui %lt3A_194 : i1 to i32
        %cond3A_196 = arith.constant 0 : i32
        %cond3A_197 = arith.cmpi ne, %convert_element_type3A_195, %cond3A_196 : i32
        scf.if %cond3A_197 {
          %mul3A_230 = arith.constant 32 : i32
          %mul3A_231 = arith.muli %add3A_189, %mul3A_230 : i32
          %add3A_232 = arith.addi %add3A, %mul3A_231 : i32
          %mul3A_233 = arith.constant 48 : i32
          %mul3A_234 = arith.muli %add3A_232, %mul3A_233 : i32
          %min3A_235 = arith.constant 49952 : i32
          %min3A_236 = arith.minsi %mul3A_234, %min3A_235 : i32
          %dma_start3A_237 = tpu.memref_slice %arg3[%min3A_236] : memref<50000xi32, #tpu.memory_space<hbm>> -> memref<48xi32, #tpu.memory_space<hbm>>
          %dma_start3A_238 = tpu.memref_slice %arg3[%min3A_236] : memref<50000xi32, #tpu.memory_space<hbm>> -> memref<48xi32, #tpu.memory_space<hbm>>
          tpu.enqueue_dma source(%dma_start3A_238 : memref<48xi32, #tpu.memory_space<hbm>>) target(%arg10 : memref<48xi32, #tpu.memory_space<vmem>>) target_semaphore(%arg25 : memref<!tpu.dma_semaphore, #tpu.memory_space<semaphore_mem>>)
          %mul3A_239 = arith.constant 32 : i32
          %mul3A_240 = arith.muli %add3A_189, %mul3A_239 : i32
          %add3A_241 = arith.addi %add3A, %mul3A_240 : i32
          %mul3A_242 = arith.constant 48 : i32
          %mul3A_243 = arith.muli %add3A_241, %mul3A_242 : i32
          %min3A_244 = arith.constant 49952 : i32
          %min3A_245 = arith.minsi %mul3A_243, %min3A_244 : i32
          %dma_start3A_246 = tpu.memref_slice %arg4[%min3A_245] : memref<50000xi32, #tpu.memory_space<hbm>> -> memref<48xi32, #tpu.memory_space<hbm>>
          %dma_start3A_247 = tpu.memref_slice %arg4[%min3A_245] : memref<50000xi32, #tpu.memory_space<hbm>> -> memref<48xi32, #tpu.memory_space<hbm>>
          tpu.enqueue_dma source(%dma_start3A_247 : memref<48xi32, #tpu.memory_space<hbm>>) target(%arg11 : memref<48xi32, #tpu.memory_space<vmem>>) target_semaphore(%arg25 : memref<!tpu.dma_semaphore, #tpu.memory_space<semaphore_mem>>)
        } else {
        }
        %parallel_loop3A = arith.constant 0 : i32
        %parallel_loop3A_198 = arith.constant 48 : i32
        %parallel_loop3A_199 = arith.constant 1 : i32
        scf.for %parallel_loop3A_230 = %parallel_loop3A to %parallel_loop3A_198 step %parallel_loop3A_199  : i32 {
          %parallel_loop3A_231 = arith.index_cast %parallel_loop3A_230 : i32 to index
          %parallel_loop3A_232 = arith.constant 0 : index
          %parallel_loop3A_233 = tpu.vector_load %arg14[%parallel_loop3A_231, %parallel_loop3A_232] {strides = array<i32>} : memref<48x128xf32, #tpu.memory_space<vmem>>, vector<1x16xf32>,
          %parallel_loop3A_234 = vector.shape_cast %parallel_loop3A_233 : vector<1x16xf32> to vector<16xf32>
          %parallel_loop3A_235 = arith.index_cast %parallel_loop3A_230 : i32 to index
          %parallel_loop3A_236 = arith.constant 0 : index
          %parallel_loop3A_237 = tpu.vector_load %arg15[%parallel_loop3A_235, %parallel_loop3A_236] {strides = array<i32>} : memref<48x128xf32, #tpu.memory_space<vmem>>, vector<1x16xf32>,
          %parallel_loop3A_238 = vector.shape_cast %parallel_loop3A_237 : vector<1x16xf32> to vector<16xf32>
          %parallel_loop3A_239 = arith.addf %parallel_loop3A_234, %parallel_loop3A_238 : vector<16xf32>
          %parallel_loop3A_240 = arith.constant 2 : i32
          %parallel_loop3A_241 = arith.muli %parallel_loop3A_230, %parallel_loop3A_240 : i32
          %parallel_loop3A_242 = arith.constant 0 : i32
          %parallel_loop3A_243 = arith.addi %parallel_loop3A_241, %parallel_loop3A_242 : i32
          %parallel_loop3A_244 = arith.index_cast %parallel_loop3A_243 : i32 to index
          %parallel_loop3A_245 = arith.constant 0 : index
          %parallel_loop3A_246 = tpu.vector_load %arg18[%parallel_loop3A_244, %parallel_loop3A_245] {strides = array<i32>} : memref<96x128xf32, #tpu.memory_space<vmem>>, vector<1x16xf32>,
          %parallel_loop3A_247 = vector.shape_cast %parallel_loop3A_246 : vector<1x16xf32> to vector<16xf32>
          %parallel_loop3A_248 = arith.addf %parallel_loop3A_247, %parallel_loop3A_239 : vector<16xf32>
          %parallel_loop3A_249 = arith.index_cast %parallel_loop3A_243 : i32 to index
          %parallel_loop3A_250 = arith.constant 0 : index
          %parallel_loop3A_251 = tpu.vector_load %arg22[%parallel_loop3A_249, %parallel_loop3A_250] {strides = array<i32>} : memref<96x128xf32, #tpu.memory_space<vmem>>, vector<1x16xf32>,
          %parallel_loop3A_252 = vector.shape_cast %parallel_loop3A_251 : vector<1x16xf32> to vector<16xf32>
          %parallel_loop3A_253 = vector.shape_cast %parallel_loop3A_248 : vector<16xf32> to vector<1x16xf32>
          tpu.vector_store %arg22[%parallel_loop3A_249, %parallel_loop3A_250], %parallel_loop3A_253 {strides = array<i32>} : memref<96x128xf32, #tpu.memory_space<vmem>>, vector<1x16xf32>,
          %parallel_loop3A_254 = arith.index_cast %parallel_loop3A_243 : i32 to index
          %parallel_loop3A_255 = arith.constant 0 : index
          %parallel_loop3A_256 = tpu.vector_load %arg19[%parallel_loop3A_254, %parallel_loop3A_255] {strides = array<i32>} : memref<96x128xf32, #tpu.memory_space<vmem>>, vector<1x16xf32>,
          %parallel_loop3A_257 = vector.shape_cast %parallel_loop3A_256 : vector<1x16xf32> to vector<16xf32>
          %parallel_loop3A_258 = arith.addf %parallel_loop3A_257, %parallel_loop3A_239 : vector<16xf32>
          %parallel_loop3A_259 = arith.index_cast %parallel_loop3A_243 : i32 to index
          %parallel_loop3A_260 = arith.constant 0 : index
          %parallel_loop3A_261 = tpu.vector_load %arg23[%parallel_loop3A_259, %parallel_loop3A_260] {strides = array<i32>} : memref<96x128xf32, #tpu.memory_space<vmem>>, vector<1x16xf32>,
          %parallel_loop3A_262 = vector.shape_cast %parallel_loop3A_261 : vector<1x16xf32> to vector<16xf32>
          %parallel_loop3A_263 = vector.shape_cast %parallel_loop3A_258 : vector<16xf32> to vector<1x16xf32>
          tpu.vector_store %arg23[%parallel_loop3A_259, %parallel_loop3A_260], %parallel_loop3A_263 {strides = array<i32>} : memref<96x128xf32, #tpu.memory_space<vmem>>, vector<1x16xf32>,
          %parallel_loop3A_264 = arith.constant 2 : i32
          %parallel_loop3A_265 = arith.muli %parallel_loop3A_230, %parallel_loop3A_264 : i32
          %parallel_loop3A_266 = arith.constant 1 : i32
          %parallel_loop3A_267 = arith.addi %parallel_loop3A_265, %parallel_loop3A_266 : i32
          %parallel_loop3A_268 = arith.index_cast %parallel_loop3A_267 : i32 to index
          %parallel_loop3A_269 = arith.constant 0 : index
          %parallel_loop3A_270 = tpu.vector_load %arg18[%parallel_loop3A_268, %parallel_loop3A_269] {strides = array<i32>} : memref<96x128xf32, #tpu.memory_space<vmem>>, vector<1x16xf32>,
          %parallel_loop3A_271 = vector.shape_cast %parallel_loop3A_270 : vector<1x16xf32> to vector<16xf32>
          %parallel_loop3A_272 = arith.addf %parallel_loop3A_271, %parallel_loop3A_239 : vector<16xf32>
          %parallel_loop3A_273 = arith.index_cast %parallel_loop3A_267 : i32 to index
          %parallel_loop3A_274 = arith.constant 0 : index
          %parallel_loop3A_275 = tpu.vector_load %arg22[%parallel_loop3A_273, %parallel_loop3A_274] {strides = array<i32>} : memref<96x128xf32, #tpu.memory_space<vmem>>, vector<1x16xf32>,
          %parallel_loop3A_276 = vector.shape_cast %parallel_loop3A_275 : vector<1x16xf32> to vector<16xf32>
          %parallel_loop3A_277 = vector.shape_cast %parallel_loop3A_272 : vector<16xf32> to vector<1x16xf32>
          tpu.vector_store %arg22[%parallel_loop3A_273, %parallel_loop3A_274], %parallel_loop3A_277 {strides = array<i32>} : memref<96x128xf32, #tpu.memory_space<vmem>>, vector<1x16xf32>,
          %parallel_loop3A_278 = arith.index_cast %parallel_loop3A_267 : i32 to index
          %parallel_loop3A_279 = arith.constant 0 : index
          %parallel_loop3A_280 = tpu.vector_load %arg19[%parallel_loop3A_278, %parallel_loop3A_279] {strides = array<i32>} : memref<96x128xf32, #tpu.memory_space<vmem>>, vector<1x16xf32>,
          %parallel_loop3A_281 = vector.shape_cast %parallel_loop3A_280 : vector<1x16xf32> to vector<16xf32>
          %parallel_loop3A_282 = arith.addf %parallel_loop3A_281, %parallel_loop3A_239 : vector<16xf32>
          %parallel_loop3A_283 = arith.index_cast %parallel_loop3A_267 : i32 to index
          %parallel_loop3A_284 = arith.constant 0 : index
          %parallel_loop3A_285 = tpu.vector_load %arg23[%parallel_loop3A_283, %parallel_loop3A_284] {strides = array<i32>} : memref<96x128xf32, #tpu.memory_space<vmem>>, vector<1x16xf32>,
          %parallel_loop3A_286 = vector.shape_cast %parallel_loop3A_285 : vector<1x16xf32> to vector<16xf32>
          %parallel_loop3A_287 = vector.shape_cast %parallel_loop3A_282 : vector<16xf32> to vector<1x16xf32>
          tpu.vector_store %arg23[%parallel_loop3A_283, %parallel_loop3A_284], %parallel_loop3A_287 {strides = array<i32>} : memref<96x128xf32, #tpu.memory_space<vmem>>, vector<1x16xf32>,
          %parallel_loop3A_288 = arith.index_cast %parallel_loop3A_230 : i32 to index
          %parallel_loop3A_289 = arith.constant 16 : index
          %parallel_loop3A_290 = tpu.vector_load %arg14[%parallel_loop3A_288, %parallel_loop3A_289] {strides = array<i32>} : memref<48x128xf32, #tpu.memory_space<vmem>>, vector<1x16xf32>,
          %parallel_loop3A_291 = vector.shape_cast %parallel_loop3A_290 : vector<1x16xf32> to vector<16xf32>
          %parallel_loop3A_292 = arith.index_cast %parallel_loop3A_230 : i32 to index
          %parallel_loop3A_293 = arith.constant 16 : index
          %parallel_loop3A_294 = tpu.vector_load %arg15[%parallel_loop3A_292, %parallel_loop3A_293] {strides = array<i32>} : memref<48x128xf32, #tpu.memory_space<vmem>>, vector<1x16xf32>,
          %parallel_loop3A_295 = vector.shape_cast %parallel_loop3A_294 : vector<1x16xf32> to vector<16xf32>
          %parallel_loop3A_296 = arith.addf %parallel_loop3A_291, %parallel_loop3A_295 : vector<16xf32>
          %parallel_loop3A_297 = arith.constant 2 : i32
          %parallel_loop3A_298 = arith.muli %parallel_loop3A_230, %parallel_loop3A_297 : i32
          %parallel_loop3A_299 = arith.constant 0 : i32
          %parallel_loop3A_300 = arith.addi %parallel_loop3A_298, %parallel_loop3A_299 : i32
          %parallel_loop3A_301 = arith.index_cast %parallel_loop3A_300 : i32 to index
          %parallel_loop3A_302 = arith.constant 16 : index
          %parallel_loop3A_303 = tpu.vector_load %arg18[%parallel_loop3A_301, %parallel_loop3A_302] {strides = array<i32>} : memref<96x128xf32, #tpu.memory_space<vmem>>, vector<1x16xf32>,
          %parallel_loop3A_304 = vector.shape_cast %parallel_loop3A_303 : vector<1x16xf32> to vector<16xf32>
          %parallel_loop3A_305 = arith.addf %parallel_loop3A_304, %parallel_loop3A_296 : vector<16xf32>
          %parallel_loop3A_306 = arith.index_cast %parallel_loop3A_300 : i32 to index
          %parallel_loop3A_307 = arith.constant 16 : index
          %parallel_loop3A_308 = tpu.vector_load %arg22[%parallel_loop3A_306, %parallel_loop3A_307] {strides = array<i32>} : memref<96x128xf32, #tpu.memory_space<vmem>>, vector<1x16xf32>,
          %parallel_loop3A_309 = vector.shape_cast %parallel_loop3A_308 : vector<1x16xf32> to vector<16xf32>
          %parallel_loop3A_310 = vector.shape_cast %parallel_loop3A_305 : vector<16xf32> to vector<1x16xf32>
          tpu.vector_store %arg22[%parallel_loop3A_306, %parallel_loop3A_307], %parallel_loop3A_310 {strides = array<i32>} : memref<96x128xf32, #tpu.memory_space<vmem>>, vector<1x16xf32>,
          %parallel_loop3A_311 = arith.index_cast %parallel_loop3A_300 : i32 to index
          %parallel_loop3A_312 = arith.constant 16 : index
          %parallel_loop3A_313 = tpu.vector_load %arg19[%parallel_loop3A_311, %parallel_loop3A_312] {strides = array<i32>} : memref<96x128xf32, #tpu.memory_space<vmem>>, vector<1x16xf32>,
          %parallel_loop3A_314 = vector.shape_cast %parallel_loop3A_313 : vector<1x16xf32> to vector<16xf32>
          %parallel_loop3A_315 = arith.addf %parallel_loop3A_314, %parallel_loop3A_296 : vector<16xf32>
          %parallel_loop3A_316 = arith.index_cast %parallel_loop3A_300 : i32 to index
          %parallel_loop3A_317 = arith.constant 16 : index
          %parallel_loop3A_318 = tpu.vector_load %arg23[%parallel_loop3A_316, %parallel_loop3A_317] {strides = array<i32>} : memref<96x128xf32, #tpu.memory_space<vmem>>, vector<1x16xf32>,
          %parallel_loop3A_319 = vector.shape_cast %parallel_loop3A_318 : vector<1x16xf32> to vector<16xf32>
          %parallel_loop3A_320 = vector.shape_cast %parallel_loop3A_315 : vector<16xf32> to vector<1x16xf32>
          tpu.vector_store %arg23[%parallel_loop3A_316, %parallel_loop3A_317], %parallel_loop3A_320 {strides = array<i32>} : memref<96x128xf32, #tpu.memory_space<vmem>>, vector<1x16xf32>,
          %parallel_loop3A_321 = arith.constant 2 : i32
          %parallel_loop3A_322 = arith.muli %parallel_loop3A_230, %parallel_loop3A_321 : i32
          %parallel_loop3A_323 = arith.constant 1 : i32
          %parallel_loop3A_324 = arith.addi %parallel_loop3A_322, %parallel_loop3A_323 : i32
          %parallel_loop3A_325 = arith.index_cast %parallel_loop3A_324 : i32 to index
          %parallel_loop3A_326 = arith.constant 16 : index
          %parallel_loop3A_327 = tpu.vector_load %arg18[%parallel_loop3A_325, %parallel_loop3A_326] {strides = array<i32>} : memref<96x128xf32, #tpu.memory_space<vmem>>, vector<1x16xf32>,
          %parallel_loop3A_328 = vector.shape_cast %parallel_loop3A_327 : vector<1x16xf32> to vector<16xf32>
          %parallel_loop3A_329 = arith.addf %parallel_loop3A_328, %parallel_loop3A_296 : vector<16xf32>
          %parallel_loop3A_330 = arith.index_cast %parallel_loop3A_324 : i32 to index
          %parallel_loop3A_331 = arith.constant 16 : index
          %parallel_loop3A_332 = tpu.vector_load %arg22[%parallel_loop3A_330, %parallel_loop3A_331] {strides = array<i32>} : memref<96x128xf32, #tpu.memory_space<vmem>>, vector<1x16xf32>,
          %parallel_loop3A_333 = vector.shape_cast %parallel_loop3A_332 : vector<1x16xf32> to vector<16xf32>
          %parallel_loop3A_334 = vector.shape_cast %parallel_loop3A_329 : vector<16xf32> to vector<1x16xf32>
          tpu.vector_store %arg22[%parallel_loop3A_330, %parallel_loop3A_331], %parallel_loop3A_334 {strides = array<i32>} : memref<96x128xf32, #tpu.memory_space<vmem>>, vector<1x16xf32>,
          %parallel_loop3A_335 = arith.index_cast %parallel_loop3A_324 : i32 to index
          %parallel_loop3A_336 = arith.constant 16 : index
          %parallel_loop3A_337 = tpu.vector_load %arg19[%parallel_loop3A_335, %parallel_loop3A_336] {strides = array<i32>} : memref<96x128xf32, #tpu.memory_space<vmem>>, vector<1x16xf32>,
          %parallel_loop3A_338 = vector.shape_cast %parallel_loop3A_337 : vector<1x16xf32> to vector<16xf32>
          %parallel_loop3A_339 = arith.addf %parallel_loop3A_338, %parallel_loop3A_296 : vector<16xf32>
          %parallel_loop3A_340 = arith.index_cast %parallel_loop3A_324 : i32 to index
          %parallel_loop3A_341 = arith.constant 16 : index
          %parallel_loop3A_342 = tpu.vector_load %arg23[%parallel_loop3A_340, %parallel_loop3A_341] {strides = array<i32>} : memref<96x128xf32, #tpu.memory_space<vmem>>, vector<1x16xf32>,
          %parallel_loop3A_343 = vector.shape_cast %parallel_loop3A_342 : vector<1x16xf32> to vector<16xf32>
          %parallel_loop3A_344 = vector.shape_cast %parallel_loop3A_339 : vector<16xf32> to vector<1x16xf32>
          tpu.vector_store %arg23[%parallel_loop3A_340, %parallel_loop3A_341], %parallel_loop3A_344 {strides = array<i32>} : memref<96x128xf32, #tpu.memory_space<vmem>>, vector<1x16xf32>,
          %parallel_loop3A_345 = arith.index_cast %parallel_loop3A_230 : i32 to index
          %parallel_loop3A_346 = arith.constant 32 : index
          %parallel_loop3A_347 = tpu.vector_load %arg14[%parallel_loop3A_345, %parallel_loop3A_346] {strides = array<i32>} : memref<48x128xf32, #tpu.memory_space<vmem>>, vector<1x16xf32>,
          %parallel_loop3A_348 = vector.shape_cast %parallel_loop3A_347 : vector<1x16xf32> to vector<16xf32>
          %parallel_loop3A_349 = arith.index_cast %parallel_loop3A_230 : i32 to index
          %parallel_loop3A_350 = arith.constant 32 : index
          %parallel_loop3A_351 = tpu.vector_load %arg15[%parallel_loop3A_349, %parallel_loop3A_350] {strides = array<i32>} : memref<48x128xf32, #tpu.memory_space<vmem>>, vector<1x16xf32>,
          %parallel_loop3A_352 = vector.shape_cast %parallel_loop3A_351 : vector<1x16xf32> to vector<16xf32>
          %parallel_loop3A_353 = arith.addf %parallel_loop3A_348, %parallel_loop3A_352 : vector<16xf32>
          %parallel_loop3A_354 = arith.constant 2 : i32
          %parallel_loop3A_355 = arith.muli %parallel_loop3A_230, %parallel_loop3A_354 : i32
          %parallel_loop3A_356 = arith.constant 0 : i32
          %parallel_loop3A_357 = arith.addi %parallel_loop3A_355, %parallel_loop3A_356 : i32
          %parallel_loop3A_358 = arith.index_cast %parallel_loop3A_357 : i32 to index
          %parallel_loop3A_359 = arith.constant 32 : index
          %parallel_loop3A_360 = tpu.vector_load %arg18[%parallel_loop3A_358, %parallel_loop3A_359] {strides = array<i32>} : memref<96x128xf32, #tpu.memory_space<vmem>>, vector<1x16xf32>,
          %parallel_loop3A_361 = vector.shape_cast %parallel_loop3A_360 : vector<1x16xf32> to vector<16xf32>
          %parallel_loop3A_362 = arith.addf %parallel_loop3A_361, %parallel_loop3A_353 : vector<16xf32>
          %parallel_loop3A_363 = arith.index_cast %parallel_loop3A_357 : i32 to index
          %parallel_loop3A_364 = arith.constant 32 : index
          %parallel_loop3A_365 = tpu.vector_load %arg22[%parallel_loop3A_363, %parallel_loop3A_364] {strides = array<i32>} : memref<96x128xf32, #tpu.memory_space<vmem>>, vector<1x16xf32>,
          %parallel_loop3A_366 = vector.shape_cast %parallel_loop3A_365 : vector<1x16xf32> to vector<16xf32>
          %parallel_loop3A_367 = vector.shape_cast %parallel_loop3A_362 : vector<16xf32> to vector<1x16xf32>
          tpu.vector_store %arg22[%parallel_loop3A_363, %parallel_loop3A_364], %parallel_loop3A_367 {strides = array<i32>} : memref<96x128xf32, #tpu.memory_space<vmem>>, vector<1x16xf32>,
          %parallel_loop3A_368 = arith.index_cast %parallel_loop3A_357 : i32 to index
          %parallel_loop3A_369 = arith.constant 32 : index
          %parallel_loop3A_370 = tpu.vector_load %arg19[%parallel_loop3A_368, %parallel_loop3A_369] {strides = array<i32>} : memref<96x128xf32, #tpu.memory_space<vmem>>, vector<1x16xf32>,
          %parallel_loop3A_371 = vector.shape_cast %parallel_loop3A_370 : vector<1x16xf32> to vector<16xf32>
          %parallel_loop3A_372 = arith.addf %parallel_loop3A_371, %parallel_loop3A_353 : vector<16xf32>
          %parallel_loop3A_373 = arith.index_cast %parallel_loop3A_357 : i32 to index
          %parallel_loop3A_374 = arith.constant 32 : index
          %parallel_loop3A_375 = tpu.vector_load %arg23[%parallel_loop3A_373, %parallel_loop3A_374] {strides = array<i32>} : memref<96x128xf32, #tpu.memory_space<vmem>>, vector<1x16xf32>,
          %parallel_loop3A_376 = vector.shape_cast %parallel_loop3A_375 : vector<1x16xf32> to vector<16xf32>
          %parallel_loop3A_377 = vector.shape_cast %parallel_loop3A_372 : vector<16xf32> to vector<1x16xf32>
          tpu.vector_store %arg23[%parallel_loop3A_373, %parallel_loop3A_374], %parallel_loop3A_377 {strides = array<i32>} : memref<96x128xf32, #tpu.memory_space<vmem>>, vector<1x16xf32>,
          %parallel_loop3A_378 = arith.constant 2 : i32
          %parallel_loop3A_379 = arith.muli %parallel_loop3A_230, %parallel_loop3A_378 : i32
          %parallel_loop3A_380 = arith.constant 1 : i32
          %parallel_loop3A_381 = arith.addi %parallel_loop3A_379, %parallel_loop3A_380 : i32
          %parallel_loop3A_382 = arith.index_cast %parallel_loop3A_381 : i32 to index
          %parallel_loop3A_383 = arith.constant 32 : index
          %parallel_loop3A_384 = tpu.vector_load %arg18[%parallel_loop3A_382, %parallel_loop3A_383] {strides = array<i32>} : memref<96x128xf32, #tpu.memory_space<vmem>>, vector<1x16xf32>,
          %parallel_loop3A_385 = vector.shape_cast %parallel_loop3A_384 : vector<1x16xf32> to vector<16xf32>
          %parallel_loop3A_386 = arith.addf %parallel_loop3A_385, %parallel_loop3A_353 : vector<16xf32>
          %parallel_loop3A_387 = arith.index_cast %parallel_loop3A_381 : i32 to index
          %parallel_loop3A_388 = arith.constant 32 : index
          %parallel_loop3A_389 = tpu.vector_load %arg22[%parallel_loop3A_387, %parallel_loop3A_388] {strides = array<i32>} : memref<96x128xf32, #tpu.memory_space<vmem>>, vector<1x16xf32>,
          %parallel_loop3A_390 = vector.shape_cast %parallel_loop3A_389 : vector<1x16xf32> to vector<16xf32>
          %parallel_loop3A_391 = vector.shape_cast %parallel_loop3A_386 : vector<16xf32> to vector<1x16xf32>
          tpu.vector_store %arg22[%parallel_loop3A_387, %parallel_loop3A_388], %parallel_loop3A_391 {strides = array<i32>} : memref<96x128xf32, #tpu.memory_space<vmem>>, vector<1x16xf32>,
          %parallel_loop3A_392 = arith.index_cast %parallel_loop3A_381 : i32 to index
          %parallel_loop3A_393 = arith.constant 32 : index
          %parallel_loop3A_394 = tpu.vector_load %arg19[%parallel_loop3A_392, %parallel_loop3A_393] {strides = array<i32>} : memref<96x128xf32, #tpu.memory_space<vmem>>, vector<1x16xf32>,
          %parallel_loop3A_395 = vector.shape_cast %parallel_loop3A_394 : vector<1x16xf32> to vector<16xf32>
          %parallel_loop3A_396 = arith.addf %parallel_loop3A_395, %parallel_loop3A_353 : vector<16xf32>
          %parallel_loop3A_397 = arith.index_cast %parallel_loop3A_381 : i32 to index
          %parallel_loop3A_398 = arith.constant 32 : index
          %parallel_loop3A_399 = tpu.vector_load %arg23[%parallel_loop3A_397, %parallel_loop3A_398] {strides = array<i32>} : memref<96x128xf32, #tpu.memory_space<vmem>>, vector<1x16xf32>,
          %parallel_loop3A_400 = vector.shape_cast %parallel_loop3A_399 : vector<1x16xf32> to vector<16xf32>
          %parallel_loop3A_401 = vector.shape_cast %parallel_loop3A_396 : vector<16xf32> to vector<1x16xf32>
          tpu.vector_store %arg23[%parallel_loop3A_397, %parallel_loop3A_398], %parallel_loop3A_401 {strides = array<i32>} : memref<96x128xf32, #tpu.memory_space<vmem>>, vector<1x16xf32>,
          %parallel_loop3A_402 = arith.index_cast %parallel_loop3A_230 : i32 to index
          %parallel_loop3A_403 = arith.constant 48 : index
          %parallel_loop3A_404 = tpu.vector_load %arg14[%parallel_loop3A_402, %parallel_loop3A_403] {strides = array<i32>} : memref<48x128xf32, #tpu.memory_space<vmem>>, vector<1x16xf32>,
          %parallel_loop3A_405 = vector.shape_cast %parallel_loop3A_404 : vector<1x16xf32> to vector<16xf32>
          %parallel_loop3A_406 = arith.index_cast %parallel_loop3A_230 : i32 to index
          %parallel_loop3A_407 = arith.constant 48 : index
          %parallel_loop3A_408 = tpu.vector_load %arg15[%parallel_loop3A_406, %parallel_loop3A_407] {strides = array<i32>} : memref<48x128xf32, #tpu.memory_space<vmem>>, vector<1x16xf32>,
          %parallel_loop3A_409 = vector.shape_cast %parallel_loop3A_408 : vector<1x16xf32> to vector<16xf32>
          %parallel_loop3A_410 = arith.addf %parallel_loop3A_405, %parallel_loop3A_409 : vector<16xf32>
          %parallel_loop3A_411 = arith.constant 2 : i32
          %parallel_loop3A_412 = arith.muli %parallel_loop3A_230, %parallel_loop3A_411 : i32
          %parallel_loop3A_413 = arith.constant 0 : i32
          %parallel_loop3A_414 = arith.addi %parallel_loop3A_412, %parallel_loop3A_413 : i32
          %parallel_loop3A_415 = arith.index_cast %parallel_loop3A_414 : i32 to index
          %parallel_loop3A_416 = arith.constant 48 : index
          %parallel_loop3A_417 = tpu.vector_load %arg18[%parallel_loop3A_415, %parallel_loop3A_416] {strides = array<i32>} : memref<96x128xf32, #tpu.memory_space<vmem>>, vector<1x16xf32>,
          %parallel_loop3A_418 = vector.shape_cast %parallel_loop3A_417 : vector<1x16xf32> to vector<16xf32>
          %parallel_loop3A_419 = arith.addf %parallel_loop3A_418, %parallel_loop3A_410 : vector<16xf32>
          %parallel_loop3A_420 = arith.index_cast %parallel_loop3A_414 : i32 to index
          %parallel_loop3A_421 = arith.constant 48 : index
          %parallel_loop3A_422 = tpu.vector_load %arg22[%parallel_loop3A_420, %parallel_loop3A_421] {strides = array<i32>} : memref<96x128xf32, #tpu.memory_space<vmem>>, vector<1x16xf32>,
          %parallel_loop3A_423 = vector.shape_cast %parallel_loop3A_422 : vector<1x16xf32> to vector<16xf32>
          %parallel_loop3A_424 = vector.shape_cast %parallel_loop3A_419 : vector<16xf32> to vector<1x16xf32>
          tpu.vector_store %arg22[%parallel_loop3A_420, %parallel_loop3A_421], %parallel_loop3A_424 {strides = array<i32>} : memref<96x128xf32, #tpu.memory_space<vmem>>, vector<1x16xf32>,
          %parallel_loop3A_425 = arith.index_cast %parallel_loop3A_414 : i32 to index
          %parallel_loop3A_426 = arith.constant 48 : index
          %parallel_loop3A_427 = tpu.vector_load %arg19[%parallel_loop3A_425, %parallel_loop3A_426] {strides = array<i32>} : memref<96x128xf32, #tpu.memory_space<vmem>>, vector<1x16xf32>,
          %parallel_loop3A_428 = vector.shape_cast %parallel_loop3A_427 : vector<1x16xf32> to vector<16xf32>
          %parallel_loop3A_429 = arith.addf %parallel_loop3A_428, %parallel_loop3A_410 : vector<16xf32>
          %parallel_loop3A_430 = arith.index_cast %parallel_loop3A_414 : i32 to index
          %parallel_loop3A_431 = arith.constant 48 : index
          %parallel_loop3A_432 = tpu.vector_load %arg23[%parallel_loop3A_430, %parallel_loop3A_431] {strides = array<i32>} : memref<96x128xf32, #tpu.memory_space<vmem>>, vector<1x16xf32>,
          %parallel_loop3A_433 = vector.shape_cast %parallel_loop3A_432 : vector<1x16xf32> to vector<16xf32>
          %parallel_loop3A_434 = vector.shape_cast %parallel_loop3A_429 : vector<16xf32> to vector<1x16xf32>
          tpu.vector_store %arg23[%parallel_loop3A_430, %parallel_loop3A_431], %parallel_loop3A_434 {strides = array<i32>} : memref<96x128xf32, #tpu.memory_space<vmem>>, vector<1x16xf32>,
          %parallel_loop3A_435 = arith.constant 2 : i32
          %parallel_loop3A_436 = arith.muli %parallel_loop3A_230, %parallel_loop3A_435 : i32
          %parallel_loop3A_437 = arith.constant 1 : i32
          %parallel_loop3A_438 = arith.addi %parallel_loop3A_436, %parallel_loop3A_437 : i32
          %parallel_loop3A_439 = arith.index_cast %parallel_loop3A_438 : i32 to index
          %parallel_loop3A_440 = arith.constant 48 : index
          %parallel_loop3A_441 = tpu.vector_load %arg18[%parallel_loop3A_439, %parallel_loop3A_440] {strides = array<i32>} : memref<96x128xf32, #tpu.memory_space<vmem>>, vector<1x16xf32>,
          %parallel_loop3A_442 = vector.shape_cast %parallel_loop3A_441 : vector<1x16xf32> to vector<16xf32>
          %parallel_loop3A_443 = arith.addf %parallel_loop3A_442, %parallel_loop3A_410 : vector<16xf32>
          %parallel_loop3A_444 = arith.index_cast %parallel_loop3A_438 : i32 to index
          %parallel_loop3A_445 = arith.constant 48 : index
          %parallel_loop3A_446 = tpu.vector_load %arg22[%parallel_loop3A_444, %parallel_loop3A_445] {strides = array<i32>} : memref<96x128xf32, #tpu.memory_space<vmem>>, vector<1x16xf32>,
          %parallel_loop3A_447 = vector.shape_cast %parallel_loop3A_446 : vector<1x16xf32> to vector<16xf32>
          %parallel_loop3A_448 = vector.shape_cast %parallel_loop3A_443 : vector<16xf32> to vector<1x16xf32>
          tpu.vector_store %arg22[%parallel_loop3A_444, %parallel_loop3A_445], %parallel_loop3A_448 {strides = array<i32>} : memref<96x128xf32, #tpu.memory_space<vmem>>, vector<1x16xf32>,
          %parallel_loop3A_449 = arith.index_cast %parallel_loop3A_438 : i32 to index
          %parallel_loop3A_450 = arith.constant 48 : index
          %parallel_loop3A_451 = tpu.vector_load %arg19[%parallel_loop3A_449, %parallel_loop3A_450] {strides = array<i32>} : memref<96x128xf32, #tpu.memory_space<vmem>>, vector<1x16xf32>,
          %parallel_loop3A_452 = vector.shape_cast %parallel_loop3A_451 : vector<1x16xf32> to vector<16xf32>
          %parallel_loop3A_453 = arith.addf %parallel_loop3A_452, %parallel_loop3A_410 : vector<16xf32>
          %parallel_loop3A_454 = arith.index_cast %parallel_loop3A_438 : i32 to index
          %parallel_loop3A_455 = arith.constant 48 : index
          %parallel_loop3A_456 = tpu.vector_load %arg23[%parallel_loop3A_454, %parallel_loop3A_455] {strides = array<i32>} : memref<96x128xf32, #tpu.memory_space<vmem>>, vector<1x16xf32>,
          %parallel_loop3A_457 = vector.shape_cast %parallel_loop3A_456 : vector<1x16xf32> to vector<16xf32>
          %parallel_loop3A_458 = vector.shape_cast %parallel_loop3A_453 : vector<16xf32> to vector<1x16xf32>
          tpu.vector_store %arg23[%parallel_loop3A_454, %parallel_loop3A_455], %parallel_loop3A_458 {strides = array<i32>} : memref<96x128xf32, #tpu.memory_space<vmem>>, vector<1x16xf32>,
          %parallel_loop3A_459 = arith.index_cast %parallel_loop3A_230 : i32 to index
          %parallel_loop3A_460 = arith.constant 64 : index
          %parallel_loop3A_461 = tpu.vector_load %arg14[%parallel_loop3A_459, %parallel_loop3A_460] {strides = array<i32>} : memref<48x128xf32, #tpu.memory_space<vmem>>, vector<1x16xf32>,
          %parallel_loop3A_462 = vector.shape_cast %parallel_loop3A_461 : vector<1x16xf32> to vector<16xf32>
          %parallel_loop3A_463 = arith.index_cast %parallel_loop3A_230 : i32 to index
          %parallel_loop3A_464 = arith.constant 64 : index
          %parallel_loop3A_465 = tpu.vector_load %arg15[%parallel_loop3A_463, %parallel_loop3A_464] {strides = array<i32>} : memref<48x128xf32, #tpu.memory_space<vmem>>, vector<1x16xf32>,
          %parallel_loop3A_466 = vector.shape_cast %parallel_loop3A_465 : vector<1x16xf32> to vector<16xf32>
          %parallel_loop3A_467 = arith.addf %parallel_loop3A_462, %parallel_loop3A_466 : vector<16xf32>
          %parallel_loop3A_468 = arith.constant 2 : i32
          %parallel_loop3A_469 = arith.muli %parallel_loop3A_230, %parallel_loop3A_468 : i32
          %parallel_loop3A_470 = arith.constant 0 : i32
          %parallel_loop3A_471 = arith.addi %parallel_loop3A_469, %parallel_loop3A_470 : i32
          %parallel_loop3A_472 = arith.index_cast %parallel_loop3A_471 : i32 to index
          %parallel_loop3A_473 = arith.constant 64 : index
          %parallel_loop3A_474 = tpu.vector_load %arg18[%parallel_loop3A_472, %parallel_loop3A_473] {strides = array<i32>} : memref<96x128xf32, #tpu.memory_space<vmem>>, vector<1x16xf32>,
          %parallel_loop3A_475 = vector.shape_cast %parallel_loop3A_474 : vector<1x16xf32> to vector<16xf32>
          %parallel_loop3A_476 = arith.addf %parallel_loop3A_475, %parallel_loop3A_467 : vector<16xf32>
          %parallel_loop3A_477 = arith.index_cast %parallel_loop3A_471 : i32 to index
          %parallel_loop3A_478 = arith.constant 64 : index
          %parallel_loop3A_479 = tpu.vector_load %arg22[%parallel_loop3A_477, %parallel_loop3A_478] {strides = array<i32>} : memref<96x128xf32, #tpu.memory_space<vmem>>, vector<1x16xf32>,
          %parallel_loop3A_480 = vector.shape_cast %parallel_loop3A_479 : vector<1x16xf32> to vector<16xf32>
          %parallel_loop3A_481 = vector.shape_cast %parallel_loop3A_476 : vector<16xf32> to vector<1x16xf32>
          tpu.vector_store %arg22[%parallel_loop3A_477, %parallel_loop3A_478], %parallel_loop3A_481 {strides = array<i32>} : memref<96x128xf32, #tpu.memory_space<vmem>>, vector<1x16xf32>,
          %parallel_loop3A_482 = arith.index_cast %parallel_loop3A_471 : i32 to index
          %parallel_loop3A_483 = arith.constant 64 : index
          %parallel_loop3A_484 = tpu.vector_load %arg19[%parallel_loop3A_482, %parallel_loop3A_483] {strides = array<i32>} : memref<96x128xf32, #tpu.memory_space<vmem>>, vector<1x16xf32>,
          %parallel_loop3A_485 = vector.shape_cast %parallel_loop3A_484 : vector<1x16xf32> to vector<16xf32>
          %parallel_loop3A_486 = arith.addf %parallel_loop3A_485, %parallel_loop3A_467 : vector<16xf32>
          %parallel_loop3A_487 = arith.index_cast %parallel_loop3A_471 : i32 to index
          %parallel_loop3A_488 = arith.constant 64 : index
          %parallel_loop3A_489 = tpu.vector_load %arg23[%parallel_loop3A_487, %parallel_loop3A_488] {strides = array<i32>} : memref<96x128xf32, #tpu.memory_space<vmem>>, vector<1x16xf32>,
          %parallel_loop3A_490 = vector.shape_cast %parallel_loop3A_489 : vector<1x16xf32> to vector<16xf32>
          %parallel_loop3A_491 = vector.shape_cast %parallel_loop3A_486 : vector<16xf32> to vector<1x16xf32>
          tpu.vector_store %arg23[%parallel_loop3A_487, %parallel_loop3A_488], %parallel_loop3A_491 {strides = array<i32>} : memref<96x128xf32, #tpu.memory_space<vmem>>, vector<1x16xf32>,
          %parallel_loop3A_492 = arith.constant 2 : i32
          %parallel_loop3A_493 = arith.muli %parallel_loop3A_230, %parallel_loop3A_492 : i32
          %parallel_loop3A_494 = arith.constant 1 : i32
          %parallel_loop3A_495 = arith.addi %parallel_loop3A_493, %parallel_loop3A_494 : i32
          %parallel_loop3A_496 = arith.index_cast %parallel_loop3A_495 : i32 to index
          %parallel_loop3A_497 = arith.constant 64 : index
          %parallel_loop3A_498 = tpu.vector_load %arg18[%parallel_loop3A_496, %parallel_loop3A_497] {strides = array<i32>} : memref<96x128xf32, #tpu.memory_space<vmem>>, vector<1x16xf32>,
          %parallel_loop3A_499 = vector.shape_cast %parallel_loop3A_498 : vector<1x16xf32> to vector<16xf32>
          %parallel_loop3A_500 = arith.addf %parallel_loop3A_499, %parallel_loop3A_467 : vector<16xf32>
          %parallel_loop3A_501 = arith.index_cast %parallel_loop3A_495 : i32 to index
          %parallel_loop3A_502 = arith.constant 64 : index
          %parallel_loop3A_503 = tpu.vector_load %arg22[%parallel_loop3A_501, %parallel_loop3A_502] {strides = array<i32>} : memref<96x128xf32, #tpu.memory_space<vmem>>, vector<1x16xf32>,
          %parallel_loop3A_504 = vector.shape_cast %parallel_loop3A_503 : vector<1x16xf32> to vector<16xf32>
          %parallel_loop3A_505 = vector.shape_cast %parallel_loop3A_500 : vector<16xf32> to vector<1x16xf32>
          tpu.vector_store %arg22[%parallel_loop3A_501, %parallel_loop3A_502], %parallel_loop3A_505 {strides = array<i32>} : memref<96x128xf32, #tpu.memory_space<vmem>>, vector<1x16xf32>,
          %parallel_loop3A_506 = arith.index_cast %parallel_loop3A_495 : i32 to index
          %parallel_loop3A_507 = arith.constant 64 : index
          %parallel_loop3A_508 = tpu.vector_load %arg19[%parallel_loop3A_506, %parallel_loop3A_507] {strides = array<i32>} : memref<96x128xf32, #tpu.memory_space<vmem>>, vector<1x16xf32>,
          %parallel_loop3A_509 = vector.shape_cast %parallel_loop3A_508 : vector<1x16xf32> to vector<16xf32>
          %parallel_loop3A_510 = arith.addf %parallel_loop3A_509, %parallel_loop3A_467 : vector<16xf32>
          %parallel_loop3A_511 = arith.index_cast %parallel_loop3A_495 : i32 to index
          %parallel_loop3A_512 = arith.constant 64 : index
          %parallel_loop3A_513 = tpu.vector_load %arg23[%parallel_loop3A_511, %parallel_loop3A_512] {strides = array<i32>} : memref<96x128xf32, #tpu.memory_space<vmem>>, vector<1x16xf32>,
          %parallel_loop3A_514 = vector.shape_cast %parallel_loop3A_513 : vector<1x16xf32> to vector<16xf32>
          %parallel_loop3A_515 = vector.shape_cast %parallel_loop3A_510 : vector<16xf32> to vector<1x16xf32>
          tpu.vector_store %arg23[%parallel_loop3A_511, %parallel_loop3A_512], %parallel_loop3A_515 {strides = array<i32>} : memref<96x128xf32, #tpu.memory_space<vmem>>, vector<1x16xf32>,
          %parallel_loop3A_516 = arith.index_cast %parallel_loop3A_230 : i32 to index
          %parallel_loop3A_517 = arith.constant 80 : index
          %parallel_loop3A_518 = tpu.vector_load %arg14[%parallel_loop3A_516, %parallel_loop3A_517] {strides = array<i32>} : memref<48x128xf32, #tpu.memory_space<vmem>>, vector<1x16xf32>,
          %parallel_loop3A_519 = vector.shape_cast %parallel_loop3A_518 : vector<1x16xf32> to vector<16xf32>
          %parallel_loop3A_520 = arith.index_cast %parallel_loop3A_230 : i32 to index
          %parallel_loop3A_521 = arith.constant 80 : index
          %parallel_loop3A_522 = tpu.vector_load %arg15[%parallel_loop3A_520, %parallel_loop3A_521] {strides = array<i32>} : memref<48x128xf32, #tpu.memory_space<vmem>>, vector<1x16xf32>,
          %parallel_loop3A_523 = vector.shape_cast %parallel_loop3A_522 : vector<1x16xf32> to vector<16xf32>
          %parallel_loop3A_524 = arith.addf %parallel_loop3A_519, %parallel_loop3A_523 : vector<16xf32>
          %parallel_loop3A_525 = arith.constant 2 : i32
          %parallel_loop3A_526 = arith.muli %parallel_loop3A_230, %parallel_loop3A_525 : i32
          %parallel_loop3A_527 = arith.constant 0 : i32
          %parallel_loop3A_528 = arith.addi %parallel_loop3A_526, %parallel_loop3A_527 : i32
          %parallel_loop3A_529 = arith.index_cast %parallel_loop3A_528 : i32 to index
          %parallel_loop3A_530 = arith.constant 80 : index
          %parallel_loop3A_531 = tpu.vector_load %arg18[%parallel_loop3A_529, %parallel_loop3A_530] {strides = array<i32>} : memref<96x128xf32, #tpu.memory_space<vmem>>, vector<1x16xf32>,
          %parallel_loop3A_532 = vector.shape_cast %parallel_loop3A_531 : vector<1x16xf32> to vector<16xf32>
          %parallel_loop3A_533 = arith.addf %parallel_loop3A_532, %parallel_loop3A_524 : vector<16xf32>
          %parallel_loop3A_534 = arith.index_cast %parallel_loop3A_528 : i32 to index
          %parallel_loop3A_535 = arith.constant 80 : index
          %parallel_loop3A_536 = tpu.vector_load %arg22[%parallel_loop3A_534, %parallel_loop3A_535] {strides = array<i32>} : memref<96x128xf32, #tpu.memory_space<vmem>>, vector<1x16xf32>,
          %parallel_loop3A_537 = vector.shape_cast %parallel_loop3A_536 : vector<1x16xf32> to vector<16xf32>
          %parallel_loop3A_538 = vector.shape_cast %parallel_loop3A_533 : vector<16xf32> to vector<1x16xf32>
          tpu.vector_store %arg22[%parallel_loop3A_534, %parallel_loop3A_535], %parallel_loop3A_538 {strides = array<i32>} : memref<96x128xf32, #tpu.memory_space<vmem>>, vector<1x16xf32>,
          %parallel_loop3A_539 = arith.index_cast %parallel_loop3A_528 : i32 to index
          %parallel_loop3A_540 = arith.constant 80 : index
          %parallel_loop3A_541 = tpu.vector_load %arg19[%parallel_loop3A_539, %parallel_loop3A_540] {strides = array<i32>} : memref<96x128xf32, #tpu.memory_space<vmem>>, vector<1x16xf32>,
          %parallel_loop3A_542 = vector.shape_cast %parallel_loop3A_541 : vector<1x16xf32> to vector<16xf32>
          %parallel_loop3A_543 = arith.addf %parallel_loop3A_542, %parallel_loop3A_524 : vector<16xf32>
          %parallel_loop3A_544 = arith.index_cast %parallel_loop3A_528 : i32 to index
          %parallel_loop3A_545 = arith.constant 80 : index
          %parallel_loop3A_546 = tpu.vector_load %arg23[%parallel_loop3A_544, %parallel_loop3A_545] {strides = array<i32>} : memref<96x128xf32, #tpu.memory_space<vmem>>, vector<1x16xf32>,
          %parallel_loop3A_547 = vector.shape_cast %parallel_loop3A_546 : vector<1x16xf32> to vector<16xf32>
          %parallel_loop3A_548 = vector.shape_cast %parallel_loop3A_543 : vector<16xf32> to vector<1x16xf32>
          tpu.vector_store %arg23[%parallel_loop3A_544, %parallel_loop3A_545], %parallel_loop3A_548 {strides = array<i32>} : memref<96x128xf32, #tpu.memory_space<vmem>>, vector<1x16xf32>,
          %parallel_loop3A_549 = arith.constant 2 : i32
          %parallel_loop3A_550 = arith.muli %parallel_loop3A_230, %parallel_loop3A_549 : i32
          %parallel_loop3A_551 = arith.constant 1 : i32
          %parallel_loop3A_552 = arith.addi %parallel_loop3A_550, %parallel_loop3A_551 : i32
          %parallel_loop3A_553 = arith.index_cast %parallel_loop3A_552 : i32 to index
          %parallel_loop3A_554 = arith.constant 80 : index
          %parallel_loop3A_555 = tpu.vector_load %arg18[%parallel_loop3A_553, %parallel_loop3A_554] {strides = array<i32>} : memref<96x128xf32, #tpu.memory_space<vmem>>, vector<1x16xf32>,
          %parallel_loop3A_556 = vector.shape_cast %parallel_loop3A_555 : vector<1x16xf32> to vector<16xf32>
          %parallel_loop3A_557 = arith.addf %parallel_loop3A_556, %parallel_loop3A_524 : vector<16xf32>
          %parallel_loop3A_558 = arith.index_cast %parallel_loop3A_552 : i32 to index
          %parallel_loop3A_559 = arith.constant 80 : index
          %parallel_loop3A_560 = tpu.vector_load %arg22[%parallel_loop3A_558, %parallel_loop3A_559] {strides = array<i32>} : memref<96x128xf32, #tpu.memory_space<vmem>>, vector<1x16xf32>,
          %parallel_loop3A_561 = vector.shape_cast %parallel_loop3A_560 : vector<1x16xf32> to vector<16xf32>
          %parallel_loop3A_562 = vector.shape_cast %parallel_loop3A_557 : vector<16xf32> to vector<1x16xf32>
          tpu.vector_store %arg22[%parallel_loop3A_558, %parallel_loop3A_559], %parallel_loop3A_562 {strides = array<i32>} : memref<96x128xf32, #tpu.memory_space<vmem>>, vector<1x16xf32>,
          %parallel_loop3A_563 = arith.index_cast %parallel_loop3A_552 : i32 to index
          %parallel_loop3A_564 = arith.constant 80 : index
          %parallel_loop3A_565 = tpu.vector_load %arg19[%parallel_loop3A_563, %parallel_loop3A_564] {strides = array<i32>} : memref<96x128xf32, #tpu.memory_space<vmem>>, vector<1x16xf32>,
          %parallel_loop3A_566 = vector.shape_cast %parallel_loop3A_565 : vector<1x16xf32> to vector<16xf32>
          %parallel_loop3A_567 = arith.addf %parallel_loop3A_566, %parallel_loop3A_524 : vector<16xf32>
          %parallel_loop3A_568 = arith.index_cast %parallel_loop3A_552 : i32 to index
          %parallel_loop3A_569 = arith.constant 80 : index
          %parallel_loop3A_570 = tpu.vector_load %arg23[%parallel_loop3A_568, %parallel_loop3A_569] {strides = array<i32>} : memref<96x128xf32, #tpu.memory_space<vmem>>, vector<1x16xf32>,
          %parallel_loop3A_571 = vector.shape_cast %parallel_loop3A_570 : vector<1x16xf32> to vector<16xf32>
          %parallel_loop3A_572 = vector.shape_cast %parallel_loop3A_567 : vector<16xf32> to vector<1x16xf32>
          tpu.vector_store %arg23[%parallel_loop3A_568, %parallel_loop3A_569], %parallel_loop3A_572 {strides = array<i32>} : memref<96x128xf32, #tpu.memory_space<vmem>>, vector<1x16xf32>,
          %parallel_loop3A_573 = arith.index_cast %parallel_loop3A_230 : i32 to index
          %parallel_loop3A_574 = arith.constant 96 : index
          %parallel_loop3A_575 = tpu.vector_load %arg14[%parallel_loop3A_573, %parallel_loop3A_574] {strides = array<i32>} : memref<48x128xf32, #tpu.memory_space<vmem>>, vector<1x16xf32>,
          %parallel_loop3A_576 = vector.shape_cast %parallel_loop3A_575 : vector<1x16xf32> to vector<16xf32>
          %parallel_loop3A_577 = arith.index_cast %parallel_loop3A_230 : i32 to index
          %parallel_loop3A_578 = arith.constant 96 : index
          %parallel_loop3A_579 = tpu.vector_load %arg15[%parallel_loop3A_577, %parallel_loop3A_578] {strides = array<i32>} : memref<48x128xf32, #tpu.memory_space<vmem>>, vector<1x16xf32>,
          %parallel_loop3A_580 = vector.shape_cast %parallel_loop3A_579 : vector<1x16xf32> to vector<16xf32>
          %parallel_loop3A_581 = arith.addf %parallel_loop3A_576, %parallel_loop3A_580 : vector<16xf32>
          %parallel_loop3A_582 = arith.constant 2 : i32
          %parallel_loop3A_583 = arith.muli %parallel_loop3A_230, %parallel_loop3A_582 : i32
          %parallel_loop3A_584 = arith.constant 0 : i32
          %parallel_loop3A_585 = arith.addi %parallel_loop3A_583, %parallel_loop3A_584 : i32
          %parallel_loop3A_586 = arith.index_cast %parallel_loop3A_585 : i32 to index
          %parallel_loop3A_587 = arith.constant 96 : index
          %parallel_loop3A_588 = tpu.vector_load %arg18[%parallel_loop3A_586, %parallel_loop3A_587] {strides = array<i32>} : memref<96x128xf32, #tpu.memory_space<vmem>>, vector<1x16xf32>,
          %parallel_loop3A_589 = vector.shape_cast %parallel_loop3A_588 : vector<1x16xf32> to vector<16xf32>
          %parallel_loop3A_590 = arith.addf %parallel_loop3A_589, %parallel_loop3A_581 : vector<16xf32>
          %parallel_loop3A_591 = arith.index_cast %parallel_loop3A_585 : i32 to index
          %parallel_loop3A_592 = arith.constant 96 : index
          %parallel_loop3A_593 = tpu.vector_load %arg22[%parallel_loop3A_591, %parallel_loop3A_592] {strides = array<i32>} : memref<96x128xf32, #tpu.memory_space<vmem>>, vector<1x16xf32>,
          %parallel_loop3A_594 = vector.shape_cast %parallel_loop3A_593 : vector<1x16xf32> to vector<16xf32>
          %parallel_loop3A_595 = vector.shape_cast %parallel_loop3A_590 : vector<16xf32> to vector<1x16xf32>
          tpu.vector_store %arg22[%parallel_loop3A_591, %parallel_loop3A_592], %parallel_loop3A_595 {strides = array<i32>} : memref<96x128xf32, #tpu.memory_space<vmem>>, vector<1x16xf32>,
          %parallel_loop3A_596 = arith.index_cast %parallel_loop3A_585 : i32 to index
          %parallel_loop3A_597 = arith.constant 96 : index
          %parallel_loop3A_598 = tpu.vector_load %arg19[%parallel_loop3A_596, %parallel_loop3A_597] {strides = array<i32>} : memref<96x128xf32, #tpu.memory_space<vmem>>, vector<1x16xf32>,
          %parallel_loop3A_599 = vector.shape_cast %parallel_loop3A_598 : vector<1x16xf32> to vector<16xf32>
          %parallel_loop3A_600 = arith.addf %parallel_loop3A_599, %parallel_loop3A_581 : vector<16xf32>
          %parallel_loop3A_601 = arith.index_cast %parallel_loop3A_585 : i32 to index
          %parallel_loop3A_602 = arith.constant 96 : index
          %parallel_loop3A_603 = tpu.vector_load %arg23[%parallel_loop3A_601, %parallel_loop3A_602] {strides = array<i32>} : memref<96x128xf32, #tpu.memory_space<vmem>>, vector<1x16xf32>,
          %parallel_loop3A_604 = vector.shape_cast %parallel_loop3A_603 : vector<1x16xf32> to vector<16xf32>
          %parallel_loop3A_605 = vector.shape_cast %parallel_loop3A_600 : vector<16xf32> to vector<1x16xf32>
          tpu.vector_store %arg23[%parallel_loop3A_601, %parallel_loop3A_602], %parallel_loop3A_605 {strides = array<i32>} : memref<96x128xf32, #tpu.memory_space<vmem>>, vector<1x16xf32>,
          %parallel_loop3A_606 = arith.constant 2 : i32
          %parallel_loop3A_607 = arith.muli %parallel_loop3A_230, %parallel_loop3A_606 : i32
          %parallel_loop3A_608 = arith.constant 1 : i32
          %parallel_loop3A_609 = arith.addi %parallel_loop3A_607, %parallel_loop3A_608 : i32
          %parallel_loop3A_610 = arith.index_cast %parallel_loop3A_609 : i32 to index
          %parallel_loop3A_611 = arith.constant 96 : index
          %parallel_loop3A_612 = tpu.vector_load %arg18[%parallel_loop3A_610, %parallel_loop3A_611] {strides = array<i32>} : memref<96x128xf32, #tpu.memory_space<vmem>>, vector<1x16xf32>,
          %parallel_loop3A_613 = vector.shape_cast %parallel_loop3A_612 : vector<1x16xf32> to vector<16xf32>
          %parallel_loop3A_614 = arith.addf %parallel_loop3A_613, %parallel_loop3A_581 : vector<16xf32>
          %parallel_loop3A_615 = arith.index_cast %parallel_loop3A_609 : i32 to index
          %parallel_loop3A_616 = arith.constant 96 : index
          %parallel_loop3A_617 = tpu.vector_load %arg22[%parallel_loop3A_615, %parallel_loop3A_616] {strides = array<i32>} : memref<96x128xf32, #tpu.memory_space<vmem>>, vector<1x16xf32>,
          %parallel_loop3A_618 = vector.shape_cast %parallel_loop3A_617 : vector<1x16xf32> to vector<16xf32>
          %parallel_loop3A_619 = vector.shape_cast %parallel_loop3A_614 : vector<16xf32> to vector<1x16xf32>
          tpu.vector_store %arg22[%parallel_loop3A_615, %parallel_loop3A_616], %parallel_loop3A_619 {strides = array<i32>} : memref<96x128xf32, #tpu.memory_space<vmem>>, vector<1x16xf32>,
          %parallel_loop3A_620 = arith.index_cast %parallel_loop3A_609 : i32 to index
          %parallel_loop3A_621 = arith.constant 96 : index
          %parallel_loop3A_622 = tpu.vector_load %arg19[%parallel_loop3A_620, %parallel_loop3A_621] {strides = array<i32>} : memref<96x128xf32, #tpu.memory_space<vmem>>, vector<1x16xf32>,
          %parallel_loop3A_623 = vector.shape_cast %parallel_loop3A_622 : vector<1x16xf32> to vector<16xf32>
          %parallel_loop3A_624 = arith.addf %parallel_loop3A_623, %parallel_loop3A_581 : vector<16xf32>
          %parallel_loop3A_625 = arith.index_cast %parallel_loop3A_609 : i32 to index
          %parallel_loop3A_626 = arith.constant 96 : index
          %parallel_loop3A_627 = tpu.vector_load %arg23[%parallel_loop3A_625, %parallel_loop3A_626] {strides = array<i32>} : memref<96x128xf32, #tpu.memory_space<vmem>>, vector<1x16xf32>,
          %parallel_loop3A_628 = vector.shape_cast %parallel_loop3A_627 : vector<1x16xf32> to vector<16xf32>
          %parallel_loop3A_629 = vector.shape_cast %parallel_loop3A_624 : vector<16xf32> to vector<1x16xf32>
          tpu.vector_store %arg23[%parallel_loop3A_625, %parallel_loop3A_626], %parallel_loop3A_629 {strides = array<i32>} : memref<96x128xf32, #tpu.memory_space<vmem>>, vector<1x16xf32>,
          %parallel_loop3A_630 = arith.index_cast %parallel_loop3A_230 : i32 to index
          %parallel_loop3A_631 = arith.constant 112 : index
          %parallel_loop3A_632 = tpu.vector_load %arg14[%parallel_loop3A_630, %parallel_loop3A_631] {strides = array<i32>} : memref<48x128xf32, #tpu.memory_space<vmem>>, vector<1x16xf32>,
          %parallel_loop3A_633 = vector.shape_cast %parallel_loop3A_632 : vector<1x16xf32> to vector<16xf32>
          %parallel_loop3A_634 = arith.index_cast %parallel_loop3A_230 : i32 to index
          %parallel_loop3A_635 = arith.constant 112 : index
          %parallel_loop3A_636 = tpu.vector_load %arg15[%parallel_loop3A_634, %parallel_loop3A_635] {strides = array<i32>} : memref<48x128xf32, #tpu.memory_space<vmem>>, vector<1x16xf32>,
          %parallel_loop3A_637 = vector.shape_cast %parallel_loop3A_636 : vector<1x16xf32> to vector<16xf32>
          %parallel_loop3A_638 = arith.addf %parallel_loop3A_633, %parallel_loop3A_637 : vector<16xf32>
          %parallel_loop3A_639 = arith.constant 2 : i32
          %parallel_loop3A_640 = arith.muli %parallel_loop3A_230, %parallel_loop3A_639 : i32
          %parallel_loop3A_641 = arith.constant 0 : i32
          %parallel_loop3A_642 = arith.addi %parallel_loop3A_640, %parallel_loop3A_641 : i32
          %parallel_loop3A_643 = arith.index_cast %parallel_loop3A_642 : i32 to index
          %parallel_loop3A_644 = arith.constant 112 : index
          %parallel_loop3A_645 = tpu.vector_load %arg18[%parallel_loop3A_643, %parallel_loop3A_644] {strides = array<i32>} : memref<96x128xf32, #tpu.memory_space<vmem>>, vector<1x16xf32>,
          %parallel_loop3A_646 = vector.shape_cast %parallel_loop3A_645 : vector<1x16xf32> to vector<16xf32>
          %parallel_loop3A_647 = arith.addf %parallel_loop3A_646, %parallel_loop3A_638 : vector<16xf32>
          %parallel_loop3A_648 = arith.index_cast %parallel_loop3A_642 : i32 to index
          %parallel_loop3A_649 = arith.constant 112 : index
          %parallel_loop3A_650 = tpu.vector_load %arg22[%parallel_loop3A_648, %parallel_loop3A_649] {strides = array<i32>} : memref<96x128xf32, #tpu.memory_space<vmem>>, vector<1x16xf32>,
          %parallel_loop3A_651 = vector.shape_cast %parallel_loop3A_650 : vector<1x16xf32> to vector<16xf32>
          %parallel_loop3A_652 = vector.shape_cast %parallel_loop3A_647 : vector<16xf32> to vector<1x16xf32>
          tpu.vector_store %arg22[%parallel_loop3A_648, %parallel_loop3A_649], %parallel_loop3A_652 {strides = array<i32>} : memref<96x128xf32, #tpu.memory_space<vmem>>, vector<1x16xf32>,
          %parallel_loop3A_653 = arith.index_cast %parallel_loop3A_642 : i32 to index
          %parallel_loop3A_654 = arith.constant 112 : index
          %parallel_loop3A_655 = tpu.vector_load %arg19[%parallel_loop3A_653, %parallel_loop3A_654] {strides = array<i32>} : memref<96x128xf32, #tpu.memory_space<vmem>>, vector<1x16xf32>,
          %parallel_loop3A_656 = vector.shape_cast %parallel_loop3A_655 : vector<1x16xf32> to vector<16xf32>
          %parallel_loop3A_657 = arith.addf %parallel_loop3A_656, %parallel_loop3A_638 : vector<16xf32>
          %parallel_loop3A_658 = arith.index_cast %parallel_loop3A_642 : i32 to index
          %parallel_loop3A_659 = arith.constant 112 : index
          %parallel_loop3A_660 = tpu.vector_load %arg23[%parallel_loop3A_658, %parallel_loop3A_659] {strides = array<i32>} : memref<96x128xf32, #tpu.memory_space<vmem>>, vector<1x16xf32>,
          %parallel_loop3A_661 = vector.shape_cast %parallel_loop3A_660 : vector<1x16xf32> to vector<16xf32>
          %parallel_loop3A_662 = vector.shape_cast %parallel_loop3A_657 : vector<16xf32> to vector<1x16xf32>
          tpu.vector_store %arg23[%parallel_loop3A_658, %parallel_loop3A_659], %parallel_loop3A_662 {strides = array<i32>} : memref<96x128xf32, #tpu.memory_space<vmem>>, vector<1x16xf32>,
          %parallel_loop3A_663 = arith.constant 2 : i32
          %parallel_loop3A_664 = arith.muli %parallel_loop3A_230, %parallel_loop3A_663 : i32
          %parallel_loop3A_665 = arith.constant 1 : i32
          %parallel_loop3A_666 = arith.addi %parallel_loop3A_664, %parallel_loop3A_665 : i32
          %parallel_loop3A_667 = arith.index_cast %parallel_loop3A_666 : i32 to index
          %parallel_loop3A_668 = arith.constant 112 : index
          %parallel_loop3A_669 = tpu.vector_load %arg18[%parallel_loop3A_667, %parallel_loop3A_668] {strides = array<i32>} : memref<96x128xf32, #tpu.memory_space<vmem>>, vector<1x16xf32>,
          %parallel_loop3A_670 = vector.shape_cast %parallel_loop3A_669 : vector<1x16xf32> to vector<16xf32>
          %parallel_loop3A_671 = arith.addf %parallel_loop3A_670, %parallel_loop3A_638 : vector<16xf32>
          %parallel_loop3A_672 = arith.index_cast %parallel_loop3A_666 : i32 to index
          %parallel_loop3A_673 = arith.constant 112 : index
          %parallel_loop3A_674 = tpu.vector_load %arg22[%parallel_loop3A_672, %parallel_loop3A_673] {strides = array<i32>} : memref<96x128xf32, #tpu.memory_space<vmem>>, vector<1x16xf32>,
          %parallel_loop3A_675 = vector.shape_cast %parallel_loop3A_674 : vector<1x16xf32> to vector<16xf32>
          %parallel_loop3A_676 = vector.shape_cast %parallel_loop3A_671 : vector<16xf32> to vector<1x16xf32>
          tpu.vector_store %arg22[%parallel_loop3A_672, %parallel_loop3A_673], %parallel_loop3A_676 {strides = array<i32>} : memref<96x128xf32, #tpu.memory_space<vmem>>, vector<1x16xf32>,
          %parallel_loop3A_677 = arith.index_cast %parallel_loop3A_666 : i32 to index
          %parallel_loop3A_678 = arith.constant 112 : index
          %parallel_loop3A_679 = tpu.vector_load %arg19[%parallel_loop3A_677, %parallel_loop3A_678] {strides = array<i32>} : memref<96x128xf32, #tpu.memory_space<vmem>>, vector<1x16xf32>,
          %parallel_loop3A_680 = vector.shape_cast %parallel_loop3A_679 : vector<1x16xf32> to vector<16xf32>
          %parallel_loop3A_681 = arith.addf %parallel_loop3A_680, %parallel_loop3A_638 : vector<16xf32>
          %parallel_loop3A_682 = arith.index_cast %parallel_loop3A_666 : i32 to index
          %parallel_loop3A_683 = arith.constant 112 : index
          %parallel_loop3A_684 = tpu.vector_load %arg23[%parallel_loop3A_682, %parallel_loop3A_683] {strides = array<i32>} : memref<96x128xf32, #tpu.memory_space<vmem>>, vector<1x16xf32>,
          %parallel_loop3A_685 = vector.shape_cast %parallel_loop3A_684 : vector<1x16xf32> to vector<16xf32>
          %parallel_loop3A_686 = vector.shape_cast %parallel_loop3A_681 : vector<16xf32> to vector<1x16xf32>
          tpu.vector_store %arg23[%parallel_loop3A_682, %parallel_loop3A_683], %parallel_loop3A_686 {strides = array<i32>} : memref<96x128xf32, #tpu.memory_space<vmem>>, vector<1x16xf32>,
        } {sc.loop_unroll_factor = 4 : i64, sc.parallel_access}
        %mul3A_200 = arith.constant 32 : i32
        %mul3A_201 = arith.muli %add3A_152, %mul3A_200 : i32
        %add3A_202 = arith.addi %add3A, %mul3A_201 : i32
        %mul3A_203 = arith.constant 48 : i32
        %mul3A_204 = arith.muli %add3A_202, %mul3A_203 : i32
        %min3A_205 = arith.constant 49952 : i32
        %min3A_206 = arith.minsi %mul3A_204, %min3A_205 : i32
        %mul3A_207 = arith.constant 2 : i32
        %mul3A_208 = arith.muli %min3A_206, %mul3A_207 : i32
        %add3A_209 = arith.constant 0 : i32
        %add3A_210 = arith.addi %add3A_209, %mul3A_208 : i32
        %dma_start3A_211 = arith.constant 0 : i32
        %dma_start3A_212 = tpu.memref_slice %arg7[%add3A_210, %dma_start3A_211] : memref<200000x128xf32, #tpu.memory_space<hbm>> -> memref<96x128xf32, #tpu.memory_space<hbm>>
        %dma_start3A_213 = arith.constant 0 : i32
        %dma_start3A_214 = tpu.memref_slice %arg7[%add3A_210, %dma_start3A_213] : memref<200000x128xf32, #tpu.memory_space<hbm>> -> memref<96x128xf32, #tpu.memory_space<hbm>>
        tpu.enqueue_dma source(%arg22 : memref<96x128xf32, #tpu.memory_space<vmem>>) target(%dma_start3A_214 : memref<96x128xf32, #tpu.memory_space<hbm>>) target_semaphore(%arg29 : memref<!tpu.dma_semaphore, #tpu.memory_space<semaphore_mem>>)
        %mul3A_215 = arith.constant 32 : i32
        %mul3A_216 = arith.muli %add3A_152, %mul3A_215 : i32
        %add3A_217 = arith.addi %add3A, %mul3A_216 : i32
        %mul3A_218 = arith.constant 48 : i32
        %mul3A_219 = arith.muli %add3A_217, %mul3A_218 : i32
        %min3A_220 = arith.constant 49952 : i32
        %min3A_221 = arith.minsi %mul3A_219, %min3A_220 : i32
        %mul3A_222 = arith.constant 2 : i32
        %mul3A_223 = arith.muli %min3A_221, %mul3A_222 : i32
        %add3A_224 = arith.constant 100000 : i32
        %add3A_225 = arith.addi %add3A_224, %mul3A_223 : i32
        %dma_start3A_226 = arith.constant 0 : i32
        %dma_start3A_227 = tpu.memref_slice %arg7[%add3A_225, %dma_start3A_226] : memref<200000x128xf32, #tpu.memory_space<hbm>> -> memref<96x128xf32, #tpu.memory_space<hbm>>
        %dma_start3A_228 = arith.constant 0 : i32
        %dma_start3A_229 = tpu.memref_slice %arg7[%add3A_225, %dma_start3A_228] : memref<200000x128xf32, #tpu.memory_space<hbm>> -> memref<96x128xf32, #tpu.memory_space<hbm>>
        tpu.enqueue_dma source(%arg23 : memref<96x128xf32, #tpu.memory_space<vmem>>) target(%dma_start3A_229 : memref<96x128xf32, #tpu.memory_space<hbm>>) target_semaphore(%arg29 : memref<!tpu.dma_semaphore, #tpu.memory_space<semaphore_mem>>)
      } else {
      }
      %add3A_161 = arith.constant 2 : i32
      %add3A_162 = arith.addi %add3A_152, %add3A_161 : i32
      %mul3A_163 = arith.constant 32 : i32
      %mul3A_164 = arith.muli %add3A_162, %mul3A_163 : i32
      %add3A_165 = arith.addi %add3A, %mul3A_164 : i32
      %lt3A_166 = arith.constant 1042 : i32
      %lt3A_167 = arith.cmpi slt, %add3A_165, %lt3A_166 : i32
      %convert_element_type3A_168 = arith.extui %lt3A_167 : i1 to i32
      %cond3A_169 = arith.constant 0 : i32
      %cond3A_170 = arith.cmpi ne, %convert_element_type3A_168, %cond3A_169 : i32
      scf.if %cond3A_170 {
        %dma_wait3A = arith.constant 0 : i32
        %dma_wait3A_171 = tpu.memref_slice %arg3[%dma_wait3A] : memref<50000xi32, #tpu.memory_space<hbm>> -> memref<48xi32, #tpu.memory_space<hbm>>
        %dma_wait3A_172 = arith.constant 0 : i32
        %dma_wait3A_173 = tpu.memref_slice %arg3[%dma_wait3A_172] : memref<50000xi32, #tpu.memory_space<hbm>> -> memref<48xi32, #tpu.memory_space<hbm>>
        tpu.wait_dma2 semaphore(%arg25 : memref<!tpu.dma_semaphore, #tpu.memory_space<semaphore_mem>>) src(%dma_wait3A_173 : memref<48xi32, #tpu.memory_space<hbm>>) dst(%arg10 : memref<48xi32, #tpu.memory_space<vmem>>)
        %dma_wait3A_174 = arith.constant 0 : i32
        %dma_wait3A_175 = tpu.memref_slice %arg4[%dma_wait3A_174] : memref<50000xi32, #tpu.memory_space<hbm>> -> memref<48xi32, #tpu.memory_space<hbm>>
        %dma_wait3A_176 = arith.constant 0 : i32
        %dma_wait3A_177 = tpu.memref_slice %arg4[%dma_wait3A_176] : memref<50000xi32, #tpu.memory_space<hbm>> -> memref<48xi32, #tpu.memory_space<hbm>>
        tpu.wait_dma2 semaphore(%arg25 : memref<!tpu.dma_semaphore, #tpu.memory_space<semaphore_mem>>) src(%dma_wait3A_177 : memref<48xi32, #tpu.memory_space<hbm>>) dst(%arg11 : memref<48xi32, #tpu.memory_space<vmem>>)
        %add3A_178 = arith.constant 2 : i32
        %add3A_179 = arith.addi %add3A_152, %add3A_178 : i32
        %dma_start3A_180 = arith.constant 0 : i32
        %dma_start3A_181 = arith.constant 0 : i32
        %dma_start3A_182 = tpu.memref_slice %arg5[%dma_start3A_180, %dma_start3A_181] : memref<512x128xf32, #tpu.memory_space<hbm>> -> memref<512x128xf32, #tpu.memory_space<hbm>>
        tpu.enqueue_indirect_dma source(%dma_start3A_182 : memref<512x128xf32, #tpu.memory_space<hbm>>) target(%arg14 : memref<48x128xf32, #tpu.memory_space<vmem>>) offsets(%arg10 : memref<48xi32, #tpu.memory_space<vmem>>) semaphore(%arg27 : memref<!tpu.dma_semaphore, #tpu.memory_space<semaphore_mem>>)
        %dma_start3A_183 = arith.constant 0 : i32
        %dma_start3A_184 = arith.constant 0 : i32
        %dma_start3A_185 = tpu.memref_slice %arg6[%dma_start3A_183, %dma_start3A_184] : memref<512x128xf32, #tpu.memory_space<hbm>> -> memref<512x128xf32, #tpu.memory_space<hbm>>
        tpu.enqueue_indirect_dma source(%dma_start3A_185 : memref<512x128xf32, #tpu.memory_space<hbm>>) target(%arg15 : memref<48x128xf32, #tpu.memory_space<vmem>>) offsets(%arg11 : memref<48xi32, #tpu.memory_space<vmem>>) semaphore(%arg27 : memref<!tpu.dma_semaphore, #tpu.memory_space<semaphore_mem>>)
        %mul3A_186 = arith.constant 32 : i32
        %mul3A_187 = arith.muli %add3A_179, %mul3A_186 : i32
        %add3A_188 = arith.addi %add3A, %mul3A_187 : i32
        %mul3A_189 = arith.constant 48 : i32
        %mul3A_190 = arith.muli %add3A_188, %mul3A_189 : i32
        %min3A_191 = arith.constant 49952 : i32
        %min3A_192 = arith.minsi %mul3A_190, %min3A_191 : i32
        %mul3A_193 = arith.constant 2 : i32
        %mul3A_194 = arith.muli %min3A_192, %mul3A_193 : i32
        %add3A_195 = arith.constant 0 : i32
        %add3A_196 = arith.addi %add3A_195, %mul3A_194 : i32
        %dma_start3A_197 = arith.constant 0 : i32
        %dma_start3A_198 = tpu.memref_slice %arg2[%add3A_196, %dma_start3A_197] : memref<200000x128xf32, #tpu.memory_space<hbm>> -> memref<96x128xf32, #tpu.memory_space<hbm>>
        %dma_start3A_199 = arith.constant 0 : i32
        %dma_start3A_200 = tpu.memref_slice %arg2[%add3A_196, %dma_start3A_199] : memref<200000x128xf32, #tpu.memory_space<hbm>> -> memref<96x128xf32, #tpu.memory_space<hbm>>
        tpu.enqueue_dma source(%dma_start3A_200 : memref<96x128xf32, #tpu.memory_space<hbm>>) target(%arg18 : memref<96x128xf32, #tpu.memory_space<vmem>>) target_semaphore(%arg27 : memref<!tpu.dma_semaphore, #tpu.memory_space<semaphore_mem>>)
        %mul3A_201 = arith.constant 32 : i32
        %mul3A_202 = arith.muli %add3A_179, %mul3A_201 : i32
        %add3A_203 = arith.addi %add3A, %mul3A_202 : i32
        %mul3A_204 = arith.constant 48 : i32
        %mul3A_205 = arith.muli %add3A_203, %mul3A_204 : i32
        %min3A_206 = arith.constant 49952 : i32
        %min3A_207 = arith.minsi %mul3A_205, %min3A_206 : i32
        %mul3A_208 = arith.constant 2 : i32
        %mul3A_209 = arith.muli %min3A_207, %mul3A_208 : i32
        %add3A_210 = arith.constant 100000 : i32
        %add3A_211 = arith.addi %add3A_210, %mul3A_209 : i32
        %dma_start3A_212 = arith.constant 0 : i32
        %dma_start3A_213 = tpu.memref_slice %arg2[%add3A_211, %dma_start3A_212] : memref<200000x128xf32, #tpu.memory_space<hbm>> -> memref<96x128xf32, #tpu.memory_space<hbm>>
        %dma_start3A_214 = arith.constant 0 : i32
        %dma_start3A_215 = tpu.memref_slice %arg2[%add3A_211, %dma_start3A_214] : memref<200000x128xf32, #tpu.memory_space<hbm>> -> memref<96x128xf32, #tpu.memory_space<hbm>>
        tpu.enqueue_dma source(%dma_start3A_215 : memref<96x128xf32, #tpu.memory_space<hbm>>) target(%arg19 : memref<96x128xf32, #tpu.memory_space<vmem>>) target_semaphore(%arg27 : memref<!tpu.dma_semaphore, #tpu.memory_space<semaphore_mem>>)
      } else {
      }
    }
    %scan3A_95 = arith.constant 17 : i32
    %add3A_96 = arith.constant 1024 : i32
    %add3A_97 = arith.addi %add3A, %add3A_96 : i32
    %lt3A = arith.constant 1042 : i32
    %lt3A_98 = arith.cmpi slt, %add3A_97, %lt3A : i32
    %convert_element_type3A = arith.extui %lt3A_98 : i1 to i32
    %cond3A = arith.constant 0 : i32
    %cond3A_99 = arith.cmpi ne, %convert_element_type3A, %cond3A : i32
    scf.if %cond3A_99 {
      %dma_wait3A = arith.constant 0 : i32
      %dma_wait3A_107 = arith.constant 0 : i32
      %dma_wait3A_108 = tpu.memref_slice %arg7[%dma_wait3A, %dma_wait3A_107] : memref<200000x128xf32, #tpu.memory_space<hbm>> -> memref<96x128xf32, #tpu.memory_space<hbm>>
      %dma_wait3A_109 = arith.constant 0 : i32
      %dma_wait3A_110 = arith.constant 0 : i32
      %dma_wait3A_111 = tpu.memref_slice %arg7[%dma_wait3A_109, %dma_wait3A_110] : memref<200000x128xf32, #tpu.memory_space<hbm>> -> memref<96x128xf32, #tpu.memory_space<hbm>>
      tpu.wait_dma2 semaphore(%arg28 : memref<!tpu.dma_semaphore, #tpu.memory_space<semaphore_mem>>) src(%arg20 : memref<96x128xf32, #tpu.memory_space<vmem>>) dst(%dma_wait3A_111 : memref<96x128xf32, #tpu.memory_space<hbm>>)
      %dma_wait3A_112 = arith.constant 0 : i32
      %dma_wait3A_113 = arith.constant 0 : i32
      %dma_wait3A_114 = tpu.memref_slice %arg7[%dma_wait3A_112, %dma_wait3A_113] : memref<200000x128xf32, #tpu.memory_space<hbm>> -> memref<96x128xf32, #tpu.memory_space<hbm>>
      %dma_wait3A_115 = arith.constant 0 : i32
      %dma_wait3A_116 = arith.constant 0 : i32
      %dma_wait3A_117 = tpu.memref_slice %arg7[%dma_wait3A_115, %dma_wait3A_116] : memref<200000x128xf32, #tpu.memory_space<hbm>> -> memref<96x128xf32, #tpu.memory_space<hbm>>
      tpu.wait_dma2 semaphore(%arg28 : memref<!tpu.dma_semaphore, #tpu.memory_space<semaphore_mem>>) src(%arg21 : memref<96x128xf32, #tpu.memory_space<vmem>>) dst(%dma_wait3A_117 : memref<96x128xf32, #tpu.memory_space<hbm>>)
    } else {
    }
    %add3A_100 = arith.constant 1056 : i32
    %add3A_101 = arith.addi %add3A, %add3A_100 : i32
    %lt3A_102 = arith.constant 1042 : i32
    %lt3A_103 = arith.cmpi slt, %add3A_101, %lt3A_102 : i32
    %convert_element_type3A_104 = arith.extui %lt3A_103 : i1 to i32
    %cond3A_105 = arith.constant 0 : i32
    %cond3A_106 = arith.cmpi ne, %convert_element_type3A_104, %cond3A_105 : i32
    scf.if %cond3A_106 {
      %dma_wait3A = arith.constant 0 : i32
      %dma_wait3A_107 = arith.constant 0 : i32
      %dma_wait3A_108 = tpu.memref_slice %arg7[%dma_wait3A, %dma_wait3A_107] : memref<200000x128xf32, #tpu.memory_space<hbm>> -> memref<96x128xf32, #tpu.memory_space<hbm>>
      %dma_wait3A_109 = arith.constant 0 : i32
      %dma_wait3A_110 = arith.constant 0 : i32
      %dma_wait3A_111 = tpu.memref_slice %arg7[%dma_wait3A_109, %dma_wait3A_110] : memref<200000x128xf32, #tpu.memory_space<hbm>> -> memref<96x128xf32, #tpu.memory_space<hbm>>
      tpu.wait_dma2 semaphore(%arg29 : memref<!tpu.dma_semaphore, #tpu.memory_space<semaphore_mem>>) src(%arg22 : memref<96x128xf32, #tpu.memory_space<vmem>>) dst(%dma_wait3A_111 : memref<96x128xf32, #tpu.memory_space<hbm>>)
      %dma_wait3A_112 = arith.constant 0 : i32
      %dma_wait3A_113 = arith.constant 0 : i32
      %dma_wait3A_114 = tpu.memref_slice %arg7[%dma_wait3A_112, %dma_wait3A_113] : memref<200000x128xf32, #tpu.memory_space<hbm>> -> memref<96x128xf32, #tpu.memory_space<hbm>>
      %dma_wait3A_115 = arith.constant 0 : i32
      %dma_wait3A_116 = arith.constant 0 : i32
      %dma_wait3A_117 = tpu.memref_slice %arg7[%dma_wait3A_115, %dma_wait3A_116] : memref<200000x128xf32, #tpu.memory_space<hbm>> -> memref<96x128xf32, #tpu.memory_space<hbm>>
      tpu.wait_dma2 semaphore(%arg29 : memref<!tpu.dma_semaphore, #tpu.memory_space<semaphore_mem>>) src(%arg23 : memref<96x128xf32, #tpu.memory_space<vmem>>) dst(%dma_wait3A_117 : memref<96x128xf32, #tpu.memory_space<hbm>>)
    } else {
    }
    return
  }
}

</mosaic_0001>

<sc_bundles>
// kernel: _run.3.cloned.1.call-start
scs
__scs_entry_jumppad:
0x0: {  	(pc) =	sbr.rel $0x88, $3  }
0x1: {  	(tag) =	ssettag $0x0;
	lr =	simm.s32 $0x1  }
0x2: {  	[smem:$0x3F9C] =	sst lr;
	_ =	strace $0xD0000000  }
0x3: {  	_ = 	snop  }
0x4: {  	_ = 	snop  }
0x5: {  	_ = 	snop  }
0x6: {  	_ = 	snop  }
0x7: {  	_ = 	snop  }
__scs_overlays_trampoline_lowered:
0x8: {  	[smem:$0x3FAB] =	sst s0  }
0x9: {  	[smem:$0x3FAC] =	sst s1  }
0xa: {  	[smem:$0x3FAD] =	sst s2  }
0xb: {  	[smem:$0x3FAE] =	sst s3  }
0xc: {  	[smem:$0x3FAF] =	sst s4  }
0xd: {  	[smem:$0x3FB0] =	sst s5  }
0xe: {  	[smem:$0x3FB1] =	sst s6  }
0xf: {  	[smem:$0x3FB2] =	sst s7  }
0x10: {  	[smem:$0x3FB3] =	sst s8  }
0x11: {  	[smem:$0x3FB4] =	sst s9;
	s0 =	simm.s32 @!p0 $0x0  }
0x12: {  	s1 =	sld [smem:$0x3F9A];
	s0 =	simm.s32 @p0 $0x1  }
0x13: {  	[smem:$0x3FB5] =	sst s0;
	s0 =	simm.s32 @!p1 $0x0  }
0x14: {  	s2 =	sld [smem:$0x3F99];
	s0 =	simm.s32 @p1 $0x1  }
0x15: {  	[smem:$0x3FB6] =	sst s0;
	s0 =	simm.s32 @!p2 $0x0  }
0x16: {  	s3 =	sld [smem:$0x3FDB];
	s0 =	simm.s32 @p2 $0x1  }
0x17: {  	s4 =	simm.s32 $0x1BF5;
	[smem:$0x3FB8] =	sst s0  }
0x18: {  	s0 =	sld [smem:$0x3F9B];
	_ =	swait.ge [sflag:s4], $0x0  }
0x19: {  	s7 =	sld [smem:$0x3F9C]  }
0x1a: {  	s8 =	sadd.s32 $0xFFFFE003, lr  }
0x1b: {  	s9 =	sadd.s32 $0xFFFFFEF7, lr;
	s5 =	simm.s32 $0xFFFFFFFF;
	p2 =	slt.u32 s8, $0xFFFFF086  }
0x1c: {  	p1 =	slt.u32 s9, $0xF7A;
	s5 =	simm.s32 @!p2 $0x0  }
0x1d: {  	s5 =	simm.s32 @p1 $0x1;
	p0 =	seq.s32 s7, s2  }
0x1e: {  	s7 =	smul.u32 @!p0 $0xF7A, s2;
	p2 =	seq.s32 @!p0 s5, $0x0  }
0x1f: {  	s9 =	smul.u32 $0xF7A, s1;
	s8 =	simm.s32 @!p0 $0x1BF5;
	p2 =	por !p2, p0  }
0x20: {  	[sflag:s8] =	ssyncset.s32 @!p0 $0xFFFFF086;
	s6 =	sadd.s32 @!p0 s3, s7;
	s7 =	simm.s32 @!p0 $0x108  }
0x21: {  	s3 =	sadd.s32 s3, s9;
	s6 =	sadd.s32 @!p0 $0x88, s6;
	s7 =	simm.s32 @p2 $0x1082  }
0x22: {  	[simem:s7], [sflag:s8] =	dma.local @!p0 [hbm:s6], $0xF7A  }
0x23: {  	s9 =	sor.u32 $0xD0000000, s2;
	s6 =	simm.s32 $0x108;
	_ =	swait.ge @!p0 [sflag:s8], $0x0  }
0x24: {  	s3 =	sadd.s32 $0x88, s3;
	s6 =	simm.s32 @!p1 $0x1082;
	[sflag:s4] =	ssyncset.s32 $0xFFFFF086  }
0x25: {  	[simem:s6], [sflag:s4] =	dma.local [hbm:s3], $0xF7A  }
0x26: {  	[smem:$0x3F9C] =	sst s1;
	(tag) =	ssettag s2;
	_ =	strace s9  }
0x27: {  	s1 =	sld [smem:$0x3FAC]  }
0x28: {  	s2 =	sld [smem:$0x3FAD]  }
0x29: {  	s4 =	sld [smem:$0x3FAF]  }
0x2a: {  	p0 =	seq.s32 s5, $0x0;
	s5 =	sld [smem:$0x3FB0]  }
0x2b: {  	s6 =	sld [smem:$0x3FB1]  }
0x2c: {  	s7 =	sld [smem:$0x3FB2]  }
0x2d: {  	s3 =	simm.s32 $0x108;
	s8 =	sld [smem:$0x3FB3]  }
0x2e: {  	s3 =	simm.s32 @!p0 $0x1082;
	s9 =	sld [smem:$0x3FB4]  }
0x2f: {  	lr =	sadd.s32 s0, s3;
	s0 =	sld [smem:$0x3FAB]  }
0x30: {  	s3 =	sld [smem:$0x3FAE]  }
0x31: {  	[smem:$0x3FB7] =	sst s10  }
0x32: {  	s10 =	sld [smem:$0x3FB5];
	_ =	sdelay $0x3  }
0x33: {  	p0 =	seq.s32 s10, $0x1;
	s10 =	sld [smem:$0x3FB7];
	_ =	sdelay $0x3  }
0x34: {  	[smem:$0x3FB7] =	sst s10  }
0x35: {  	s10 =	sld [smem:$0x3FB6];
	_ =	sdelay $0x3  }
0x36: {  	p1 =	seq.s32 s10, $0x1;
	s10 =	sld [smem:$0x3FB7];
	_ =	sdelay $0x3  }
0x37: {  	[smem:$0x3FB7] =	sst s10  }
0x38: {  	s10 =	sld [smem:$0x3FB8]  }
0x39: {  	_ = 	snop;
	(pc) =	sbr.ind lr, $3  }
0x3a: {  	_ = 	snop  }
0x3b: {  	_ = 	snop  }
0x3c: {  	p2 =	seq.s32 s10, $0x1;
	s10 =	sld [smem:$0x3FB7]  }
0x3d: {  	_ =	shalt  }
0x3e: {  	_ =	shalt  }
0x3f: {  	_ =	shalt  }
0x40: {  	_ =	shalt  }
0x41: {  	_ =	shalt  }
0x42: {  	_ =	shalt  }
0x43: {  	_ =	shalt  }
0x44: {  	_ =	shalt  }
0x45: {  	_ =	shalt  }
0x46: {  	_ =	shalt  }
0x47: {  	_ =	shalt  }
0x48: {  	_ =	shalt  }
0x49: {  	_ =	shalt  }
0x4a: {  	_ =	shalt  }
0x4b: {  	_ =	shalt  }
0x4c: {  	_ =	shalt  }
0x4d: {  	_ =	shalt  }
0x4e: {  	_ =	shalt  }
0x4f: {  	_ =	shalt  }
0x50: {  	_ =	shalt  }
0x51: {  	_ =	shalt  }
0x52: {  	_ =	shalt  }
0x53: {  	_ =	shalt  }
0x54: {  	_ =	shalt  }
0x55: {  	_ =	shalt  }
0x56: {  	_ =	shalt  }
0x57: {  	_ =	shalt  }
0x58: {  	_ =	shalt  }
0x59: {  	_ =	shalt  }
0x5a: {  	_ =	shalt  }
0x5b: {  	_ =	shalt  }
0x5c: {  	_ =	shalt  }
0x5d: {  	_ =	shalt  }
0x5e: {  	_ =	shalt  }
0x5f: {  	_ =	shalt  }
0x60: {  	_ =	shalt  }
0x61: {  	_ =	shalt  }
0x62: {  	_ =	shalt  }
0x63: {  	_ =	shalt  }
0x64: {  	_ =	shalt  }
0x65: {  	_ =	shalt  }
0x66: {  	_ =	shalt  }
0x67: {  	_ =	shalt  }
0x68: {  	_ =	shalt  }
0x69: {  	_ =	shalt  }
0x6a: {  	_ =	shalt  }
0x6b: {  	_ =	shalt  }
0x6c: {  	_ =	shalt  }
0x6d: {  	_ =	shalt  }
0x6e: {  	_ =	shalt  }
0x6f: {  	_ =	shalt  }
0x70: {  	_ =	shalt  }
0x71: {  	_ =	shalt  }
0x72: {  	_ =	shalt  }
0x73: {  	_ =	shalt  }
0x74: {  	_ =	shalt  }
0x75: {  	_ =	shalt  }
0x76: {  	_ =	shalt  }
0x77: {  	_ =	shalt  }
0x78: {  	_ =	shalt  }
0x79: {  	_ =	shalt  }
0x7a: {  	_ =	shalt  }
0x7b: {  	_ =	shalt  }
0x7c: {  	_ =	shalt  }
0x7d: {  	_ =	shalt  }
0x7e: {  	_ =	shalt  }
0x7f: {  	_ =	shalt  }
0x80: {  	_ =	shalt  }
0x81: {  	_ =	shalt  }
0x82: {  	_ =	shalt  }
0x83: {  	_ =	shalt  }
0x84: {  	_ =	shalt  }
0x85: {  	_ =	shalt  }
0x86: {  	_ =	shalt  }
0x87: {  	_ =	shalt  }
.Lfunc_end0:
.L_simem_size_0:
called_computation_lowered:
.L_overlay_start_0:
0x88: {  	s2 =	sld [smem:$0x3FD9]  }
0x89: {  	s3 =	sld [smem:$0x3FFE];
	_ =	sdelay $0x1  }
0x8a: {  	s1 =	srdreg.scid  }
0x8b: {  	s0 =	sand.u32 $0x1, s1  }
0x8c: {  	s18 =	sshll.u32 s0, $0xA;
	s2 =	sadd.s32 s3, s2  }
0x8d: {  	s2 =	sadd.s32 s2, s18  }
0x8e: {  	[smem:$0x3FC3] =	sst s2  }
0x8f: {  	_ = 	snop  }
0x90: {  	s2 =	sld [smem:$0x3FC9]  }
0x91: {  	s19 =	sld [smem:$0x3FC8]  }
0x92: {  	s4 =	sld [smem:$0x3FC7]  }
0x93: {  	s5 =	sld [smem:$0x3FC6]  }
0x94: {  	s6 =	sld [smem:$0x3FC5]  }
0x95: {  	s7 =	sld [smem:$0x3FD0];
	(tm) =	ssettm $0x1  }
0x96: {  	s8 =	sld [smem:$0x3FFB];
	_ =	sdelay $0x3  }
0x97: {  	_ =	strace s8  }
0x98: {  	s8 =	sld [smem:$0x3FFC];
	_ =	sdelay $0x3  }
0x99: {  	_ =	strace s8  }
0x9a: {  	s8 =	sld [smem:$0x3FFD];
	_ =	sdelay $0x3  }
0x9b: {  	_ =	strace s8  }
0x9c: {  	_ =	strace $0x8FFFFFFF  }
0x9d: {  	s20 =	sld [smem:$0x3FDB];
	_ =	sdelay $0x1  }
0x9e: {  	s9 =	simm.s32 $_scs_section_size  }
0x9f: {  	s10 =	simm.s32 $_size__tile_overlayer_lowered;
	s11 =	simm.s32 $_tile_overlayer_lowered  }
0xa0: {  	s23 =	simm.s32 $0x1BFF;
	s22 =	sshll.u32 s11, $0x1;
	s8 =	sadd.s32 s9, s20  }
0xa1: {  	s12 =	simm.s32 $0x0;
	s21 =	sshll.u32 s10, $0x1;
	s10 =	sadd.s32 s22, s8  }
0xa2: {  	[timem:s12], [sflag:s23] =	dma.local [hbm:s10], s21  }
0xa3: {  	_ =	swait.ge [sflag:s23], s21  }
0xa4: {  	s9 =	ssub.s32 $0x0, s21;
	[sflag:s23] =	ssyncset.done $0x0  }
0xa5: {  	[sflag:s23] =	ssyncadd.s32 s9;
	_ =	sdelay $0x1  }
0xa6: {  	s24 =	simm.s32 $0x1B8B  }
0xa7: {  	_ =	swait.ge [sflag:s24], $0x1  }
0xa8: {  	[sflag:s24] =	ssyncset.done $0x0  }
0xa9: {  	s25 =	simm.s32 $0x1B8E;
	[sflag:s24] =	ssyncadd.s32 $0xFFFFFFFF  }
0xaa: {  	s26 =	simm.s32 $execute0_lowered;
	[smem:$0x3FD2] =	sst s25  }
0xab: {  	s9 =	sshll.u32 s26, $0x1;
	_ =	strace $0x80000046;
	[dreg:$0x1] =	wrdreg $0xFFFFFFFF  }
0xac: {  	s28 =	simm.s32 $_size_execute0_lowered;
	s8 =	sadd.s32 s8, s9;
	[dreg:$0x0] =	wrdreg $0x0  }
0xad: {  	s9 =	sshll.u32 s28, $0x1;
	[dreg:$0x2] =	wrdreg s8  }
0xae: {  	[dreg:$0x3] =	wrdreg s9  }
0xaf: {  	[dreg:$0x4] =	wrdreg $0xC0  }
0xb0: {  	_ =	task [dreg:s12], $0x5FFFF  }
0xb1: {  	[dreg:$0x1] =	wrdreg $0xFFFFFFFF  }
0xb2: {  	[dreg:$0x0] =	wrdreg $0x60  }
0xb3: {  	[dreg:$0x2] =	wrdreg s2  }
0xb4: {  	[dreg:$0x3] =	wrdreg s19  }
0xb5: {  	[dreg:$0x4] =	wrdreg s4  }
0xb6: {  	[dreg:$0x5] =	wrdreg s5  }
0xb7: {  	[dreg:$0x6] =	wrdreg s6  }
0xb8: {  	[dreg:$0x7] =	wrdreg s7  }
0xb9: {  	[dreg:$0x8] =	wrdreg $0x9  }
0xba: {  	_ =	task.clear_ibuf [dreg:s12], $0x9FFFF;
	_ =	strace $0x90000046  }
0xbb: {  	s29 =	simm.s32 $0x9;
	_ =	strace $0x80000048  }
0xbc: {  	_ =	swait.ge [sflag:s29], $0x1  }
0xbd: {  	[sflag:s29] =	ssyncadd.s32 $0xFFFFFFFF  }
0xbe: {  	_ =	strace $0x90000048  }
0xbf: {  	_ =	sfence  }
0xc0: {  	s30 =	sld [smem:$0x0];
	_ =	sdelay $0x2  }
0xc1: {  	s31 =	sshll.u32 s1, $0xD;
	s1 =	sshrl.u32 s1, $0x2  }
0xc2: {  	s3 =	sand.u32 $0x4000, s31;
	s1 =	sadd.s32 s1, s30  }
0xc3: {  	s0 =	sor.u32 s3, s0;
	s1 =	sshll.u32 s1, $0x11  }
0xc4: {  	s0 =	sor.u32 s1, s0  }
0xc5: {  	s0 =	sadd.s32 $0x8F2B, s0  }
0xc6: {  	[sflag:s0] =	ssyncadd.remote.s32 $0x1  }
0xc7: {  	_ =	sfence.sel $0xFFFF  }
0xc8: {  	[dreg:$0x0] =	wrdreg $0xFFFFFFFF;
	(pc) =	sbr.abs _section_cstart, $3  }
0xc9: {  	[dreg:$0x1] =	wrdreg $0xFFFFFFFF  }
0xca: {  	_ =	task.clear_ibuf [dreg:s12], $0x2FFFF;
	_ =	strace $0x9FFFFFFF  }
0xcb: {  	(tm) =	ssettm $0x7FFFFFFF  }
tec
execute0_lowered:
.L_overlay_start_1:
0x0: {  	(tag) =	ssettag $0x1  }
0x1: {  	s0 =	rddreg [dreg:$0x0]  }
0x2: {  	s2 =	rddreg [dreg:$0x1]  }
0x3: {  	s3 =	rddreg [dreg:$0x2]  }
0x4: {  	s4 =	rddreg [dreg:$0x3]  }
0x5: {  	s1 =	srdreg.scid;
	s6 =	rddreg [dreg:$0x4]  }
0x6: {  	s13 =	stileid.u32;
	s7 =	rddreg [dreg:$0x5];
	s9 =	simm.s32 $0x0  }
0x7: {  	s30 =	simm.s32 $0x3;
	s28 =	simm.s32 $0x4;
	s29 =	simm.s32 $0x18200  }
0x8: {  	s1 =	sand.u32 $0x1, s1;
	s5 =	sshll.u32 s13, $0x1;
	[smem:$0x7FF] =	sst s9  }
0x9: {  	s12 =	sadd.s32 $0x186A00, s0;
	s21 =	sadd.s32 $0x186A00, s7;
	s8 =	sor.u32 s1, s5  }
0xa: {  	p0 =	sgt.u32 s13, $0x8;
	s1 =	ssub.s32 $0x2, s1;
	s23 =	smul.u32 $0x600, s8  }
0xb: {  	_ =	strace $0x80000047;
	s5 =	smul.u32 $0x30, s8;
	s10 =	sshrl.u32 s1, $0x1  }
0xc: {  	s19 =	sor.u32 $0x40, s8;
	s20 =	sor.u32 $0x60, s8;
	s24 =	sadd.s32 s0, s23  }
0xd: {  	s1 =	ssub.s32 s1, s10;
	s10 =	sadd.s32 s23, s12;
	[dreg:$0x9] =	wrdreg s24  }
0xe: {  	s11 =	sshrl.u32 s5, $0x3;
	s1 =	smax.u32 s1, $0x1;
	[dreg:$0xa] =	wrdreg s10  }
0xf: {  	s5 =	sadd.s32 $0x600, s5;
	s22 =	sadd.s32 s2, s11;
	[dreg:$0xf] =	wrdreg s1  }
0x10: {  	s11 =	sadd.s32 s3, s11;
	s25 =	sshrl.u32 s5, $0x3;
	[dreg:$0x7] =	wrdreg s22  }
.Ltmp0:
0x11: {  	[dreg:$0x8] =	wrdreg s11;
	s26 =	sadd.s32 s2, s25;
	(pc) =	sbr.rel .LBB2_1-.Ltmp0, $4  }
0x12: {  	s5 =	sshll.u32 s5, $0x5;
	s10 =	sadd.s32 s3, s25;
	[dreg:$0xb] =	wrdreg s26  }
0x13: {  	s1 =	simm.s32 $0x12200;
	s31 =	sadd.s32 s0, s5;
	[dreg:$0xc] =	wrdreg s10  }
0x14: {  	s24 =	simm.s32 $0x1B200;
	s5 =	sadd.s32 s5, s12;
	[dreg:$0xd] =	wrdreg s31  }
0x15: {  	s11 =	simm.s32 $0x0;
	[dreg:$0xe] =	wrdreg s5;
	s26 =	simm.s32 $0x15200  }
.LBB2_13:
0x16: {  	s5 =	simm.s32 @!p0 $0x5  }
0x17: {  	_ =	swait.ge @!p0 [sflag:s5], $0x3000  }
0x18: {  	[sflag:s5] =	ssyncset.done @!p0 $0x0  }
0x19: {  	[sflag:s5] =	ssyncadd.s32 @!p0 $0xFFFFD000  }
0x1a: {  	_ =	swait.ge @!p0 [sflag:s5], $0x3000  }
0x1b: {  	s11 =	rddreg [dreg:$0x10]  }
0x1c: {  	s10 =	rddreg [dreg:$0xf];
	s11 =	sadd.s32 $0x1, s11  }
0x1d: {  	p1 =	sne.s32 s11, s10  }
.Ltmp1:
0x1e: {  	_ = 	snop;
	(pc) =	sbr.rel @!p1 .LBB2_14-.Ltmp1, $3  }
0x1f: {  	_ =	sdelay $0x1  }
0x20: {  	[sflag:s5] =	ssyncset.done @!p0 $0x0  }
0x21: {  	[sflag:s5] =	ssyncadd.s32 @!p0 $0xFFFFD000  }
.LBB2_1:
0x22: {  	[dreg:$0x10] =	wrdreg s11  }
0x23: {  	s5 =	rddreg [dreg:$0x7];
	s10 =	simm.s32 $0x7  }
0x24: {  	[tilespmem:s9], [sflag:$0x7] =	stream.linear.gather [hbm4b:s5+s9], $0x30, $0x38;
	[tilespmem:$0x1E200] =	vst v63  }
0x25: {  	_ =	swait.ge [sflag:s10], $0x30  }
0x26: {  	[sflag:s10] =	ssyncset.done $0x0  }
0x27: {  	s16 =	simm.s32 $0x80;
	s15 =	rddreg [dreg:$0x8];
	[sflag:s10] =	ssyncadd.s32 $0xFFFFFFD0  }
0x28: {  	[tilespmem:s16], [sflag:$0x7] =	stream.linear.gather [hbm4b:s15+s9], $0x30, $0x38;
	[tilespmem:$0x1E200] =	vst v63  }
0x29: {  	_ =	swait.ge [sflag:s10], $0x30  }
0x2a: {  	[sflag:s10] =	ssyncset.done $0x0  }
0x2b: {  	s13 =	simm.s32 $0x30;
	s17 =	simm.s32 $0x200;
	[sflag:s10] =	ssyncadd.s32 $0xFFFFFFD0  }
0x2c: {  	[tilespmem:s17], [sflag:$0x3] =	stream.indirect.gather [hbm4b:s4+s13], $0x80, s9, s13, $0xb8;
	[tilespmem:$0x1E200] =	vst v63  }
0x2d: {  	s18 =	simm.s32 $0x1A00  }
0x2e: {  	[tilespmem:s18], [sflag:$0x3] =	stream.indirect.gather [hbm4b:s6+s13], $0x80, s16, s13, $0xb8;
	[tilespmem:$0x1E200] =	vst v63  }
0x2f: {  	s23 =	simm.s32 $0x6200;
	s22 =	rddreg [dreg:$0x9]  }
0x30: {  	[tilespmem:s23], [sflag:$0x3] =	stream.linear.gather [hbm4b:s22+s9], $0x3000, $0x38;
	[tilespmem:$0x1E200] =	vst v63  }
0x31: {  	s31 =	simm.s32 $0x9200;
	s25 =	rddreg [dreg:$0xa]  }
0x32: {  	[tilespmem:s31], [sflag:$0x3] =	stream.linear.gather [hbm4b:s25+s9], $0x3000, $0x38;
	[tilespmem:$0x1E200] =	vst v63  }
0x33: {  	s15 =	simm.s32 $0x100;
	s14 =	rddreg [dreg:$0xb]  }
0x34: {  	[tilespmem:s15], [sflag:$0x7] =	stream.linear.gather [hbm4b:s14+s9], $0x30, $0x38;
	[tilespmem:$0x1E200] =	vst v63  }
0x35: {  	_ =	swait.ge [sflag:s10], $0x30  }
0x36: {  	[sflag:s10] =	ssyncset.done $0x0  }
0x37: {  	s14 =	simm.s32 $0x180;
	s16 =	rddreg [dreg:$0xc];
	[sflag:s10] =	ssyncadd.s32 $0xFFFFFFD0  }
0x38: {  	[tilespmem:s14], [sflag:$0x7] =	stream.linear.gather [hbm4b:s16+s9], $0x30, $0x38;
	[tilespmem:$0x1E200] =	vst v63  }
0x39: {  	_ =	swait.ge [sflag:s10], $0x30  }
0x3a: {  	[sflag:s10] =	ssyncset.done $0x0  }
0x3b: {  	s17 =	simm.s32 $0x3200;
	[sflag:s10] =	ssyncadd.s32 $0xFFFFFFD0  }
0x3c: {  	[tilespmem:s17], [sflag:$0x4] =	stream.indirect.gather [hbm4b:s4+s13], $0x80, s15, s13, $0xb8;
	[tilespmem:$0x1E200] =	vst v63  }
0x3d: {  	s18 =	simm.s32 $0x4A00  }
0x3e: {  	[tilespmem:s18], [sflag:$0x4] =	stream.indirect.gather [hbm4b:s6+s13], $0x80, s14, s13, $0xb8;
	[tilespmem:$0x1E200] =	vst v63  }
.Ltmp2:
0x3f: {  	_ = 	snop;
	(pc) =	sbr.rel .LBB2_2-.Ltmp2, $4  }
0x40: {  	s23 =	simm.s32 $0xC200;
	s22 =	rddreg [dreg:$0xd]  }
0x41: {  	[tilespmem:s23], [sflag:$0x4] =	stream.linear.gather [hbm4b:s22+s9], $0x3000, $0x38;
	[tilespmem:$0x1E200] =	vst v63  }
0x42: {  	s11 =	simm.s32 $0x0;
	s31 =	simm.s32 $0xF200;
	s25 =	rddreg [dreg:$0xe]  }
0x43: {  	[tilespmem:s31], [sflag:$0x4] =	stream.linear.gather [hbm4b:s25+s9], $0x3000, $0x38;
	[tilespmem:$0x1E200] =	vst v63  }
.LBB2_8:
0x44: {  	s13 =	sadd.s32 s20, s13  }
.LBB2_12:
0x45: {  	p1 =	sgt.u32 s13, $0x411  }
0x46: {  	s5 =	simm.s32 @!p1 $0x2  }
0x47: {  	_ =	swait.ge @!p1 [sflag:s5], $0x30  }
0x48: {  	[sflag:s5] =	ssyncset.done @!p1 $0x0  }
0x49: {  	[sflag:s5] =	ssyncadd.s32 @!p1 $0xFFFFFFD0  }
0x4a: {  	_ =	swait.ge @!p1 [sflag:s5], $0x30  }
0x4b: {  	s10 =	simm.s32 @!p1 $0x100;
	[sflag:s5] =	ssyncset.done @!p1 $0x0  }
0x4c: {  	s14 =	simm.s32 @!p1 $0x3200;
	[sflag:s5] =	ssyncadd.s32 @!p1 $0xFFFFFFD0;
	s5 =	simm.s32 @!p1 $0x30  }
0x4d: {  	[tilespmem:s14], [sflag:$0x4] =	stream.indirect.gather @!p1 [hbm4b:s4+s5], $0x80, s10, s5, $0xb8;
	[tilespmem:$0x1E200] =	vst v63  }
0x4e: {  	s13 =	smul.u32 @!p1 $0x30, s13;
	s10 =	simm.s32 @!p1 $0x180;
	s14 =	simm.s32 @!p1 $0x4A00  }
0x4f: {  	[tilespmem:s14], [sflag:$0x4] =	stream.indirect.gather @!p1 [hbm4b:s6+s5], $0x80, s10, s5, $0xb8;
	[tilespmem:$0x1E200] =	vst v63  }
0x50: {  	s5 =	smin.u32 @!p1 s13, $0xC320  }
0x51: {  	s5 =	sshll.u32 @!p1 s5, $0x5  }
0x52: {  	s13 =	simm.s32 @!p1 $0x0;
	s14 =	simm.s32 @!p1 $0xC200;
	s10 =	sadd.s32 @!p1 s0, s5  }
0x53: {  	[tilespmem:s14], [sflag:$0x4] =	stream.linear.gather @!p1 [hbm4b:s10+s13], $0x3000, $0x38;
	[tilespmem:$0x1E200] =	vst v63  }
0x54: {  	s11 =	sadd.s32 $0x1, s11;
	s5 =	sadd.s32 @!p1 s5, s12;
	s10 =	simm.s32 @!p1 $0xF200  }
0x55: {  	[tilespmem:s10], [sflag:$0x4] =	stream.linear.gather @!p1 [hbm4b:s5+s13], $0x3000, $0x38;
	[tilespmem:$0x1E200] =	vst v63  }
0x56: {  	p1 =	sne.s32 s11, $0x11  }
.Ltmp3:
0x57: {  	_ = 	snop;
	(pc) =	sbr.rel @!p1 .LBB2_13-.Ltmp3, $1  }
0x58: {  	_ =	sdelay $0x3  }
.LBB2_2:
0x59: {  	p1 =	seq.s32 s11, $0x0  }
0x5a: {  	s5 =	simm.s32 @!p1 $0x5  }
0x5b: {  	_ =	swait.ge @!p1 [sflag:s5], $0x3000  }
0x5c: {  	[sflag:s5] =	ssyncset.done @!p1 $0x0  }
0x5d: {  	[sflag:s5] =	ssyncadd.s32 @!p1 $0xFFFFD000  }
0x5e: {  	_ =	swait.ge @!p1 [sflag:s5], $0x3000  }
0x5f: {  	s13 =	sshll.u32 s11, $0x6;
	[sflag:s5] =	ssyncset.done @!p1 $0x0  }
0x60: {  	s14 =	sor.u32 s8, s13;
	[sflag:s5] =	ssyncadd.s32 @!p1 $0xFFFFD000;
	s5 =	simm.s32 @!p1 $0x6  }
0x61: {  	p2 =	slt.u32 s14, $0x412;
	_ =	swait.ge @!p1 [sflag:s5], $0x3000  }
.Ltmp4:
0x62: {  	[sflag:s5] =	ssyncset.done @!p1 $0x0;
	(pc) =	sbr.rel @!p2 .LBB2_3-.Ltmp4, $4  }
0x63: {  	[sflag:s5] =	ssyncadd.s32 @!p1 $0xFFFFD000  }
0x64: {  	_ =	swait.ge @!p1 [sflag:s5], $0x3000  }
0x65: {  	[sflag:s5] =	ssyncset.done @!p1 $0x0  }
0x66: {  	[sflag:s5] =	ssyncadd.s32 @!p1 $0xFFFFD000  }
0x67: {  	_ =	swait.ge [sflag:s30], $0x1800  }
0x68: {  	[sflag:s30] =	ssyncset.done $0x0  }
0x69: {  	[sflag:s30] =	ssyncadd.s32 $0xFFFFE800  }
0x6a: {  	_ =	swait.ge [sflag:s30], $0x1800  }
0x6b: {  	[sflag:s30] =	ssyncset.done $0x0  }
0x6c: {  	s31 =	sadd.s32 s19, s13;
	[sflag:s30] =	ssyncadd.s32 $0xFFFFE800  }
0x6d: {  	p1 =	sgt.u32 s31, $0x411;
	_ =	swait.ge [sflag:s30], $0x3000  }
0x6e: {  	s5 =	smul.u32 @!p1 $0x30, s31;
	[sflag:s30] =	ssyncset.done $0x0  }
0x6f: {  	[sflag:s30] =	ssyncadd.s32 $0xFFFFD000  }
0x70: {  	s5 =	smin.u32 @!p1 s5, $0xC320;
	_ =	swait.ge [sflag:s30], $0x3000  }
0x71: {  	s5 =	sshrl.u32 @!p1 s5, $0x3;
	[sflag:s30] =	ssyncset.done $0x0  }
0x72: {  	s15 =	simm.s32 @!p1 $0x0;
	s10 =	sadd.s32 @!p1 s2, s5;
	[sflag:s30] =	ssyncadd.s32 $0xFFFFD000  }
0x73: {  	[tilespmem:s15], [sflag:$0x1] =	stream.linear.gather @!p1 [hbm4b:s10+s15], $0x30, $0x38;
	[tilespmem:$0x1E200] =	vst v63  }
0x74: {  	s5 =	sadd.s32 @!p1 s3, s5;
	s10 =	simm.s32 @!p1 $0x80  }
0x75: {  	[tilespmem:s10], [sflag:$0x1] =	stream.linear.gather @!p1 [hbm4b:s5+s15], $0x30, $0x38;
	[tilespmem:$0x1E200] =	vst v63  }
0x76: {  	s5 =	simm.s32 $0x0  }
.LBB2_5:
0x77: {  	s17 =	sshll.u32 s5, $0x7  }
0x78: {  	v0 =	vld [tilespmem:s17+$0x200]  }
0x79: {  	v1 =	vld [tilespmem:s17+$0x1A00]  }
0x7a: {  	s15 =	sshll.u32 s5, $0x8  }
0x7b: {  	v2 =	vld [tilespmem:s15+$0x6200]  }
0x7c: {  	v3 =	vld [tilespmem:s15+$0x9200]  }
0x7d: {  	v4 =	vld [tilespmem:s15+$0x6280]  }
0x7e: {  	v20 =	vld [tilespmem:s15+$0x9280];
	v0 =	vadd.f32 v1, v0;
	_ =	sdelay $0x1  }
0x7f: {  	v2 =	vadd.f32 v0, v2  }
0x80: {  	v3 =	vadd.f32 v3, v0  }
0x81: {  	v21 =	vadd.f32 v4, v0;
	[tilespmem:s15+$0x12200] =	vst v2  }
0x82: {  	v0 =	vadd.f32 v20, v0;
	[tilespmem:s15+$0x15200] =	vst v3  }
0x83: {  	v23 =	vld [tilespmem:s15+$0x6210];
	[tilespmem:s15+$0x12280] =	vst v21  }
0x84: {  	v24 =	vld [tilespmem:s15+$0x9210];
	[tilespmem:s15+$0x15280] =	vst v0  }
0x85: {  	v0 =	vld [tilespmem:s17+$0x210]  }
0x86: {  	v22 =	vld [tilespmem:s17+$0x1A10]  }
0x87: {  	v25 =	vld [tilespmem:s15+$0x6290]  }
0x88: {  	v26 =	vld [tilespmem:s15+$0x9290]  }
0x89: {  	v29 =	vld [tilespmem:s15+$0x6220]  }
0x8a: {  	v30 =	vld [tilespmem:s15+$0x9220]  }
0x8b: {  	v31 =	vld [tilespmem:s15+$0x62A0];
	v0 =	vadd.f32 v22, v0  }
0x8c: {  	v5 =	vld [tilespmem:s15+$0x92A0]  }
0x8d: {  	v39 =	vld [tilespmem:s15+$0x6230];
	v2 =	vadd.f32 v0, v23  }
0x8e: {  	v40 =	vld [tilespmem:s15+$0x9230];
	v3 =	vadd.f32 v24, v0  }
0x8f: {  	v41 =	vld [tilespmem:s15+$0x62B0];
	v27 =	vadd.f32 v25, v0;
	[tilespmem:s15+$0x12210] =	vst v2  }
0x90: {  	v42 =	vld [tilespmem:s15+$0x92B0];
	v0 =	vadd.f32 v26, v0;
	[tilespmem:s15+$0x15210] =	vst v3  }
0x91: {  	v47 =	vld [tilespmem:s15+$0x6240];
	[tilespmem:s15+$0x12290] =	vst v27  }
0x92: {  	v48 =	vld [tilespmem:s15+$0x9240];
	[tilespmem:s15+$0x15290] =	vst v0  }
0x93: {  	v0 =	vld [tilespmem:s17+$0x220]  }
0x94: {  	v28 =	vld [tilespmem:s17+$0x1A20]  }
0x95: {  	s10 =	sor.u32 $0x1, s5;
	v49 =	vld [tilespmem:s15+$0x62C0]  }
0x96: {  	s18 =	sshll.u32 s10, $0x7;
	v50 =	vld [tilespmem:s15+$0x92C0]  }
0x97: {  	v32 =	vld [tilespmem:s18+$0x200]  }
0x98: {  	v6 =	vld [tilespmem:s18+$0x1A00]  }
0x99: {  	s16 =	sshll.u32 s10, $0x8;
	v59 =	vld [tilespmem:s15+$0x6250];
	v0 =	vadd.f32 v28, v0  }
0x9a: {  	v7 =	vld [tilespmem:s16+$0x6200]  }
0x9b: {  	v34 =	vld [tilespmem:s16+$0x9200];
	v2 =	vadd.f32 v0, v29  }
0x9c: {  	v35 =	vld [tilespmem:s16+$0x6280];
	v3 =	vadd.f32 v30, v0  }
0x9d: {  	v36 =	vld [tilespmem:s16+$0x9280];
	v1 =	vadd.f32 v6, v32;
	v33 =	vadd.f32 v31, v0;
	[tilespmem:s15+$0x12220] =	vst v2  }
0x9e: {  	v60 =	vld [tilespmem:s15+$0x9250];
	v0 =	vadd.f32 v5, v0;
	[tilespmem:s15+$0x15220] =	vst v3  }
0x9f: {  	v61 =	vld [tilespmem:s15+$0x62D0];
	v37 =	vadd.f32 v1, v7;
	[tilespmem:s15+$0x122A0] =	vst v33  }
0xa0: {  	v62 =	vld [tilespmem:s15+$0x92D0];
	v4 =	vadd.f32 v34, v1;
	[tilespmem:s15+$0x152A0] =	vst v0  }
0xa1: {  	[tilespmem:s16+$0x12200] =	vst v37;
	v3 =	vadd.f32 v35, v1;
	v0 =	vld [tilespmem:s17+$0x230]  }
0xa2: {  	[tilespmem:s16+$0x15200] =	vst v4;
	v1 =	vadd.f32 v36, v1;
	v38 =	vld [tilespmem:s17+$0x1A30]  }
0xa3: {  	v43 =	vld [tilespmem:s16+$0x6210];
	[tilespmem:s16+$0x12280] =	vst v3  }
0xa4: {  	v44 =	vld [tilespmem:s16+$0x9210];
	[tilespmem:s16+$0x15280] =	vst v1  }
0xa5: {  	v1 =	vld [tilespmem:s18+$0x210]  }
0xa6: {  	v4 =	vld [tilespmem:s18+$0x1A10]  }
0xa7: {  	v45 =	vld [tilespmem:s16+$0x6290];
	v0 =	vadd.f32 v38, v0  }
0xa8: {  	v46 =	vld [tilespmem:s16+$0x9290]  }
0xa9: {  	v53 =	vld [tilespmem:s16+$0x6220];
	v6 =	vadd.f32 v0, v39  }
0xaa: {  	v54 =	vld [tilespmem:s16+$0x9220];
	v5 =	vadd.f32 v40, v0  }
0xab: {  	v55 =	vld [tilespmem:s16+$0x62A0];
	v2 =	vadd.f32 v41, v0;
	v1 =	vadd.f32 v4, v1;
	[tilespmem:s15+$0x12230] =	vst v6  }
0xac: {  	v56 =	vld [tilespmem:s16+$0x92A0];
	v0 =	vadd.f32 v42, v0;
	[tilespmem:s15+$0x15230] =	vst v5  }
0xad: {  	v13 =	vld [tilespmem:s16+$0x6230];
	[tilespmem:s15+$0x122B0] =	vst v2;
	v4 =	vadd.f32 v1, v43  }
0xae: {  	v8 =	vld [tilespmem:s16+$0x9230];
	[tilespmem:s15+$0x152B0] =	vst v0;
	v6 =	vadd.f32 v44, v1  }
0xaf: {  	v3 =	vadd.f32 v45, v1;
	v0 =	vld [tilespmem:s17+$0x240];
	[tilespmem:s16+$0x12210] =	vst v4  }
0xb0: {  	v1 =	vadd.f32 v46, v1;
	v5 =	vld [tilespmem:s17+$0x1A40];
	[tilespmem:s16+$0x15210] =	vst v6  }
0xb1: {  	v14 =	vld [tilespmem:s16+$0x62B0];
	[tilespmem:s16+$0x12290] =	vst v3  }
0xb2: {  	v15 =	vld [tilespmem:s16+$0x92B0];
	[tilespmem:s16+$0x15290] =	vst v1  }
0xb3: {  	v1 =	vld [tilespmem:s18+$0x220]  }
0xb4: {  	v51 =	vld [tilespmem:s18+$0x1A20]  }
0xb5: {  	s22 =	sor.u32 $0x2, s5;
	v9 =	vld [tilespmem:s16+$0x62C0];
	v0 =	vadd.f32 v5, v0  }
0xb6: {  	s25 =	sor.u32 $0x3, s5;
	s23 =	sshll.u32 s22, $0x7;
	v10 =	vld [tilespmem:s16+$0x92C0]  }
0xb7: {  	s10 =	sshll.u32 s25, $0x7;
	s25 =	sshll.u32 s25, $0x8;
	v11 =	vld [tilespmem:s23+$0x1A00];
	v52 =	vadd.f32 v0, v47  }
0xb8: {  	v32 =	vld [tilespmem:s25+$0x6280];
	v4 =	vadd.f32 v48, v0  }
0xb9: {  	v20 =	vld [tilespmem:s16+$0x6240];
	v2 =	vadd.f32 v49, v0;
	v1 =	vadd.f32 v51, v1;
	[tilespmem:s15+$0x12240] =	vst v52  }
0xba: {  	s22 =	sshll.u32 s22, $0x8;
	v21 =	vld [tilespmem:s16+$0x9240];
	v0 =	vadd.f32 v50, v0;
	[tilespmem:s15+$0x15240] =	vst v4  }
0xbb: {  	v37 =	vld [tilespmem:s22+$0x9210];
	[tilespmem:s15+$0x122C0] =	vst v2;
	v57 =	vadd.f32 v1, v53  }
0xbc: {  	v22 =	vld [tilespmem:s23+$0x200];
	[tilespmem:s15+$0x152C0] =	vst v0;
	v6 =	vadd.f32 v54, v1  }
0xbd: {  	v24 =	vld [tilespmem:s22+$0x6280];
	v3 =	vadd.f32 v55, v1;
	[tilespmem:s16+$0x12220] =	vst v57  }
0xbe: {  	v25 =	vld [tilespmem:s22+$0x9280];
	v1 =	vadd.f32 v56, v1;
	[tilespmem:s16+$0x15220] =	vst v6  }
0xbf: {  	v0 =	vld [tilespmem:s17+$0x250];
	[tilespmem:s16+$0x122A0] =	vst v3  }
0xc0: {  	v58 =	vld [tilespmem:s17+$0x1A50];
	[tilespmem:s16+$0x152A0] =	vst v1  }
0xc1: {  	v1 =	vld [tilespmem:s18+$0x230]  }
0xc2: {  	v63 =	vld [tilespmem:s18+$0x1A30]  }
0xc3: {  	v26 =	vld [tilespmem:s10+$0x200]  }
0xc4: {  	v27 =	vld [tilespmem:s10+$0x1A00]  }
0xc5: {  	v30 =	vld [tilespmem:s25+$0x6200]  }
0xc6: {  	v31 =	vld [tilespmem:s25+$0x9200];
	v0 =	vadd.f32 v58, v0  }
0xc7: {  	v33 =	vld [tilespmem:s25+$0x9280];
	v1 =	vadd.f32 v63, v1  }
0xc8: {  	v38 =	vld [tilespmem:s22+$0x6290];
	v12 =	vadd.f32 v0, v59  }
0xc9: {  	v39 =	vld [tilespmem:s22+$0x9290];
	v16 =	vadd.f32 v1, v13  }
0xca: {  	v42 =	vld [tilespmem:s16+$0x6250];
	[tilespmem:s15+$0x12250] =	vst v12;
	v17 =	vadd.f32 v8, v1  }
0xcb: {  	v43 =	vld [tilespmem:s25+$0x9210];
	v18 =	vadd.f32 v14, v1;
	[tilespmem:s16+$0x12230] =	vst v16  }
0xcc: {  	v44 =	vld [tilespmem:s25+$0x6290];
	v5 =	vadd.f32 v15, v1;
	[tilespmem:s16+$0x15230] =	vst v17  }
0xcd: {  	v45 =	vld [tilespmem:s25+$0x9290];
	[tilespmem:s16+$0x122B0] =	vst v18  }
0xce: {  	v12 =	vld [tilespmem:s22+$0x6200];
	[tilespmem:s16+$0x152B0] =	vst v5  }
0xcf: {  	v5 =	vld [tilespmem:s18+$0x240]  }
0xd0: {  	v19 =	vld [tilespmem:s18+$0x1A40]  }
0xd1: {  	v13 =	vld [tilespmem:s22+$0x9200]  }
0xd2: {  	v46 =	vld [tilespmem:s16+$0x9250]  }
0xd3: {  	v49 =	vld [tilespmem:s22+$0x9220]  }
0xd4: {  	v50 =	vld [tilespmem:s22+$0x62A0];
	v6 =	vadd.f32 v11, v22  }
0xd5: {  	v51 =	vld [tilespmem:s22+$0x92A0];
	v5 =	vadd.f32 v19, v5  }
0xd6: {  	v52 =	vld [tilespmem:s16+$0x62D0];
	v11 =	vadd.f32 v6, v12;
	v29 =	vadd.f32 v13, v6  }
0xd7: {  	v53 =	vld [tilespmem:s25+$0x9220];
	v7 =	vadd.f32 v5, v20;
	v8 =	vadd.f32 v21, v5  }
0xd8: {  	v54 =	vld [tilespmem:s25+$0x62A0];
	[tilespmem:s22+$0x12200] =	vst v11;
	v23 =	vadd.f32 v9, v5;
	v5 =	vadd.f32 v10, v5  }
0xd9: {  	v55 =	vld [tilespmem:s25+$0x92A0];
	[tilespmem:s22+$0x15200] =	vst v29  }
0xda: {  	v56 =	vld [tilespmem:s16+$0x92D0];
	v9 =	vadd.f32 v24, v6;
	[tilespmem:s16+$0x152C0] =	vst v5;
	v5 =	vadd.f32 v27, v26  }
0xdb: {  	v3 =	vld [tilespmem:s15+$0x6260];
	v6 =	vadd.f32 v25, v6;
	[tilespmem:s16+$0x15240] =	vst v8  }
0xdc: {  	v22 =	vld [tilespmem:s25+$0x6230];
	[tilespmem:s22+$0x12280] =	vst v9;
	v35 =	vadd.f32 v5, v30  }
0xdd: {  	v58 =	vld [tilespmem:s22+$0x6230];
	[tilespmem:s22+$0x15280] =	vst v6;
	v11 =	vadd.f32 v31, v5  }
0xde: {  	v6 =	vld [tilespmem:s23+$0x210];
	v8 =	vadd.f32 v32, v5;
	[tilespmem:s25+$0x12200] =	vst v35  }
0xdf: {  	v36 =	vld [tilespmem:s23+$0x1A10];
	v5 =	vadd.f32 v33, v5;
	[tilespmem:s25+$0x15200] =	vst v11  }
0xe0: {  	v59 =	vld [tilespmem:s22+$0x9230];
	[tilespmem:s25+$0x12280] =	vst v8  }
0xe1: {  	v14 =	vld [tilespmem:s22+$0x6210];
	[tilespmem:s25+$0x15280] =	vst v5  }
0xe2: {  	v4 =	vadd.f32 v60, v0;
	v41 =	vld [tilespmem:s10+$0x210]  }
0xe3: {  	v2 =	vadd.f32 v61, v0;
	v11 =	vld [tilespmem:s10+$0x1A10]  }
0xe4: {  	v0 =	vadd.f32 v62, v0;
	v61 =	vld [tilespmem:s22+$0x62B0];
	[tilespmem:s15+$0x15250] =	vst v4;
	v40 =	vadd.f32 v36, v6  }
0xe5: {  	[tilespmem:s15+$0x122D0] =	vst v2;
	v15 =	vld [tilespmem:s25+$0x6210]  }
0xe6: {  	v63 =	vld [tilespmem:s22+$0x92B0];
	[tilespmem:s15+$0x152D0] =	vst v0;
	v14 =	vadd.f32 v40, v14  }
0xe7: {  	v1 =	vld [tilespmem:s15+$0x9260];
	[tilespmem:s16+$0x12240] =	vst v7;
	v12 =	vadd.f32 v37, v40  }
0xe8: {  	v0 =	vld [tilespmem:s15+$0x62E0];
	v7 =	vadd.f32 v38, v40;
	[tilespmem:s22+$0x12210] =	vst v14;
	v6 =	vadd.f32 v11, v41  }
0xe9: {  	v2 =	vld [tilespmem:s17+$0x260];
	v5 =	vadd.f32 v39, v40;
	[tilespmem:s22+$0x15210] =	vst v12  }
0xea: {  	v4 =	vld [tilespmem:s17+$0x1A60];
	[tilespmem:s22+$0x12290] =	vst v7;
	v47 =	vadd.f32 v6, v15  }
0xeb: {  	v16 =	vld [tilespmem:s22+$0x6220];
	[tilespmem:s22+$0x15290] =	vst v5;
	v14 =	vadd.f32 v43, v6  }
0xec: {  	v5 =	vld [tilespmem:s23+$0x220];
	v8 =	vadd.f32 v44, v6;
	[tilespmem:s25+$0x12210] =	vst v47  }
0xed: {  	v48 =	vld [tilespmem:s23+$0x1A20];
	v6 =	vadd.f32 v45, v6;
	[tilespmem:s25+$0x15210] =	vst v14  }
0xee: {  	v17 =	vld [tilespmem:s25+$0x6220];
	[tilespmem:s25+$0x12290] =	vst v8  }
0xef: {  	v24 =	vld [tilespmem:s25+$0x9230];
	[tilespmem:s25+$0x15290] =	vst v6  }
0xf0: {  	v6 =	vld [tilespmem:s10+$0x220]  }
0xf1: {  	v14 =	vld [tilespmem:s10+$0x1A20]  }
0xf2: {  	v25 =	vld [tilespmem:s25+$0x62B0];
	v5 =	vadd.f32 v48, v5  }
0xf3: {  	[tilespmem:s16+$0x122C0] =	vst v23;
	v27 =	vld [tilespmem:s25+$0x92B0]  }
0xf4: {  	v28 =	vld [tilespmem:s18+$0x250];
	v16 =	vadd.f32 v5, v16  }
0xf5: {  	v34 =	vld [tilespmem:s18+$0x1A50];
	v12 =	vadd.f32 v49, v5  }
0xf6: {  	v30 =	vld [tilespmem:s22+$0x6240];
	v7 =	vadd.f32 v50, v5;
	[tilespmem:s22+$0x12220] =	vst v16;
	v6 =	vadd.f32 v14, v6  }
0xf7: {  	v31 =	vld [tilespmem:s22+$0x9240];
	v5 =	vadd.f32 v51, v5;
	[tilespmem:s22+$0x15220] =	vst v12  }
0xf8: {  	v32 =	vld [tilespmem:s22+$0x62C0];
	[tilespmem:s22+$0x122A0] =	vst v7;
	v14 =	vadd.f32 v6, v17  }
0xf9: {  	v33 =	vld [tilespmem:s22+$0x92C0];
	[tilespmem:s22+$0x152A0] =	vst v5;
	v16 =	vadd.f32 v53, v6  }
0xfa: {  	v5 =	vld [tilespmem:s23+$0x230];
	v8 =	vadd.f32 v54, v6;
	[tilespmem:s25+$0x12220] =	vst v14  }
0xfb: {  	v57 =	vld [tilespmem:s23+$0x1A30];
	v6 =	vadd.f32 v55, v6;
	[tilespmem:s25+$0x15220] =	vst v16  }
0xfc: {  	v36 =	vld [tilespmem:s25+$0x6240];
	[tilespmem:s25+$0x122A0] =	vst v8  }
0xfd: {  	v37 =	vld [tilespmem:s25+$0x9240];
	[tilespmem:s25+$0x152A0] =	vst v6  }
0xfe: {  	v17 =	vld [tilespmem:s10+$0x230]  }
0xff: {  	v19 =	vld [tilespmem:s10+$0x1A30]  }
0x100: {  	v38 =	vld [tilespmem:s25+$0x62C0];
	v5 =	vadd.f32 v57, v5  }
0x101: {  	v9 =	vadd.f32 v34, v28;
	v39 =	vld [tilespmem:s25+$0x92C0]  }
0x102: {  	v40 =	vld [tilespmem:s16+$0x6260];
	v20 =	vadd.f32 v5, v58  }
0x103: {  	v60 =	vadd.f32 v9, v42;
	v42 =	vld [tilespmem:s22+$0x6250];
	v21 =	vadd.f32 v59, v5  }
0x104: {  	v43 =	vld [tilespmem:s22+$0x9250];
	v23 =	vadd.f32 v61, v5;
	[tilespmem:s22+$0x12230] =	vst v20;
	v26 =	vadd.f32 v19, v17  }
0x105: {  	v44 =	vld [tilespmem:s22+$0x62D0];
	v5 =	vadd.f32 v63, v5;
	[tilespmem:s22+$0x15230] =	vst v21  }
0x106: {  	v45 =	vld [tilespmem:s22+$0x92D0];
	[tilespmem:s22+$0x122B0] =	vst v23;
	v10 =	vadd.f32 v26, v22  }
0x107: {  	v47 =	vld [tilespmem:s16+$0x9260];
	[tilespmem:s22+$0x152B0] =	vst v5;
	v13 =	vadd.f32 v24, v26  }
0x108: {  	v5 =	vld [tilespmem:s23+$0x240];
	v8 =	vadd.f32 v25, v26;
	[tilespmem:s25+$0x12230] =	vst v10  }
0x109: {  	v29 =	vld [tilespmem:s23+$0x1A40];
	v6 =	vadd.f32 v27, v26;
	[tilespmem:s25+$0x15230] =	vst v13  }
0x10a: {  	v48 =	vld [tilespmem:s25+$0x6250];
	[tilespmem:s25+$0x122B0] =	vst v8  }
0x10b: {  	v50 =	vld [tilespmem:s25+$0x9250];
	[tilespmem:s25+$0x152B0] =	vst v6  }
0x10c: {  	v6 =	vld [tilespmem:s10+$0x240]  }
0x10d: {  	v2 =	vadd.f32 v4, v2;
	v62 =	vadd.f32 v46, v9;
	v34 =	vld [tilespmem:s10+$0x1A40]  }
0x10e: {  	v18 =	vadd.f32 v56, v9;
	[tilespmem:s16+$0x12250] =	vst v60;
	v12 =	vld [tilespmem:s15+$0x92E0];
	v5 =	vadd.f32 v29, v5  }
0x10f: {  	v3 =	vadd.f32 v2, v3;
	[tilespmem:s16+$0x15250] =	vst v62;
	v51 =	vld [tilespmem:s25+$0x62D0];
	v16 =	vadd.f32 v52, v9  }
0x110: {  	v1 =	vadd.f32 v1, v2;
	[tilespmem:s16+$0x152D0] =	vst v18;
	v53 =	vld [tilespmem:s25+$0x92D0];
	v14 =	vadd.f32 v5, v30  }
0x111: {  	v0 =	vadd.f32 v0, v2;
	v54 =	vld [tilespmem:s16+$0x62E0];
	[tilespmem:s16+$0x122D0] =	vst v16;
	v10 =	vadd.f32 v31, v5  }
0x112: {  	v55 =	vld [tilespmem:s16+$0x92E0];
	v7 =	vadd.f32 v32, v5;
	[tilespmem:s22+$0x12240] =	vst v14;
	v6 =	vadd.f32 v34, v6  }
0x113: {  	v2 =	vadd.f32 v12, v2;
	v12 =	vld [tilespmem:s22+$0x62E0];
	v5 =	vadd.f32 v33, v5;
	[tilespmem:s22+$0x15240] =	vst v10  }
0x114: {  	v28 =	vld [tilespmem:s18+$0x260];
	[tilespmem:s22+$0x122C0] =	vst v7;
	v11 =	vadd.f32 v6, v36  }
0x115: {  	v35 =	vld [tilespmem:s18+$0x1A60];
	[tilespmem:s22+$0x152C0] =	vst v5;
	v14 =	vadd.f32 v37, v6  }
0x116: {  	v5 =	vld [tilespmem:s23+$0x250];
	v8 =	vadd.f32 v38, v6;
	[tilespmem:s25+$0x12240] =	vst v11  }
0x117: {  	v41 =	vld [tilespmem:s23+$0x1A50];
	v6 =	vadd.f32 v39, v6;
	[tilespmem:s25+$0x15240] =	vst v14  }
0x118: {  	v61 =	vld [tilespmem:s22+$0x6260];
	[tilespmem:s25+$0x122C0] =	vst v8  }
0x119: {  	v63 =	vld [tilespmem:s22+$0x9260];
	[tilespmem:s25+$0x152C0] =	vst v6  }
0x11a: {  	v46 =	vld [tilespmem:s10+$0x250]  }
0x11b: {  	v6 =	vld [tilespmem:s10+$0x1A50]  }
0x11c: {  	[tilespmem:s15+$0x12260] =	vst v3;
	v17 =	vld [tilespmem:s22+$0x92E0];
	v5 =	vadd.f32 v41, v5  }
0x11d: {  	[tilespmem:s15+$0x15260] =	vst v1;
	v19 =	vld [tilespmem:s25+$0x6260]  }
0x11e: {  	[tilespmem:s15+$0x122E0] =	vst v0;
	v21 =	vld [tilespmem:s25+$0x9260];
	v15 =	vadd.f32 v5, v42  }
0x11f: {  	[tilespmem:s15+$0x152E0] =	vst v2;
	v23 =	vld [tilespmem:s25+$0x62E0];
	v49 =	vadd.f32 v43, v5  }
0x120: {  	v25 =	vld [tilespmem:s25+$0x92E0];
	v7 =	vadd.f32 v44, v5;
	[tilespmem:s22+$0x12250] =	vst v15;
	v4 =	vadd.f32 v6, v46  }
0x121: {  	v26 =	vld [tilespmem:s17+$0x270];
	v52 =	vadd.f32 v45, v5;
	[tilespmem:s22+$0x15250] =	vst v49  }
0x122: {  	v62 =	vadd.f32 v35, v28;
	v28 =	vld [tilespmem:s17+$0x1A70];
	[tilespmem:s22+$0x122D0] =	vst v7;
	v56 =	vadd.f32 v4, v48  }
0x123: {  	v37 =	vld [tilespmem:s15+$0x6270];
	[tilespmem:s22+$0x152D0] =	vst v52;
	v58 =	vadd.f32 v50, v4  }
0x124: {  	v57 =	vld [tilespmem:s23+$0x260];
	v60 =	vadd.f32 v51, v4;
	[tilespmem:s25+$0x12250] =	vst v56  }
0x125: {  	v59 =	vld [tilespmem:s23+$0x1A60];
	v4 =	vadd.f32 v53, v4;
	[tilespmem:s25+$0x15250] =	vst v58  }
0x126: {  	v13 =	vadd.f32 v62, v40;
	v38 =	vld [tilespmem:s15+$0x9270];
	[tilespmem:s25+$0x122D0] =	vst v60  }
0x127: {  	v16 =	vadd.f32 v54, v62;
	v40 =	vld [tilespmem:s15+$0x92F0];
	[tilespmem:s25+$0x152D0] =	vst v4  }
0x128: {  	v18 =	vadd.f32 v55, v62;
	[tilespmem:s16+$0x12260] =	vst v13;
	v2 =	vadd.f32 v28, v26;
	v4 =	vld [tilespmem:s10+$0x260]  }
0x129: {  	[tilespmem:s16+$0x122E0] =	vst v16;
	v14 =	vadd.f32 v47, v62;
	v15 =	vld [tilespmem:s10+$0x1A60]  }
0x12a: {  	[tilespmem:s16+$0x152E0] =	vst v18;
	v39 =	vld [tilespmem:s15+$0x62F0];
	v8 =	vadd.f32 v2, v37;
	v1 =	vadd.f32 v59, v57  }
0x12b: {  	[tilespmem:s16+$0x15260] =	vst v14;
	v41 =	vld [tilespmem:s16+$0x6270];
	v9 =	vadd.f32 v38, v2  }
0x12c: {  	v30 =	vld [tilespmem:s18+$0x270];
	[tilespmem:s15+$0x12270] =	vst v8;
	v20 =	vadd.f32 v1, v61  }
0x12d: {  	v32 =	vld [tilespmem:s18+$0x1A70];
	[tilespmem:s15+$0x15270] =	vst v9;
	v22 =	vadd.f32 v63, v1  }
0x12e: {  	v42 =	vld [tilespmem:s16+$0x9270];
	v24 =	vadd.f32 v12, v1;
	[tilespmem:s22+$0x12260] =	vst v20;
	v4 =	vadd.f32 v15, v4  }
0x12f: {  	v43 =	vld [tilespmem:s16+$0x62F0];
	v1 =	vadd.f32 v17, v1;
	[tilespmem:s22+$0x15260] =	vst v22  }
0x130: {  	v45 =	vld [tilespmem:s16+$0x92F0];
	[tilespmem:s22+$0x122E0] =	vst v24;
	v27 =	vadd.f32 v4, v19  }
0x131: {  	v46 =	vld [tilespmem:s22+$0x6270];
	[tilespmem:s22+$0x152E0] =	vst v1;
	v29 =	vadd.f32 v21, v4  }
0x132: {  	v34 =	vld [tilespmem:s23+$0x270];
	v31 =	vadd.f32 v23, v4;
	[tilespmem:s25+$0x12260] =	vst v27  }
0x133: {  	v35 =	vld [tilespmem:s23+$0x1A70];
	v33 =	vadd.f32 v25, v4;
	[tilespmem:s25+$0x15260] =	vst v29  }
0x134: {  	v44 =	vadd.f32 v39, v2;
	v5 =	vadd.f32 v32, v30;
	v48 =	vld [tilespmem:s22+$0x9270];
	[tilespmem:s25+$0x122E0] =	vst v31  }
0x135: {  	v2 =	vadd.f32 v40, v2;
	v50 =	vld [tilespmem:s22+$0x62F0];
	[tilespmem:s25+$0x152E0] =	vst v33  }
0x136: {  	[tilespmem:s15+$0x122F0] =	vst v44;
	v47 =	vadd.f32 v5, v41;
	v1 =	vld [tilespmem:s10+$0x270]  }
0x137: {  	[tilespmem:s15+$0x152F0] =	vst v2;
	v49 =	vadd.f32 v42, v5;
	v36 =	vld [tilespmem:s10+$0x1A70]  }
0x138: {  	v52 =	vld [tilespmem:s22+$0x92F0];
	v51 =	vadd.f32 v43, v5;
	[tilespmem:s16+$0x12270] =	vst v47;
	v0 =	vadd.f32 v35, v34  }
0x139: {  	v54 =	vld [tilespmem:s25+$0x6270];
	v53 =	vadd.f32 v45, v5;
	[tilespmem:s16+$0x15270] =	vst v49  }
0x13a: {  	v55 =	vld [tilespmem:s25+$0x9270];
	[tilespmem:s16+$0x122F0] =	vst v51;
	v3 =	vadd.f32 v0, v46  }
0x13b: {  	[tilespmem:s16+$0x152F0] =	vst v53;
	v57 =	vld [tilespmem:s25+$0x62F0];
	v56 =	vadd.f32 v48, v0  }
0x13c: {  	v59 =	vld [tilespmem:s25+$0x92F0];
	v58 =	vadd.f32 v50, v0;
	[tilespmem:s22+$0x12270] =	vst v3;
	v1 =	vadd.f32 v36, v1  }
0x13d: {  	v0 =	vadd.f32 v52, v0;
	[tilespmem:s22+$0x15270] =	vst v56  }
0x13e: {  	p1 =	slt.u32 s5, $0x2C;
	[tilespmem:s22+$0x122F0] =	vst v58;
	v60 =	vadd.f32 v1, v54  }
.Ltmp5:
0x13f: {  	[tilespmem:s22+$0x152F0] =	vst v0;
	v61 =	vadd.f32 v55, v1;
	(pc) =	sbr.rel @p1 .LBB2_5-.Ltmp5, $4  }
0x140: {  	v62 =	vadd.f32 v57, v1;
	[tilespmem:s25+$0x12270] =	vst v60  }
0x141: {  	v63 =	vadd.f32 v59, v1;
	[tilespmem:s25+$0x15270] =	vst v61  }
0x142: {  	s23 =	sadd.s32 $0x4, s5;
	[tilespmem:s25+$0x122F0] =	vst v62  }
0x143: {  	s5 =	smov.u32 s23;
	[tilespmem:s25+$0x152F0] =	vst v63  }
0x144: {  	s5 =	smul.u32 $0x30, s14;
	_ =	sdelay $0x1  }
0x145: {  	s5 =	smin.u32 s5, $0xC320  }
.Ltmp6:
0x146: {  	s5 =	sshll.u32 s5, $0x5;
	(pc) =	sbr.rel .LBB2_7-.Ltmp6, $4  }
0x147: {  	s10 =	sadd.s32 s7, s5  }
0x148: {  	[hbm4b:s10+s9] =	stream.linear.scatter [tilespmem:s1], [sflag:$0x5], $0x3000, $0x38;
	[tilespmem:$0x1E200] =	vst v63  }
0x149: {  	s5 =	sadd.s32 s5, s21  }
0x14a: {  	[hbm4b:s5+s9] =	stream.linear.scatter [tilespmem:s26], [sflag:$0x5], $0x3000, $0x38;
	[tilespmem:$0x1E200] =	vst v63  }
.LBB2_3:
0x14b: {  	s31 =	sadd.s32 s19, s13  }
.LBB2_7:
0x14c: {  	p1 =	sgt.u32 s31, $0x411  }
0x14d: {  	s5 =	simm.s32 @!p1 $0x1  }
0x14e: {  	_ =	swait.ge @!p1 [sflag:s5], $0x30  }
0x14f: {  	[sflag:s5] =	ssyncset.done @!p1 $0x0  }
0x150: {  	[sflag:s5] =	ssyncadd.s32 @!p1 $0xFFFFFFD0  }
0x151: {  	_ =	swait.ge @!p1 [sflag:s5], $0x30  }
0x152: {  	s10 =	simm.s32 @!p1 $0x0;
	[sflag:s5] =	ssyncset.done @!p1 $0x0  }
0x153: {  	s15 =	simm.s32 @!p1 $0x200;
	[sflag:s5] =	ssyncadd.s32 @!p1 $0xFFFFFFD0;
	s5 =	simm.s32 @!p1 $0x30  }
0x154: {  	[tilespmem:s15], [sflag:$0x3] =	stream.indirect.gather @!p1 [hbm4b:s4+s5], $0x80, s10, s5, $0xb8;
	[tilespmem:$0x1E200] =	vst v63  }
0x155: {  	s16 =	simm.s32 @!p1 $0x1A00;
	s17 =	smul.u32 @!p1 $0x30, s31;
	s15 =	simm.s32 @!p1 $0x80  }
0x156: {  	[tilespmem:s16], [sflag:$0x3] =	stream.indirect.gather @!p1 [hbm4b:s6+s5], $0x80, s15, s5, $0xb8;
	[tilespmem:$0x1E200] =	vst v63  }
0x157: {  	s5 =	smin.u32 @!p1 s17, $0xC320  }
0x158: {  	s5 =	sshll.u32 @!p1 s5, $0x5  }
0x159: {  	s16 =	simm.s32 @!p1 $0x6200;
	s15 =	sadd.s32 @!p1 s0, s5  }
0x15a: {  	[tilespmem:s16], [sflag:$0x3] =	stream.linear.gather @!p1 [hbm4b:s15+s10], $0x3000, $0x38;
	[tilespmem:$0x1E200] =	vst v63  }
0x15b: {  	s14 =	sor.u32 $0x20, s14;
	s5 =	sadd.s32 @!p1 s5, s12;
	s15 =	simm.s32 @!p1 $0x9200  }
0x15c: {  	[tilespmem:s15], [sflag:$0x3] =	stream.linear.gather @!p1 [hbm4b:s5+s10], $0x3000, $0x38;
	[tilespmem:$0x1E200] =	vst v63  }
0x15d: {  	p1 =	slt.u32 s14, $0x412  }
.Ltmp7:
0x15e: {  	_ = 	snop;
	(pc) =	sbr.rel @!p1 .LBB2_8-.Ltmp7, $1  }
0x15f: {  	_ =	sdelay $0x3  }
0x160: {  	_ =	swait.ge [sflag:s28], $0x1800  }
0x161: {  	[sflag:s28] =	ssyncset.done $0x0  }
0x162: {  	[sflag:s28] =	ssyncadd.s32 $0xFFFFE800  }
0x163: {  	_ =	swait.ge [sflag:s28], $0x1800  }
0x164: {  	[sflag:s28] =	ssyncset.done $0x0  }
0x165: {  	s13 =	sadd.s32 s20, s13;
	[sflag:s28] =	ssyncadd.s32 $0xFFFFE800  }
0x166: {  	p1 =	sgt.u32 s13, $0x411;
	_ =	swait.ge [sflag:s28], $0x3000  }
0x167: {  	s5 =	smul.u32 @!p1 $0x30, s13;
	[sflag:s28] =	ssyncset.done $0x0  }
0x168: {  	[sflag:s28] =	ssyncadd.s32 $0xFFFFD000  }
0x169: {  	s5 =	smin.u32 @!p1 s5, $0xC320;
	_ =	swait.ge [sflag:s28], $0x3000  }
0x16a: {  	s15 =	simm.s32 @!p1 $0x0;
	s5 =	sshrl.u32 @!p1 s5, $0x3;
	[sflag:s28] =	ssyncset.done $0x0  }
0x16b: {  	s16 =	simm.s32 @!p1 $0x100;
	s10 =	sadd.s32 @!p1 s2, s5;
	[sflag:s28] =	ssyncadd.s32 $0xFFFFD000  }
0x16c: {  	[tilespmem:s16], [sflag:$0x2] =	stream.linear.gather @!p1 [hbm4b:s10+s15], $0x30, $0x38;
	[tilespmem:$0x1E200] =	vst v63  }
0x16d: {  	s5 =	sadd.s32 @!p1 s3, s5;
	s10 =	simm.s32 @!p1 $0x180  }
0x16e: {  	[tilespmem:s10], [sflag:$0x2] =	stream.linear.gather @!p1 [hbm4b:s5+s15], $0x30, $0x38;
	[tilespmem:$0x1E200] =	vst v63  }
0x16f: {  	s5 =	simm.s32 $0x0  }
.LBB2_10:
0x170: {  	s17 =	sshll.u32 s5, $0x7  }
0x171: {  	v0 =	vld [tilespmem:s17+$0x3200]  }
0x172: {  	v1 =	vld [tilespmem:s17+$0x4A00]  }
0x173: {  	s15 =	sshll.u32 s5, $0x8  }
0x174: {  	v2 =	vld [tilespmem:s15+$0xC200]  }
0x175: {  	v3 =	vld [tilespmem:s15+$0xF200]  }
0x176: {  	v4 =	vld [tilespmem:s15+$0xC280]  }
0x177: {  	v20 =	vld [tilespmem:s15+$0xF280];
	v0 =	vadd.f32 v1, v0;
	_ =	sdelay $0x1  }
0x178: {  	v2 =	vadd.f32 v0, v2  }
0x179: {  	v3 =	vadd.f32 v3, v0  }
0x17a: {  	v21 =	vadd.f32 v4, v0;
	[tilespmem:s15+$0x18200] =	vst v2  }
0x17b: {  	v0 =	vadd.f32 v20, v0;
	[tilespmem:s15+$0x1B200] =	vst v3  }
0x17c: {  	v23 =	vld [tilespmem:s15+$0xC210];
	[tilespmem:s15+$0x18280] =	vst v21  }
0x17d: {  	v24 =	vld [tilespmem:s15+$0xF210];
	[tilespmem:s15+$0x1B280] =	vst v0  }
0x17e: {  	v0 =	vld [tilespmem:s17+$0x3210]  }
0x17f: {  	v22 =	vld [tilespmem:s17+$0x4A10]  }
0x180: {  	v25 =	vld [tilespmem:s15+$0xC290]  }
0x181: {  	v26 =	vld [tilespmem:s15+$0xF290]  }
0x182: {  	v29 =	vld [tilespmem:s15+$0xC220]  }
0x183: {  	v30 =	vld [tilespmem:s15+$0xF220]  }
0x184: {  	v31 =	vld [tilespmem:s15+$0xC2A0];
	v0 =	vadd.f32 v22, v0  }
0x185: {  	v5 =	vld [tilespmem:s15+$0xF2A0]  }
0x186: {  	v39 =	vld [tilespmem:s15+$0xC230];
	v2 =	vadd.f32 v0, v23  }
0x187: {  	v40 =	vld [tilespmem:s15+$0xF230];
	v3 =	vadd.f32 v24, v0  }
0x188: {  	v41 =	vld [tilespmem:s15+$0xC2B0];
	v27 =	vadd.f32 v25, v0;
	[tilespmem:s15+$0x18210] =	vst v2  }
0x189: {  	v42 =	vld [tilespmem:s15+$0xF2B0];
	v0 =	vadd.f32 v26, v0;
	[tilespmem:s15+$0x1B210] =	vst v3  }
0x18a: {  	v47 =	vld [tilespmem:s15+$0xC240];
	[tilespmem:s15+$0x18290] =	vst v27  }
0x18b: {  	v48 =	vld [tilespmem:s15+$0xF240];
	[tilespmem:s15+$0x1B290] =	vst v0  }
0x18c: {  	v0 =	vld [tilespmem:s17+$0x3220]  }
0x18d: {  	v28 =	vld [tilespmem:s17+$0x4A20]  }
0x18e: {  	s10 =	sor.u32 $0x1, s5;
	v49 =	vld [tilespmem:s15+$0xC2C0]  }
0x18f: {  	s18 =	sshll.u32 s10, $0x7;
	v50 =	vld [tilespmem:s15+$0xF2C0]  }
0x190: {  	v32 =	vld [tilespmem:s18+$0x3200]  }
0x191: {  	v6 =	vld [tilespmem:s18+$0x4A00]  }
0x192: {  	s16 =	sshll.u32 s10, $0x8;
	v59 =	vld [tilespmem:s15+$0xC250];
	v0 =	vadd.f32 v28, v0  }
0x193: {  	v7 =	vld [tilespmem:s16+$0xC200]  }
0x194: {  	v34 =	vld [tilespmem:s16+$0xF200];
	v2 =	vadd.f32 v0, v29  }
0x195: {  	v35 =	vld [tilespmem:s16+$0xC280];
	v3 =	vadd.f32 v30, v0  }
0x196: {  	v36 =	vld [tilespmem:s16+$0xF280];
	v1 =	vadd.f32 v6, v32;
	v33 =	vadd.f32 v31, v0;
	[tilespmem:s15+$0x18220] =	vst v2  }
0x197: {  	v60 =	vld [tilespmem:s15+$0xF250];
	v0 =	vadd.f32 v5, v0;
	[tilespmem:s15+$0x1B220] =	vst v3  }
0x198: {  	v61 =	vld [tilespmem:s15+$0xC2D0];
	v37 =	vadd.f32 v1, v7;
	[tilespmem:s15+$0x182A0] =	vst v33  }
0x199: {  	v62 =	vld [tilespmem:s15+$0xF2D0];
	v4 =	vadd.f32 v34, v1;
	[tilespmem:s15+$0x1B2A0] =	vst v0  }
0x19a: {  	[tilespmem:s16+$0x18200] =	vst v37;
	v3 =	vadd.f32 v35, v1;
	v0 =	vld [tilespmem:s17+$0x3230]  }
0x19b: {  	[tilespmem:s16+$0x1B200] =	vst v4;
	v1 =	vadd.f32 v36, v1;
	v38 =	vld [tilespmem:s17+$0x4A30]  }
0x19c: {  	v43 =	vld [tilespmem:s16+$0xC210];
	[tilespmem:s16+$0x18280] =	vst v3  }
0x19d: {  	v44 =	vld [tilespmem:s16+$0xF210];
	[tilespmem:s16+$0x1B280] =	vst v1  }
0x19e: {  	v1 =	vld [tilespmem:s18+$0x3210]  }
0x19f: {  	v4 =	vld [tilespmem:s18+$0x4A10]  }
0x1a0: {  	v45 =	vld [tilespmem:s16+$0xC290];
	v0 =	vadd.f32 v38, v0  }
0x1a1: {  	v46 =	vld [tilespmem:s16+$0xF290]  }
0x1a2: {  	v53 =	vld [tilespmem:s16+$0xC220];
	v6 =	vadd.f32 v0, v39  }
0x1a3: {  	v54 =	vld [tilespmem:s16+$0xF220];
	v5 =	vadd.f32 v40, v0  }
0x1a4: {  	v55 =	vld [tilespmem:s16+$0xC2A0];
	v2 =	vadd.f32 v41, v0;
	v1 =	vadd.f32 v4, v1;
	[tilespmem:s15+$0x18230] =	vst v6  }
0x1a5: {  	v56 =	vld [tilespmem:s16+$0xF2A0];
	v0 =	vadd.f32 v42, v0;
	[tilespmem:s15+$0x1B230] =	vst v5  }
0x1a6: {  	v13 =	vld [tilespmem:s16+$0xC230];
	[tilespmem:s15+$0x182B0] =	vst v2;
	v4 =	vadd.f32 v1, v43  }
0x1a7: {  	v8 =	vld [tilespmem:s16+$0xF230];
	[tilespmem:s15+$0x1B2B0] =	vst v0;
	v6 =	vadd.f32 v44, v1  }
0x1a8: {  	v3 =	vadd.f32 v45, v1;
	v0 =	vld [tilespmem:s17+$0x3240];
	[tilespmem:s16+$0x18210] =	vst v4  }
0x1a9: {  	v1 =	vadd.f32 v46, v1;
	v5 =	vld [tilespmem:s17+$0x4A40];
	[tilespmem:s16+$0x1B210] =	vst v6  }
0x1aa: {  	v14 =	vld [tilespmem:s16+$0xC2B0];
	[tilespmem:s16+$0x18290] =	vst v3  }
0x1ab: {  	v15 =	vld [tilespmem:s16+$0xF2B0];
	[tilespmem:s16+$0x1B290] =	vst v1  }
0x1ac: {  	v1 =	vld [tilespmem:s18+$0x3220]  }
0x1ad: {  	v51 =	vld [tilespmem:s18+$0x4A20]  }
0x1ae: {  	s25 =	sor.u32 $0x2, s5;
	v9 =	vld [tilespmem:s16+$0xC2C0];
	v0 =	vadd.f32 v5, v0  }
0x1af: {  	s23 =	sshll.u32 s25, $0x7;
	s22 =	sshll.u32 s25, $0x8;
	s25 =	sor.u32 $0x3, s5;
	v10 =	vld [tilespmem:s16+$0xF2C0]  }
0x1b0: {  	v11 =	vld [tilespmem:s23+$0x4A00];
	s31 =	sshll.u32 s25, $0x7;
	s25 =	sshll.u32 s25, $0x8;
	v52 =	vadd.f32 v0, v47  }
0x1b1: {  	v32 =	vld [tilespmem:s25+$0xC280];
	v4 =	vadd.f32 v48, v0  }
0x1b2: {  	v20 =	vld [tilespmem:s16+$0xC240];
	v2 =	vadd.f32 v49, v0;
	v1 =	vadd.f32 v51, v1;
	[tilespmem:s15+$0x18240] =	vst v52  }
0x1b3: {  	v21 =	vld [tilespmem:s16+$0xF240];
	v0 =	vadd.f32 v50, v0;
	[tilespmem:s15+$0x1B240] =	vst v4  }
0x1b4: {  	v37 =	vld [tilespmem:s22+$0xF210];
	[tilespmem:s15+$0x182C0] =	vst v2;
	v57 =	vadd.f32 v1, v53  }
0x1b5: {  	v22 =	vld [tilespmem:s23+$0x3200];
	[tilespmem:s15+$0x1B2C0] =	vst v0;
	v6 =	vadd.f32 v54, v1  }
0x1b6: {  	v24 =	vld [tilespmem:s22+$0xC280];
	v3 =	vadd.f32 v55, v1;
	[tilespmem:s16+$0x18220] =	vst v57  }
0x1b7: {  	v25 =	vld [tilespmem:s22+$0xF280];
	v1 =	vadd.f32 v56, v1;
	[tilespmem:s16+$0x1B220] =	vst v6  }
0x1b8: {  	v0 =	vld [tilespmem:s17+$0x3250];
	[tilespmem:s16+$0x182A0] =	vst v3  }
0x1b9: {  	v58 =	vld [tilespmem:s17+$0x4A50];
	[tilespmem:s16+$0x1B2A0] =	vst v1  }
0x1ba: {  	v1 =	vld [tilespmem:s18+$0x3230]  }
0x1bb: {  	v63 =	vld [tilespmem:s18+$0x4A30]  }
0x1bc: {  	v26 =	vld [tilespmem:s31+$0x3200]  }
0x1bd: {  	v27 =	vld [tilespmem:s31+$0x4A00]  }
0x1be: {  	v30 =	vld [tilespmem:s25+$0xC200]  }
0x1bf: {  	v31 =	vld [tilespmem:s25+$0xF200];
	v0 =	vadd.f32 v58, v0  }
0x1c0: {  	v33 =	vld [tilespmem:s25+$0xF280];
	v1 =	vadd.f32 v63, v1  }
0x1c1: {  	v38 =	vld [tilespmem:s22+$0xC290];
	v12 =	vadd.f32 v0, v59  }
0x1c2: {  	v39 =	vld [tilespmem:s22+$0xF290];
	v16 =	vadd.f32 v1, v13  }
0x1c3: {  	v42 =	vld [tilespmem:s16+$0xC250];
	[tilespmem:s15+$0x18250] =	vst v12;
	v17 =	vadd.f32 v8, v1  }
0x1c4: {  	v43 =	vld [tilespmem:s25+$0xF210];
	v18 =	vadd.f32 v14, v1;
	[tilespmem:s16+$0x18230] =	vst v16  }
0x1c5: {  	v44 =	vld [tilespmem:s25+$0xC290];
	v5 =	vadd.f32 v15, v1;
	[tilespmem:s16+$0x1B230] =	vst v17  }
0x1c6: {  	v45 =	vld [tilespmem:s25+$0xF290];
	[tilespmem:s16+$0x182B0] =	vst v18  }
0x1c7: {  	v12 =	vld [tilespmem:s22+$0xC200];
	[tilespmem:s16+$0x1B2B0] =	vst v5  }
0x1c8: {  	v5 =	vld [tilespmem:s18+$0x3240]  }
0x1c9: {  	v19 =	vld [tilespmem:s18+$0x4A40]  }
0x1ca: {  	v13 =	vld [tilespmem:s22+$0xF200]  }
0x1cb: {  	v46 =	vld [tilespmem:s16+$0xF250]  }
0x1cc: {  	v49 =	vld [tilespmem:s22+$0xF220]  }
0x1cd: {  	v50 =	vld [tilespmem:s22+$0xC2A0];
	v6 =	vadd.f32 v11, v22  }
0x1ce: {  	v51 =	vld [tilespmem:s22+$0xF2A0];
	v5 =	vadd.f32 v19, v5  }
0x1cf: {  	v52 =	vld [tilespmem:s16+$0xC2D0];
	v11 =	vadd.f32 v6, v12;
	v29 =	vadd.f32 v13, v6  }
0x1d0: {  	v53 =	vld [tilespmem:s25+$0xF220];
	v7 =	vadd.f32 v5, v20;
	v8 =	vadd.f32 v21, v5  }
0x1d1: {  	v54 =	vld [tilespmem:s25+$0xC2A0];
	[tilespmem:s22+$0x18200] =	vst v11;
	v23 =	vadd.f32 v9, v5;
	v5 =	vadd.f32 v10, v5  }
0x1d2: {  	v55 =	vld [tilespmem:s25+$0xF2A0];
	[tilespmem:s22+$0x1B200] =	vst v29  }
0x1d3: {  	v56 =	vld [tilespmem:s16+$0xF2D0];
	v9 =	vadd.f32 v24, v6;
	[tilespmem:s16+$0x1B2C0] =	vst v5;
	v5 =	vadd.f32 v27, v26  }
0x1d4: {  	v3 =	vld [tilespmem:s15+$0xC260];
	v6 =	vadd.f32 v25, v6;
	[tilespmem:s16+$0x1B240] =	vst v8  }
0x1d5: {  	v22 =	vld [tilespmem:s25+$0xC230];
	[tilespmem:s22+$0x18280] =	vst v9;
	v35 =	vadd.f32 v5, v30  }
0x1d6: {  	v58 =	vld [tilespmem:s22+$0xC230];
	[tilespmem:s22+$0x1B280] =	vst v6;
	v11 =	vadd.f32 v31, v5  }
0x1d7: {  	v6 =	vld [tilespmem:s23+$0x3210];
	v8 =	vadd.f32 v32, v5;
	[tilespmem:s25+$0x18200] =	vst v35  }
0x1d8: {  	v36 =	vld [tilespmem:s23+$0x4A10];
	v5 =	vadd.f32 v33, v5;
	[tilespmem:s25+$0x1B200] =	vst v11  }
0x1d9: {  	v59 =	vld [tilespmem:s22+$0xF230];
	[tilespmem:s25+$0x18280] =	vst v8  }
0x1da: {  	v14 =	vld [tilespmem:s22+$0xC210];
	[tilespmem:s25+$0x1B280] =	vst v5  }
0x1db: {  	v4 =	vadd.f32 v60, v0;
	v41 =	vld [tilespmem:s31+$0x3210]  }
0x1dc: {  	v2 =	vadd.f32 v61, v0;
	v11 =	vld [tilespmem:s31+$0x4A10]  }
0x1dd: {  	v0 =	vadd.f32 v62, v0;
	v61 =	vld [tilespmem:s22+$0xC2B0];
	[tilespmem:s15+$0x1B250] =	vst v4;
	v40 =	vadd.f32 v36, v6  }
0x1de: {  	[tilespmem:s15+$0x182D0] =	vst v2;
	v15 =	vld [tilespmem:s25+$0xC210]  }
0x1df: {  	v63 =	vld [tilespmem:s22+$0xF2B0];
	[tilespmem:s15+$0x1B2D0] =	vst v0;
	v14 =	vadd.f32 v40, v14  }
0x1e0: {  	v1 =	vld [tilespmem:s15+$0xF260];
	[tilespmem:s16+$0x18240] =	vst v7;
	v12 =	vadd.f32 v37, v40  }
0x1e1: {  	v0 =	vld [tilespmem:s15+$0xC2E0];
	v7 =	vadd.f32 v38, v40;
	[tilespmem:s22+$0x18210] =	vst v14;
	v6 =	vadd.f32 v11, v41  }
0x1e2: {  	v2 =	vld [tilespmem:s17+$0x3260];
	v5 =	vadd.f32 v39, v40;
	[tilespmem:s22+$0x1B210] =	vst v12  }
0x1e3: {  	v4 =	vld [tilespmem:s17+$0x4A60];
	[tilespmem:s22+$0x18290] =	vst v7;
	v47 =	vadd.f32 v6, v15  }
0x1e4: {  	v16 =	vld [tilespmem:s22+$0xC220];
	[tilespmem:s22+$0x1B290] =	vst v5;
	v14 =	vadd.f32 v43, v6  }
0x1e5: {  	v5 =	vld [tilespmem:s23+$0x3220];
	v8 =	vadd.f32 v44, v6;
	[tilespmem:s25+$0x18210] =	vst v47  }
0x1e6: {  	v48 =	vld [tilespmem:s23+$0x4A20];
	v6 =	vadd.f32 v45, v6;
	[tilespmem:s25+$0x1B210] =	vst v14  }
0x1e7: {  	v17 =	vld [tilespmem:s25+$0xC220];
	[tilespmem:s25+$0x18290] =	vst v8  }
0x1e8: {  	v24 =	vld [tilespmem:s25+$0xF230];
	[tilespmem:s25+$0x1B290] =	vst v6  }
0x1e9: {  	v6 =	vld [tilespmem:s31+$0x3220]  }
0x1ea: {  	v14 =	vld [tilespmem:s31+$0x4A20]  }
0x1eb: {  	v25 =	vld [tilespmem:s25+$0xC2B0];
	v5 =	vadd.f32 v48, v5  }
0x1ec: {  	[tilespmem:s16+$0x182C0] =	vst v23;
	v27 =	vld [tilespmem:s25+$0xF2B0]  }
0x1ed: {  	v28 =	vld [tilespmem:s18+$0x3250];
	v16 =	vadd.f32 v5, v16  }
0x1ee: {  	v34 =	vld [tilespmem:s18+$0x4A50];
	v12 =	vadd.f32 v49, v5  }
0x1ef: {  	v30 =	vld [tilespmem:s22+$0xC240];
	v7 =	vadd.f32 v50, v5;
	[tilespmem:s22+$0x18220] =	vst v16;
	v6 =	vadd.f32 v14, v6  }
0x1f0: {  	v31 =	vld [tilespmem:s22+$0xF240];
	v5 =	vadd.f32 v51, v5;
	[tilespmem:s22+$0x1B220] =	vst v12  }
0x1f1: {  	v32 =	vld [tilespmem:s22+$0xC2C0];
	[tilespmem:s22+$0x182A0] =	vst v7;
	v14 =	vadd.f32 v6, v17  }
0x1f2: {  	v33 =	vld [tilespmem:s22+$0xF2C0];
	[tilespmem:s22+$0x1B2A0] =	vst v5;
	v16 =	vadd.f32 v53, v6  }
0x1f3: {  	v5 =	vld [tilespmem:s23+$0x3230];
	v8 =	vadd.f32 v54, v6;
	[tilespmem:s25+$0x18220] =	vst v14  }
0x1f4: {  	v57 =	vld [tilespmem:s23+$0x4A30];
	v6 =	vadd.f32 v55, v6;
	[tilespmem:s25+$0x1B220] =	vst v16  }
0x1f5: {  	v36 =	vld [tilespmem:s25+$0xC240];
	[tilespmem:s25+$0x182A0] =	vst v8  }
0x1f6: {  	v37 =	vld [tilespmem:s25+$0xF240];
	[tilespmem:s25+$0x1B2A0] =	vst v6  }
0x1f7: {  	v17 =	vld [tilespmem:s31+$0x3230]  }
0x1f8: {  	v19 =	vld [tilespmem:s31+$0x4A30]  }
0x1f9: {  	v38 =	vld [tilespmem:s25+$0xC2C0];
	v5 =	vadd.f32 v57, v5  }
0x1fa: {  	v9 =	vadd.f32 v34, v28;
	v39 =	vld [tilespmem:s25+$0xF2C0]  }
0x1fb: {  	v40 =	vld [tilespmem:s16+$0xC260];
	v20 =	vadd.f32 v5, v58  }
0x1fc: {  	v60 =	vadd.f32 v9, v42;
	v42 =	vld [tilespmem:s22+$0xC250];
	v21 =	vadd.f32 v59, v5  }
0x1fd: {  	v43 =	vld [tilespmem:s22+$0xF250];
	v23 =	vadd.f32 v61, v5;
	[tilespmem:s22+$0x18230] =	vst v20;
	v26 =	vadd.f32 v19, v17  }
0x1fe: {  	v44 =	vld [tilespmem:s22+$0xC2D0];
	v5 =	vadd.f32 v63, v5;
	[tilespmem:s22+$0x1B230] =	vst v21  }
0x1ff: {  	v45 =	vld [tilespmem:s22+$0xF2D0];
	[tilespmem:s22+$0x182B0] =	vst v23;
	v10 =	vadd.f32 v26, v22  }
0x200: {  	v47 =	vld [tilespmem:s16+$0xF260];
	[tilespmem:s22+$0x1B2B0] =	vst v5;
	v13 =	vadd.f32 v24, v26  }
0x201: {  	v5 =	vld [tilespmem:s23+$0x3240];
	v8 =	vadd.f32 v25, v26;
	[tilespmem:s25+$0x18230] =	vst v10  }
0x202: {  	v29 =	vld [tilespmem:s23+$0x4A40];
	v6 =	vadd.f32 v27, v26;
	[tilespmem:s25+$0x1B230] =	vst v13  }
0x203: {  	v48 =	vld [tilespmem:s25+$0xC250];
	[tilespmem:s25+$0x182B0] =	vst v8  }
0x204: {  	v50 =	vld [tilespmem:s25+$0xF250];
	[tilespmem:s25+$0x1B2B0] =	vst v6  }
0x205: {  	v6 =	vld [tilespmem:s31+$0x3240]  }
0x206: {  	v2 =	vadd.f32 v4, v2;
	v62 =	vadd.f32 v46, v9;
	v34 =	vld [tilespmem:s31+$0x4A40]  }
0x207: {  	v18 =	vadd.f32 v56, v9;
	[tilespmem:s16+$0x18250] =	vst v60;
	v12 =	vld [tilespmem:s15+$0xF2E0];
	v5 =	vadd.f32 v29, v5  }
0x208: {  	v3 =	vadd.f32 v2, v3;
	[tilespmem:s16+$0x1B250] =	vst v62;
	v51 =	vld [tilespmem:s25+$0xC2D0];
	v16 =	vadd.f32 v52, v9  }
0x209: {  	v1 =	vadd.f32 v1, v2;
	[tilespmem:s16+$0x1B2D0] =	vst v18;
	v53 =	vld [tilespmem:s25+$0xF2D0];
	v14 =	vadd.f32 v5, v30  }
0x20a: {  	v0 =	vadd.f32 v0, v2;
	v54 =	vld [tilespmem:s16+$0xC2E0];
	[tilespmem:s16+$0x182D0] =	vst v16;
	v10 =	vadd.f32 v31, v5  }
0x20b: {  	v55 =	vld [tilespmem:s16+$0xF2E0];
	v7 =	vadd.f32 v32, v5;
	[tilespmem:s22+$0x18240] =	vst v14;
	v6 =	vadd.f32 v34, v6  }
0x20c: {  	v2 =	vadd.f32 v12, v2;
	v12 =	vld [tilespmem:s22+$0xC2E0];
	v5 =	vadd.f32 v33, v5;
	[tilespmem:s22+$0x1B240] =	vst v10  }
0x20d: {  	v28 =	vld [tilespmem:s18+$0x3260];
	[tilespmem:s22+$0x182C0] =	vst v7;
	v11 =	vadd.f32 v6, v36  }
0x20e: {  	v35 =	vld [tilespmem:s18+$0x4A60];
	[tilespmem:s22+$0x1B2C0] =	vst v5;
	v14 =	vadd.f32 v37, v6  }
0x20f: {  	v5 =	vld [tilespmem:s23+$0x3250];
	v8 =	vadd.f32 v38, v6;
	[tilespmem:s25+$0x18240] =	vst v11  }
0x210: {  	v41 =	vld [tilespmem:s23+$0x4A50];
	v6 =	vadd.f32 v39, v6;
	[tilespmem:s25+$0x1B240] =	vst v14  }
0x211: {  	v61 =	vld [tilespmem:s22+$0xC260];
	[tilespmem:s25+$0x182C0] =	vst v8  }
0x212: {  	v63 =	vld [tilespmem:s22+$0xF260];
	[tilespmem:s25+$0x1B2C0] =	vst v6  }
0x213: {  	v46 =	vld [tilespmem:s31+$0x3250]  }
0x214: {  	v6 =	vld [tilespmem:s31+$0x4A50]  }
0x215: {  	[tilespmem:s15+$0x18260] =	vst v3;
	v17 =	vld [tilespmem:s22+$0xF2E0];
	v5 =	vadd.f32 v41, v5  }
0x216: {  	[tilespmem:s15+$0x1B260] =	vst v1;
	v19 =	vld [tilespmem:s25+$0xC260]  }
0x217: {  	[tilespmem:s15+$0x182E0] =	vst v0;
	v21 =	vld [tilespmem:s25+$0xF260];
	v15 =	vadd.f32 v5, v42  }
0x218: {  	[tilespmem:s15+$0x1B2E0] =	vst v2;
	v23 =	vld [tilespmem:s25+$0xC2E0];
	v49 =	vadd.f32 v43, v5  }
0x219: {  	v25 =	vld [tilespmem:s25+$0xF2E0];
	v7 =	vadd.f32 v44, v5;
	[tilespmem:s22+$0x18250] =	vst v15;
	v4 =	vadd.f32 v6, v46  }
0x21a: {  	v26 =	vld [tilespmem:s17+$0x3270];
	v52 =	vadd.f32 v45, v5;
	[tilespmem:s22+$0x1B250] =	vst v49  }
0x21b: {  	v62 =	vadd.f32 v35, v28;
	v28 =	vld [tilespmem:s17+$0x4A70];
	[tilespmem:s22+$0x182D0] =	vst v7;
	v56 =	vadd.f32 v4, v48  }
0x21c: {  	v37 =	vld [tilespmem:s15+$0xC270];
	[tilespmem:s22+$0x1B2D0] =	vst v52;
	v58 =	vadd.f32 v50, v4  }
0x21d: {  	v57 =	vld [tilespmem:s23+$0x3260];
	v60 =	vadd.f32 v51, v4;
	[tilespmem:s25+$0x18250] =	vst v56  }
0x21e: {  	v59 =	vld [tilespmem:s23+$0x4A60];
	v4 =	vadd.f32 v53, v4;
	[tilespmem:s25+$0x1B250] =	vst v58  }
0x21f: {  	v13 =	vadd.f32 v62, v40;
	v38 =	vld [tilespmem:s15+$0xF270];
	[tilespmem:s25+$0x182D0] =	vst v60  }
0x220: {  	v16 =	vadd.f32 v54, v62;
	v40 =	vld [tilespmem:s15+$0xF2F0];
	[tilespmem:s25+$0x1B2D0] =	vst v4  }
0x221: {  	v18 =	vadd.f32 v55, v62;
	[tilespmem:s16+$0x18260] =	vst v13;
	v2 =	vadd.f32 v28, v26;
	v4 =	vld [tilespmem:s31+$0x3260]  }
0x222: {  	[tilespmem:s16+$0x182E0] =	vst v16;
	v14 =	vadd.f32 v47, v62;
	v15 =	vld [tilespmem:s31+$0x4A60]  }
0x223: {  	[tilespmem:s16+$0x1B2E0] =	vst v18;
	v39 =	vld [tilespmem:s15+$0xC2F0];
	v8 =	vadd.f32 v2, v37;
	v1 =	vadd.f32 v59, v57  }
0x224: {  	[tilespmem:s16+$0x1B260] =	vst v14;
	v41 =	vld [tilespmem:s16+$0xC270];
	v9 =	vadd.f32 v38, v2  }
0x225: {  	v30 =	vld [tilespmem:s18+$0x3270];
	[tilespmem:s15+$0x18270] =	vst v8;
	v20 =	vadd.f32 v1, v61  }
0x226: {  	v32 =	vld [tilespmem:s18+$0x4A70];
	[tilespmem:s15+$0x1B270] =	vst v9;
	v22 =	vadd.f32 v63, v1  }
0x227: {  	v42 =	vld [tilespmem:s16+$0xF270];
	v24 =	vadd.f32 v12, v1;
	[tilespmem:s22+$0x18260] =	vst v20;
	v4 =	vadd.f32 v15, v4  }
0x228: {  	v43 =	vld [tilespmem:s16+$0xC2F0];
	v1 =	vadd.f32 v17, v1;
	[tilespmem:s22+$0x1B260] =	vst v22  }
0x229: {  	v45 =	vld [tilespmem:s16+$0xF2F0];
	[tilespmem:s22+$0x182E0] =	vst v24;
	v27 =	vadd.f32 v4, v19  }
0x22a: {  	v46 =	vld [tilespmem:s22+$0xC270];
	[tilespmem:s22+$0x1B2E0] =	vst v1;
	v29 =	vadd.f32 v21, v4  }
0x22b: {  	v34 =	vld [tilespmem:s23+$0x3270];
	v31 =	vadd.f32 v23, v4;
	[tilespmem:s25+$0x18260] =	vst v27  }
0x22c: {  	v35 =	vld [tilespmem:s23+$0x4A70];
	v33 =	vadd.f32 v25, v4;
	[tilespmem:s25+$0x1B260] =	vst v29  }
0x22d: {  	v44 =	vadd.f32 v39, v2;
	v5 =	vadd.f32 v32, v30;
	v48 =	vld [tilespmem:s22+$0xF270];
	[tilespmem:s25+$0x182E0] =	vst v31  }
0x22e: {  	v2 =	vadd.f32 v40, v2;
	v50 =	vld [tilespmem:s22+$0xC2F0];
	[tilespmem:s25+$0x1B2E0] =	vst v33  }
0x22f: {  	[tilespmem:s15+$0x182F0] =	vst v44;
	v47 =	vadd.f32 v5, v41;
	v1 =	vld [tilespmem:s31+$0x3270]  }
0x230: {  	[tilespmem:s15+$0x1B2F0] =	vst v2;
	v49 =	vadd.f32 v42, v5;
	v36 =	vld [tilespmem:s31+$0x4A70]  }
0x231: {  	v52 =	vld [tilespmem:s22+$0xF2F0];
	v51 =	vadd.f32 v43, v5;
	[tilespmem:s16+$0x18270] =	vst v47;
	v0 =	vadd.f32 v35, v34  }
0x232: {  	v54 =	vld [tilespmem:s25+$0xC270];
	v53 =	vadd.f32 v45, v5;
	[tilespmem:s16+$0x1B270] =	vst v49  }
0x233: {  	v55 =	vld [tilespmem:s25+$0xF270];
	[tilespmem:s16+$0x182F0] =	vst v51;
	v3 =	vadd.f32 v0, v46  }
0x234: {  	[tilespmem:s16+$0x1B2F0] =	vst v53;
	v57 =	vld [tilespmem:s25+$0xC2F0];
	v56 =	vadd.f32 v48, v0  }
0x235: {  	v59 =	vld [tilespmem:s25+$0xF2F0];
	v58 =	vadd.f32 v50, v0;
	[tilespmem:s22+$0x18270] =	vst v3;
	v1 =	vadd.f32 v36, v1  }
0x236: {  	v0 =	vadd.f32 v52, v0;
	[tilespmem:s22+$0x1B270] =	vst v56  }
0x237: {  	p1 =	slt.u32 s5, $0x2C;
	[tilespmem:s22+$0x182F0] =	vst v58;
	v60 =	vadd.f32 v1, v54  }
.Ltmp8:
0x238: {  	[tilespmem:s22+$0x1B2F0] =	vst v0;
	v61 =	vadd.f32 v55, v1;
	(pc) =	sbr.rel @p1 .LBB2_10-.Ltmp8, $4  }
0x239: {  	v62 =	vadd.f32 v57, v1;
	[tilespmem:s25+$0x18270] =	vst v60  }
0x23a: {  	v63 =	vadd.f32 v59, v1;
	[tilespmem:s25+$0x1B270] =	vst v61  }
0x23b: {  	s31 =	sadd.s32 $0x4, s5;
	[tilespmem:s25+$0x182F0] =	vst v62  }
0x23c: {  	s5 =	smov.u32 s31;
	[tilespmem:s25+$0x1B2F0] =	vst v63  }
0x23d: {  	s5 =	smul.u32 $0x30, s14;
	_ =	sdelay $0x1  }
0x23e: {  	s5 =	smin.u32 s5, $0xC320  }
.Ltmp9:
0x23f: {  	s5 =	sshll.u32 s5, $0x5;
	(pc) =	sbr.rel .LBB2_12-.Ltmp9, $4  }
0x240: {  	s10 =	sadd.s32 s7, s5  }
0x241: {  	[hbm4b:s10+s9] =	stream.linear.scatter [tilespmem:s29], [sflag:$0x6], $0x3000, $0x38;
	[tilespmem:$0x1E200] =	vst v63  }
0x242: {  	s5 =	sadd.s32 s5, s21  }
0x243: {  	[hbm4b:s5+s9] =	stream.linear.scatter [tilespmem:s24], [sflag:$0x6], $0x3000, $0x38;
	[tilespmem:$0x1E200] =	vst v63  }
.LBB2_14:
0x244: {  	_ =	sfence.sel $0x180000  }
0x245: {  	[bflag:$0x0] =	sbarrier.arrive $0xFFFF  }
0x246: {  	_ =	strace $0x90000047  }
0x247: {  	s0 =	stileid.u32;
	[bflag:$0x2] =	sbarrier.arrive $0xFFFF  }
0x248: {  	p0 =	sne.s32 s0, $0x0;
	s0 =	rddreg [dreg:$0x6]  }
0x249: {  	s0 =	sadd.s32 @!p0 $0x100000, s0  }
0x24a: {  	[sflag:s0] =	ssyncadd.tile.s32 @!p0 $0x1;
	_ =	shalt  }
.Lfunc_end2:
_tile_overlayer_lowered:
.L_overlay_start_2:
0x24b: {  	(tag) =	ssettag $0x2  }
0x24c: {  	s0 =	rddreg [dreg:$0x0];
	s2 =	stileid.u32  }
0x24d: {  	s1 =	rddreg [dreg:$0x1];
	p0 =	sne.s32 s2, $0x0  }
0x24e: {  	s3 =	rddreg [dreg:$0x2];
	[bflag:$0x3] =	sbarrier.arrive $0xFFFF;
	s2 =	simm.s32 @!p0 $0x1C07  }
0x24f: {  	[timem:s3], [sflag:s2] =	dma.local @!p0 [hbm:s0], s1  }
0x250: {  	s0 =	simm.s32 @!p0 $0x7  }
0x251: {  	_ =	swait.ge @!p0 [sflag:s0], s1  }
0x252: {  	s1 =	ssub.s32 @!p0 $0x0, s1;
	[sflag:s0] =	ssyncset.done @!p0 $0x0  }
0x253: {  	[sflag:s0] =	ssyncadd.s32 @!p0 s1  }
0x254: {  	[bflag:$0x3] =	sbarrier.arrive $0xFFFF  }
0x255: {  	_ =	shalt  }

</sc_bundles>
